<compile_context>
chip_gen: v7x
topology: tpu7x:2x2x1
jax: 0.10.2.dev20260603
libtpu: 0.0.44.dev20260713+nightly
codegen_flags: <defaults>
</compile_context>

<pallas_src>
import functools

import jax
import jax.numpy as jnp
from jax import lax
from jax.experimental import pallas as pl
from jax.experimental.pallas import tpu as pltpu
from jax.experimental.pallas import tpu_sc as plsc

N, C, D = 10000, 32, 128
NW = 32
NS = 16
CH = 8
RPC = CH * C
NSTREAM = RPC // 128

CPW = 8
N_SC = NW * CPW * CH
NCHUNK = N_SC // CH
NQUAD = CPW // 4
LAST_BASE = NCHUNK - CPW
TC_B = 400
TC_BLK0 = N_SC // TC_B
TC_NBLK = N // TC_B - TC_BLK0


def _sc_body(in_hbm, out_hbm, buf0, buf1, idxs, zbuf,
             acc_sh, sin0, sin1, sadd, sout0, sout1, sout2, sout3,
             sz0, sz1, sz2, sz3):
    sid = lax.axis_index("s")
    wid = sid * 2 + lax.axis_index("c")
    base = jnp.minimum(wid * CPW, LAST_BASE)

    bufs = (buf0, buf1)
    sins = (sin0, sin1)
    souts = (sout0, sout1, sout2, sout3)
    szs = (sz0, sz1, sz2, sz3)

    acc_bases = tuple((sid * 4 + q) * CH for q in range(4))
    for q in range(4):
        for h in range(NSTREAM):
            for k in range(128 // 16):
                j = h * 128 + k * 16 + lax.iota(jnp.int32, 16)
                idxs[q, h, pl.ds(k * 16, 16)] = (
                    acc_bases[q] + lax.shift_right_logical(j, 5))

    zeros = jnp.zeros((16,), jnp.float32)
    for r in range(CH):
        for k in range(D // 16):
            zbuf[r, pl.ds(k * 16, 16)] = zeros

    def acc_rows(q):
        return acc_sh.at[pl.ds(acc_bases[q], CH)]

    def fire_in(k, t):
        pltpu.async_copy(in_hbm.at[pl.ds((base + k) * RPC, RPC)],
                         bufs[t % 2], sins[t % 2])

    def wait_in(t):
        pltpu.make_async_copy(
            in_hbm.at[pl.ds(0, RPC)], bufs[t % 2], sins[t % 2]).wait()

    def fire_out(k, t):
        pltpu.async_copy(acc_rows(t % 4),
                         out_hbm.at[pl.ds((base + k) * CH, CH)], souts[t % 4])

    def wait_out(t):
        pltpu.make_async_copy(
            acc_rows(t % 4), out_hbm.at[pl.ds(0, CH)], souts[t % 4]).wait()

    def fire_zero(t):
        pltpu.async_copy(zbuf, acc_rows(t % 4), szs[t % 4])

    def wait_zero(t):
        pltpu.make_async_copy(zbuf, acc_rows(t % 4), szs[t % 4]).wait()

    def fire_add(t):
        for h in range(NSTREAM):
            pltpu.async_copy(bufs[t % 2].at[pl.ds(h * 128, 128)],
                             acc_sh.at[idxs.at[t % 4, h]], sadd, add=True)

    def wait_add():
        for h in range(NSTREAM):
            pltpu.make_async_copy(bufs[0].at[pl.ds(h * 128, 128)],
                                  acc_sh.at[idxs.at[0, h]], sadd).wait()

    fire_in(0, 0)
    fire_in(1, 1)
    for q in range(4):
        fire_zero(q)

    def quad(m, carry):
        for t in range(4):
            k = 4 * m + t

            @pl.when(k >= 1)
            def _():
                wait_add()

            @pl.when(jnp.logical_and(k >= 1, k <= CPW - 2))
            def _():
                fire_in(k + 1, t + 1)

            wait_in(t)

            @pl.when(k >= 3)
            def _():
                wait_out(t + 1)

            @pl.when(jnp.logical_and(k >= 3, k <= CPW - 2))
            def _():
                fire_zero(t + 1)

            wait_zero(t)

            fire_add(t)

            @pl.when(k >= 2)
            def _():
                fire_out(k - 2, t + 2)

        return carry

    lax.fori_loop(0, NQUAD, quad, 0)

    wait_add()
    pl.delay(2000)
    fire_out(CPW - 2, CPW - 2)
    fire_out(CPW - 1, CPW - 1)
    wait_out(CPW - 3)
    wait_out(CPW - 2)
    wait_out(CPW - 1)


def _tc_body(x_ref, o_ref):
    x = x_ref[...]
    s = C // 2
    while s >= 1:
        x = x[:, :s, :] + x[:, s:, :]
        s //= 2
    o_ref[...] = x[:, 0, :]


@jax.jit
def _sum_children(neighbour_states):
    flat = neighbour_states.reshape(N * C, D)
    mesh = plsc.VectorSubcoreMesh(core_axis_name="c", subcore_axis_name="s")
    kern = functools.partial(
        pl.kernel,
        out_type=jax.ShapeDtypeStruct((N_SC, D), jnp.float32),
        mesh=mesh,
        scratch_types=[
            pltpu.VMEM((RPC, D), jnp.float32),
            pltpu.VMEM((RPC, D), jnp.float32),
            pltpu.VMEM((4, NSTREAM, 128), jnp.int32),
            pltpu.VMEM((CH, D), jnp.float32),
            pltpu.VMEM_SHARED((NS * 4 * CH, D), jnp.float32),
            pltpu.SemaphoreType.DMA,
            pltpu.SemaphoreType.DMA,
            pltpu.SemaphoreType.DMA,
            pltpu.SemaphoreType.DMA,
            pltpu.SemaphoreType.DMA,
            pltpu.SemaphoreType.DMA,
            pltpu.SemaphoreType.DMA,
            pltpu.SemaphoreType.DMA,
            pltpu.SemaphoreType.DMA,
            pltpu.SemaphoreType.DMA,
            pltpu.SemaphoreType.DMA,
        ],
    )(_sc_body)
    sc_out = kern(flat)

    tc_out = pl.pallas_call(
        _tc_body,
        grid=(TC_NBLK,),
        in_specs=[pl.BlockSpec((TC_B, C, D), lambda i: (TC_BLK0 + i, 0, 0))],
        out_specs=pl.BlockSpec((TC_B, D), lambda i: (TC_BLK0 + i, 0)),
        out_shape=jax.ShapeDtypeStruct((N, D), jnp.float32),
    )(neighbour_states)

    return lax.dynamic_update_slice(tc_out, sc_out, (0, 0))


def kernel(neighbour_states):
    return _sum_children(neighbour_states)

# --- scband reference (transcript-rebuilt; emitter-appended) ---
"""Pipeline reference for scband-sum-child-aggregator-8942121910653 (READ-ONLY COPY).

The authoritative reference and input builder live on the scoring server;
editing this copy changes nothing except your own understanding.
"""

import jax, jax.numpy as jnp
import numpy as np


def setup_inputs(seed: int = 0) -> dict:
    key = jax.random.key(seed)
    neighbour_states = jax.random.normal(key, (10000, 32, 128), dtype=jnp.float32)
    return {"neighbour_states": neighbour_states}


def reference(neighbour_states):
    # Faithful translation of SumChildAggregator.forward: th.sum(neighbour_states, 1)
    return jnp.sum(neighbour_states, axis=1)

if __name__ == "__main__":
    import jax
    _d = setup_inputs()
    print(jax.jit(kernel)(*tuple(_d.values())))

</pallas_src>

<mosaic_0001>
#map = affine_map<(d0, d1) -> (0, 0)>
module attributes {stable_mosaic.version = 14 : i64} {
  func.func @_sc_body(%arg0: i32, %arg1: i32, %arg2: memref<320000x128xf32, #tpu.memory_space<hbm>>, %arg3: memref<2048x128xf32, #tpu.memory_space<hbm>>, %arg4: memref<256x128xf32, #tpu.memory_space<vmem>>, %arg5: memref<256x128xf32, #tpu.memory_space<vmem>>, %arg6: memref<4x2x128xi32, #tpu.memory_space<vmem>>, %arg7: memref<8x128xf32, #tpu.memory_space<vmem>>, %arg8: memref<512x128xf32, #tpu.memory_space<vmem_shared>>, %arg9: memref<!tpu.dma_semaphore, #tpu.memory_space<semaphore_mem>>, %arg10: memref<!tpu.dma_semaphore, #tpu.memory_space<semaphore_mem>>, %arg11: memref<!tpu.dma_semaphore, #tpu.memory_space<semaphore_mem>>, %arg12: memref<!tpu.dma_semaphore, #tpu.memory_space<semaphore_mem>>, %arg13: memref<!tpu.dma_semaphore, #tpu.memory_space<semaphore_mem>>, %arg14: memref<!tpu.dma_semaphore, #tpu.memory_space<semaphore_mem>>, %arg15: memref<!tpu.dma_semaphore, #tpu.memory_space<semaphore_mem>>, %arg16: memref<!tpu.dma_semaphore, #tpu.memory_space<semaphore_mem>>, %arg17: memref<!tpu.dma_semaphore, #tpu.memory_space<semaphore_mem>>, %arg18: memref<!tpu.dma_semaphore, #tpu.memory_space<semaphore_mem>>, %arg19: memref<!tpu.dma_semaphore, #tpu.memory_space<semaphore_mem>>) attributes {dimension_semantics = [#tpu.dimension_semantics<core_parallel>, #tpu.dimension_semantics<subcore_parallel>], iteration_bounds = array<i64: 2, 16>, scalar_prefetch = 0 : i64, scratch_operands = 16 : i64, tpu.core_type = #tpu.core_type<sc_vector_subcore>, window_params = [{transform_indices = #map}, {transform_indices = #map}]} {
    %mul3A = arith.constant 2 : i32
    %mul3A_0 = arith.muli %arg1, %mul3A : i32
    %add3A = arith.addi %mul3A_0, %arg0 : i32
    %mul3A_1 = arith.constant 8 : i32
    %mul3A_2 = arith.muli %add3A, %mul3A_1 : i32
    %min3A = arith.constant 248 : i32
    %min3A_3 = arith.minsi %mul3A_2, %min3A : i32
    %mul3A_4 = arith.constant 4 : i32
    %mul3A_5 = arith.muli %arg1, %mul3A_4 : i32
    %add3A_6 = arith.constant 0 : i32
    %add3A_7 = arith.addi %mul3A_5, %add3A_6 : i32
    %mul3A_8 = arith.constant 8 : i32
    %mul3A_9 = arith.muli %add3A_7, %mul3A_8 : i32
    %mul3A_10 = arith.constant 4 : i32
    %mul3A_11 = arith.muli %arg1, %mul3A_10 : i32
    %add3A_12 = arith.constant 1 : i32
    %add3A_13 = arith.addi %mul3A_11, %add3A_12 : i32
    %mul3A_14 = arith.constant 8 : i32
    %mul3A_15 = arith.muli %add3A_13, %mul3A_14 : i32
    %mul3A_16 = arith.constant 4 : i32
    %mul3A_17 = arith.muli %arg1, %mul3A_16 : i32
    %add3A_18 = arith.constant 2 : i32
    %add3A_19 = arith.addi %mul3A_17, %add3A_18 : i32
    %mul3A_20 = arith.constant 8 : i32
    %mul3A_21 = arith.muli %add3A_19, %mul3A_20 : i32
    %mul3A_22 = arith.constant 4 : i32
    %mul3A_23 = arith.muli %arg1, %mul3A_22 : i32
    %add3A_24 = arith.constant 3 : i32
    %add3A_25 = arith.addi %mul3A_23, %add3A_24 : i32
    %mul3A_26 = arith.constant 8 : i32
    %mul3A_27 = arith.muli %add3A_25, %mul3A_26 : i32
    %iota3A = tpu.iota {dimensions = array<i32: 0>} : vector<16xi32>
    %add3A_28 = arith.constant 0 : i32
    %add3A_29 = vector.broadcast %add3A_28 : i32 to vector<16xi32>
    %add3A_30 = arith.addi %add3A_29, %iota3A : vector<16xi32>
    %shift_right_logical3A = arith.constant 5 : i32
    %shift_right_logical3A_31 = vector.broadcast %shift_right_logical3A : i32 to vector<16xi32>
    %shift_right_logical3A_32 = arith.shrui %add3A_30, %shift_right_logical3A_31 : vector<16xi32>
    %add3A_33 = vector.broadcast %mul3A_9 : i32 to vector<16xi32>
    %add3A_34 = arith.addi %add3A_33, %shift_right_logical3A_32 : vector<16xi32>
    %swap3A = arith.constant 0 : i32
    %swap3A_35 = arith.constant 0 : i32
    %swap3A_36 = arith.index_cast %swap3A : i32 to index
    %swap3A_37 = arith.index_cast %swap3A_35 : i32 to index
    %swap3A_38 = arith.constant 0 : index
    %swap3A_39 = tpu.vector_load %arg6[%swap3A_36, %swap3A_37, %swap3A_38] {strides = array<i32>} : memref<4x2x128xi32, #tpu.memory_space<vmem>>, vector<1x1x16xi32>,
    %swap3A_40 = vector.shape_cast %swap3A_39 : vector<1x1x16xi32> to vector<16xi32>
    %swap3A_41 = vector.shape_cast %add3A_34 : vector<16xi32> to vector<1x1x16xi32>
    tpu.vector_store %arg6[%swap3A_36, %swap3A_37, %swap3A_38], %swap3A_41 {strides = array<i32>} : memref<4x2x128xi32, #tpu.memory_space<vmem>>, vector<1x1x16xi32>,
    %iota3A_42 = tpu.iota {dimensions = array<i32: 0>} : vector<16xi32>
    %add3A_43 = arith.constant 16 : i32
    %add3A_44 = vector.broadcast %add3A_43 : i32 to vector<16xi32>
    %add3A_45 = arith.addi %add3A_44, %iota3A_42 : vector<16xi32>
    %shift_right_logical3A_46 = arith.constant 5 : i32
    %shift_right_logical3A_47 = vector.broadcast %shift_right_logical3A_46 : i32 to vector<16xi32>
    %shift_right_logical3A_48 = arith.shrui %add3A_45, %shift_right_logical3A_47 : vector<16xi32>
    %add3A_49 = vector.broadcast %mul3A_9 : i32 to vector<16xi32>
    %add3A_50 = arith.addi %add3A_49, %shift_right_logical3A_48 : vector<16xi32>
    %swap3A_51 = arith.constant 0 : i32
    %swap3A_52 = arith.constant 0 : i32
    %swap3A_53 = arith.index_cast %swap3A_51 : i32 to index
    %swap3A_54 = arith.index_cast %swap3A_52 : i32 to index
    %swap3A_55 = arith.constant 16 : index
    %swap3A_56 = tpu.vector_load %arg6[%swap3A_53, %swap3A_54, %swap3A_55] {strides = array<i32>} : memref<4x2x128xi32, #tpu.memory_space<vmem>>, vector<1x1x16xi32>,
    %swap3A_57 = vector.shape_cast %swap3A_56 : vector<1x1x16xi32> to vector<16xi32>
    %swap3A_58 = vector.shape_cast %add3A_50 : vector<16xi32> to vector<1x1x16xi32>
    tpu.vector_store %arg6[%swap3A_53, %swap3A_54, %swap3A_55], %swap3A_58 {strides = array<i32>} : memref<4x2x128xi32, #tpu.memory_space<vmem>>, vector<1x1x16xi32>,
    %iota3A_59 = tpu.iota {dimensions = array<i32: 0>} : vector<16xi32>
    %add3A_60 = arith.constant 32 : i32
    %add3A_61 = vector.broadcast %add3A_60 : i32 to vector<16xi32>
    %add3A_62 = arith.addi %add3A_61, %iota3A_59 : vector<16xi32>
    %shift_right_logical3A_63 = arith.constant 5 : i32
    %shift_right_logical3A_64 = vector.broadcast %shift_right_logical3A_63 : i32 to vector<16xi32>
    %shift_right_logical3A_65 = arith.shrui %add3A_62, %shift_right_logical3A_64 : vector<16xi32>
    %add3A_66 = vector.broadcast %mul3A_9 : i32 to vector<16xi32>
    %add3A_67 = arith.addi %add3A_66, %shift_right_logical3A_65 : vector<16xi32>
    %swap3A_68 = arith.constant 0 : i32
    %swap3A_69 = arith.constant 0 : i32
    %swap3A_70 = arith.index_cast %swap3A_68 : i32 to index
    %swap3A_71 = arith.index_cast %swap3A_69 : i32 to index
    %swap3A_72 = arith.constant 32 : index
    %swap3A_73 = tpu.vector_load %arg6[%swap3A_70, %swap3A_71, %swap3A_72] {strides = array<i32>} : memref<4x2x128xi32, #tpu.memory_space<vmem>>, vector<1x1x16xi32>,
    %swap3A_74 = vector.shape_cast %swap3A_73 : vector<1x1x16xi32> to vector<16xi32>
    %swap3A_75 = vector.shape_cast %add3A_67 : vector<16xi32> to vector<1x1x16xi32>
    tpu.vector_store %arg6[%swap3A_70, %swap3A_71, %swap3A_72], %swap3A_75 {strides = array<i32>} : memref<4x2x128xi32, #tpu.memory_space<vmem>>, vector<1x1x16xi32>,
    %iota3A_76 = tpu.iota {dimensions = array<i32: 0>} : vector<16xi32>
    %add3A_77 = arith.constant 48 : i32
    %add3A_78 = vector.broadcast %add3A_77 : i32 to vector<16xi32>
    %add3A_79 = arith.addi %add3A_78, %iota3A_76 : vector<16xi32>
    %shift_right_logical3A_80 = arith.constant 5 : i32
    %shift_right_logical3A_81 = vector.broadcast %shift_right_logical3A_80 : i32 to vector<16xi32>
    %shift_right_logical3A_82 = arith.shrui %add3A_79, %shift_right_logical3A_81 : vector<16xi32>
    %add3A_83 = vector.broadcast %mul3A_9 : i32 to vector<16xi32>
    %add3A_84 = arith.addi %add3A_83, %shift_right_logical3A_82 : vector<16xi32>
    %swap3A_85 = arith.constant 0 : i32
    %swap3A_86 = arith.constant 0 : i32
    %swap3A_87 = arith.index_cast %swap3A_85 : i32 to index
    %swap3A_88 = arith.index_cast %swap3A_86 : i32 to index
    %swap3A_89 = arith.constant 48 : index
    %swap3A_90 = tpu.vector_load %arg6[%swap3A_87, %swap3A_88, %swap3A_89] {strides = array<i32>} : memref<4x2x128xi32, #tpu.memory_space<vmem>>, vector<1x1x16xi32>,
    %swap3A_91 = vector.shape_cast %swap3A_90 : vector<1x1x16xi32> to vector<16xi32>
    %swap3A_92 = vector.shape_cast %add3A_84 : vector<16xi32> to vector<1x1x16xi32>
    tpu.vector_store %arg6[%swap3A_87, %swap3A_88, %swap3A_89], %swap3A_92 {strides = array<i32>} : memref<4x2x128xi32, #tpu.memory_space<vmem>>, vector<1x1x16xi32>,
    %iota3A_93 = tpu.iota {dimensions = array<i32: 0>} : vector<16xi32>
    %add3A_94 = arith.constant 64 : i32
    %add3A_95 = vector.broadcast %add3A_94 : i32 to vector<16xi32>
    %add3A_96 = arith.addi %add3A_95, %iota3A_93 : vector<16xi32>
    %shift_right_logical3A_97 = arith.constant 5 : i32
    %shift_right_logical3A_98 = vector.broadcast %shift_right_logical3A_97 : i32 to vector<16xi32>
    %shift_right_logical3A_99 = arith.shrui %add3A_96, %shift_right_logical3A_98 : vector<16xi32>
    %add3A_100 = vector.broadcast %mul3A_9 : i32 to vector<16xi32>
    %add3A_101 = arith.addi %add3A_100, %shift_right_logical3A_99 : vector<16xi32>
    %swap3A_102 = arith.constant 0 : i32
    %swap3A_103 = arith.constant 0 : i32
    %swap3A_104 = arith.index_cast %swap3A_102 : i32 to index
    %swap3A_105 = arith.index_cast %swap3A_103 : i32 to index
    %swap3A_106 = arith.constant 64 : index
    %swap3A_107 = tpu.vector_load %arg6[%swap3A_104, %swap3A_105, %swap3A_106] {strides = array<i32>} : memref<4x2x128xi32, #tpu.memory_space<vmem>>, vector<1x1x16xi32>,
    %swap3A_108 = vector.shape_cast %swap3A_107 : vector<1x1x16xi32> to vector<16xi32>
    %swap3A_109 = vector.shape_cast %add3A_101 : vector<16xi32> to vector<1x1x16xi32>
    tpu.vector_store %arg6[%swap3A_104, %swap3A_105, %swap3A_106], %swap3A_109 {strides = array<i32>} : memref<4x2x128xi32, #tpu.memory_space<vmem>>, vector<1x1x16xi32>,
    %iota3A_110 = tpu.iota {dimensions = array<i32: 0>} : vector<16xi32>
    %add3A_111 = arith.constant 80 : i32
    %add3A_112 = vector.broadcast %add3A_111 : i32 to vector<16xi32>
    %add3A_113 = arith.addi %add3A_112, %iota3A_110 : vector<16xi32>
    %shift_right_logical3A_114 = arith.constant 5 : i32
    %shift_right_logical3A_115 = vector.broadcast %shift_right_logical3A_114 : i32 to vector<16xi32>
    %shift_right_logical3A_116 = arith.shrui %add3A_113, %shift_right_logical3A_115 : vector<16xi32>
    %add3A_117 = vector.broadcast %mul3A_9 : i32 to vector<16xi32>
    %add3A_118 = arith.addi %add3A_117, %shift_right_logical3A_116 : vector<16xi32>
    %swap3A_119 = arith.constant 0 : i32
    %swap3A_120 = arith.constant 0 : i32
    %swap3A_121 = arith.index_cast %swap3A_119 : i32 to index
    %swap3A_122 = arith.index_cast %swap3A_120 : i32 to index
    %swap3A_123 = arith.constant 80 : index
    %swap3A_124 = tpu.vector_load %arg6[%swap3A_121, %swap3A_122, %swap3A_123] {strides = array<i32>} : memref<4x2x128xi32, #tpu.memory_space<vmem>>, vector<1x1x16xi32>,
    %swap3A_125 = vector.shape_cast %swap3A_124 : vector<1x1x16xi32> to vector<16xi32>
    %swap3A_126 = vector.shape_cast %add3A_118 : vector<16xi32> to vector<1x1x16xi32>
    tpu.vector_store %arg6[%swap3A_121, %swap3A_122, %swap3A_123], %swap3A_126 {strides = array<i32>} : memref<4x2x128xi32, #tpu.memory_space<vmem>>, vector<1x1x16xi32>,
    %iota3A_127 = tpu.iota {dimensions = array<i32: 0>} : vector<16xi32>
    %add3A_128 = arith.constant 96 : i32
    %add3A_129 = vector.broadcast %add3A_128 : i32 to vector<16xi32>
    %add3A_130 = arith.addi %add3A_129, %iota3A_127 : vector<16xi32>
    %shift_right_logical3A_131 = arith.constant 5 : i32
    %shift_right_logical3A_132 = vector.broadcast %shift_right_logical3A_131 : i32 to vector<16xi32>
    %shift_right_logical3A_133 = arith.shrui %add3A_130, %shift_right_logical3A_132 : vector<16xi32>
    %add3A_134 = vector.broadcast %mul3A_9 : i32 to vector<16xi32>
    %add3A_135 = arith.addi %add3A_134, %shift_right_logical3A_133 : vector<16xi32>
    %swap3A_136 = arith.constant 0 : i32
    %swap3A_137 = arith.constant 0 : i32
    %swap3A_138 = arith.index_cast %swap3A_136 : i32 to index
    %swap3A_139 = arith.index_cast %swap3A_137 : i32 to index
    %swap3A_140 = arith.constant 96 : index
    %swap3A_141 = tpu.vector_load %arg6[%swap3A_138, %swap3A_139, %swap3A_140] {strides = array<i32>} : memref<4x2x128xi32, #tpu.memory_space<vmem>>, vector<1x1x16xi32>,
    %swap3A_142 = vector.shape_cast %swap3A_141 : vector<1x1x16xi32> to vector<16xi32>
    %swap3A_143 = vector.shape_cast %add3A_135 : vector<16xi32> to vector<1x1x16xi32>
    tpu.vector_store %arg6[%swap3A_138, %swap3A_139, %swap3A_140], %swap3A_143 {strides = array<i32>} : memref<4x2x128xi32, #tpu.memory_space<vmem>>, vector<1x1x16xi32>,
    %iota3A_144 = tpu.iota {dimensions = array<i32: 0>} : vector<16xi32>
    %add3A_145 = arith.constant 112 : i32
    %add3A_146 = vector.broadcast %add3A_145 : i32 to vector<16xi32>
    %add3A_147 = arith.addi %add3A_146, %iota3A_144 : vector<16xi32>
    %shift_right_logical3A_148 = arith.constant 5 : i32
    %shift_right_logical3A_149 = vector.broadcast %shift_right_logical3A_148 : i32 to vector<16xi32>
    %shift_right_logical3A_150 = arith.shrui %add3A_147, %shift_right_logical3A_149 : vector<16xi32>
    %add3A_151 = vector.broadcast %mul3A_9 : i32 to vector<16xi32>
    %add3A_152 = arith.addi %add3A_151, %shift_right_logical3A_150 : vector<16xi32>
    %swap3A_153 = arith.constant 0 : i32
    %swap3A_154 = arith.constant 0 : i32
    %swap3A_155 = arith.index_cast %swap3A_153 : i32 to index
    %swap3A_156 = arith.index_cast %swap3A_154 : i32 to index
    %swap3A_157 = arith.constant 112 : index
    %swap3A_158 = tpu.vector_load %arg6[%swap3A_155, %swap3A_156, %swap3A_157] {strides = array<i32>} : memref<4x2x128xi32, #tpu.memory_space<vmem>>, vector<1x1x16xi32>,
    %swap3A_159 = vector.shape_cast %swap3A_158 : vector<1x1x16xi32> to vector<16xi32>
    %swap3A_160 = vector.shape_cast %add3A_152 : vector<16xi32> to vector<1x1x16xi32>
    tpu.vector_store %arg6[%swap3A_155, %swap3A_156, %swap3A_157], %swap3A_160 {strides = array<i32>} : memref<4x2x128xi32, #tpu.memory_space<vmem>>, vector<1x1x16xi32>,
    %iota3A_161 = tpu.iota {dimensions = array<i32: 0>} : vector<16xi32>
    %add3A_162 = arith.constant 128 : i32
    %add3A_163 = vector.broadcast %add3A_162 : i32 to vector<16xi32>
    %add3A_164 = arith.addi %add3A_163, %iota3A_161 : vector<16xi32>
    %shift_right_logical3A_165 = arith.constant 5 : i32
    %shift_right_logical3A_166 = vector.broadcast %shift_right_logical3A_165 : i32 to vector<16xi32>
    %shift_right_logical3A_167 = arith.shrui %add3A_164, %shift_right_logical3A_166 : vector<16xi32>
    %add3A_168 = vector.broadcast %mul3A_9 : i32 to vector<16xi32>
    %add3A_169 = arith.addi %add3A_168, %shift_right_logical3A_167 : vector<16xi32>
    %swap3A_170 = arith.constant 0 : i32
    %swap3A_171 = arith.constant 1 : i32
    %swap3A_172 = arith.index_cast %swap3A_170 : i32 to index
    %swap3A_173 = arith.index_cast %swap3A_171 : i32 to index
    %swap3A_174 = arith.constant 0 : index
    %swap3A_175 = tpu.vector_load %arg6[%swap3A_172, %swap3A_173, %swap3A_174] {strides = array<i32>} : memref<4x2x128xi32, #tpu.memory_space<vmem>>, vector<1x1x16xi32>,
    %swap3A_176 = vector.shape_cast %swap3A_175 : vector<1x1x16xi32> to vector<16xi32>
    %swap3A_177 = vector.shape_cast %add3A_169 : vector<16xi32> to vector<1x1x16xi32>
    tpu.vector_store %arg6[%swap3A_172, %swap3A_173, %swap3A_174], %swap3A_177 {strides = array<i32>} : memref<4x2x128xi32, #tpu.memory_space<vmem>>, vector<1x1x16xi32>,
    %iota3A_178 = tpu.iota {dimensions = array<i32: 0>} : vector<16xi32>
    %add3A_179 = arith.constant 144 : i32
    %add3A_180 = vector.broadcast %add3A_179 : i32 to vector<16xi32>
    %add3A_181 = arith.addi %add3A_180, %iota3A_178 : vector<16xi32>
    %shift_right_logical3A_182 = arith.constant 5 : i32
    %shift_right_logical3A_183 = vector.broadcast %shift_right_logical3A_182 : i32 to vector<16xi32>
    %shift_right_logical3A_184 = arith.shrui %add3A_181, %shift_right_logical3A_183 : vector<16xi32>
    %add3A_185 = vector.broadcast %mul3A_9 : i32 to vector<16xi32>
    %add3A_186 = arith.addi %add3A_185, %shift_right_logical3A_184 : vector<16xi32>
    %swap3A_187 = arith.constant 0 : i32
    %swap3A_188 = arith.constant 1 : i32
    %swap3A_189 = arith.index_cast %swap3A_187 : i32 to index
    %swap3A_190 = arith.index_cast %swap3A_188 : i32 to index
    %swap3A_191 = arith.constant 16 : index
    %swap3A_192 = tpu.vector_load %arg6[%swap3A_189, %swap3A_190, %swap3A_191] {strides = array<i32>} : memref<4x2x128xi32, #tpu.memory_space<vmem>>, vector<1x1x16xi32>,
    %swap3A_193 = vector.shape_cast %swap3A_192 : vector<1x1x16xi32> to vector<16xi32>
    %swap3A_194 = vector.shape_cast %add3A_186 : vector<16xi32> to vector<1x1x16xi32>
    tpu.vector_store %arg6[%swap3A_189, %swap3A_190, %swap3A_191], %swap3A_194 {strides = array<i32>} : memref<4x2x128xi32, #tpu.memory_space<vmem>>, vector<1x1x16xi32>,
    %iota3A_195 = tpu.iota {dimensions = array<i32: 0>} : vector<16xi32>
    %add3A_196 = arith.constant 160 : i32
    %add3A_197 = vector.broadcast %add3A_196 : i32 to vector<16xi32>
    %add3A_198 = arith.addi %add3A_197, %iota3A_195 : vector<16xi32>
    %shift_right_logical3A_199 = arith.constant 5 : i32
    %shift_right_logical3A_200 = vector.broadcast %shift_right_logical3A_199 : i32 to vector<16xi32>
    %shift_right_logical3A_201 = arith.shrui %add3A_198, %shift_right_logical3A_200 : vector<16xi32>
    %add3A_202 = vector.broadcast %mul3A_9 : i32 to vector<16xi32>
    %add3A_203 = arith.addi %add3A_202, %shift_right_logical3A_201 : vector<16xi32>
    %swap3A_204 = arith.constant 0 : i32
    %swap3A_205 = arith.constant 1 : i32
    %swap3A_206 = arith.index_cast %swap3A_204 : i32 to index
    %swap3A_207 = arith.index_cast %swap3A_205 : i32 to index
    %swap3A_208 = arith.constant 32 : index
    %swap3A_209 = tpu.vector_load %arg6[%swap3A_206, %swap3A_207, %swap3A_208] {strides = array<i32>} : memref<4x2x128xi32, #tpu.memory_space<vmem>>, vector<1x1x16xi32>,
    %swap3A_210 = vector.shape_cast %swap3A_209 : vector<1x1x16xi32> to vector<16xi32>
    %swap3A_211 = vector.shape_cast %add3A_203 : vector<16xi32> to vector<1x1x16xi32>
    tpu.vector_store %arg6[%swap3A_206, %swap3A_207, %swap3A_208], %swap3A_211 {strides = array<i32>} : memref<4x2x128xi32, #tpu.memory_space<vmem>>, vector<1x1x16xi32>,
    %iota3A_212 = tpu.iota {dimensions = array<i32: 0>} : vector<16xi32>
    %add3A_213 = arith.constant 176 : i32
    %add3A_214 = vector.broadcast %add3A_213 : i32 to vector<16xi32>
    %add3A_215 = arith.addi %add3A_214, %iota3A_212 : vector<16xi32>
    %shift_right_logical3A_216 = arith.constant 5 : i32
    %shift_right_logical3A_217 = vector.broadcast %shift_right_logical3A_216 : i32 to vector<16xi32>
    %shift_right_logical3A_218 = arith.shrui %add3A_215, %shift_right_logical3A_217 : vector<16xi32>
    %add3A_219 = vector.broadcast %mul3A_9 : i32 to vector<16xi32>
    %add3A_220 = arith.addi %add3A_219, %shift_right_logical3A_218 : vector<16xi32>
    %swap3A_221 = arith.constant 0 : i32
    %swap3A_222 = arith.constant 1 : i32
    %swap3A_223 = arith.index_cast %swap3A_221 : i32 to index
    %swap3A_224 = arith.index_cast %swap3A_222 : i32 to index
    %swap3A_225 = arith.constant 48 : index
    %swap3A_226 = tpu.vector_load %arg6[%swap3A_223, %swap3A_224, %swap3A_225] {strides = array<i32>} : memref<4x2x128xi32, #tpu.memory_space<vmem>>, vector<1x1x16xi32>,
    %swap3A_227 = vector.shape_cast %swap3A_226 : vector<1x1x16xi32> to vector<16xi32>
    %swap3A_228 = vector.shape_cast %add3A_220 : vector<16xi32> to vector<1x1x16xi32>
    tpu.vector_store %arg6[%swap3A_223, %swap3A_224, %swap3A_225], %swap3A_228 {strides = array<i32>} : memref<4x2x128xi32, #tpu.memory_space<vmem>>, vector<1x1x16xi32>,
    %iota3A_229 = tpu.iota {dimensions = array<i32: 0>} : vector<16xi32>
    %add3A_230 = arith.constant 192 : i32
    %add3A_231 = vector.broadcast %add3A_230 : i32 to vector<16xi32>
    %add3A_232 = arith.addi %add3A_231, %iota3A_229 : vector<16xi32>
    %shift_right_logical3A_233 = arith.constant 5 : i32
    %shift_right_logical3A_234 = vector.broadcast %shift_right_logical3A_233 : i32 to vector<16xi32>
    %shift_right_logical3A_235 = arith.shrui %add3A_232, %shift_right_logical3A_234 : vector<16xi32>
    %add3A_236 = vector.broadcast %mul3A_9 : i32 to vector<16xi32>
    %add3A_237 = arith.addi %add3A_236, %shift_right_logical3A_235 : vector<16xi32>
    %swap3A_238 = arith.constant 0 : i32
    %swap3A_239 = arith.constant 1 : i32
    %swap3A_240 = arith.index_cast %swap3A_238 : i32 to index
    %swap3A_241 = arith.index_cast %swap3A_239 : i32 to index
    %swap3A_242 = arith.constant 64 : index
    %swap3A_243 = tpu.vector_load %arg6[%swap3A_240, %swap3A_241, %swap3A_242] {strides = array<i32>} : memref<4x2x128xi32, #tpu.memory_space<vmem>>, vector<1x1x16xi32>,
    %swap3A_244 = vector.shape_cast %swap3A_243 : vector<1x1x16xi32> to vector<16xi32>
    %swap3A_245 = vector.shape_cast %add3A_237 : vector<16xi32> to vector<1x1x16xi32>
    tpu.vector_store %arg6[%swap3A_240, %swap3A_241, %swap3A_242], %swap3A_245 {strides = array<i32>} : memref<4x2x128xi32, #tpu.memory_space<vmem>>, vector<1x1x16xi32>,
    %iota3A_246 = tpu.iota {dimensions = array<i32: 0>} : vector<16xi32>
    %add3A_247 = arith.constant 208 : i32
    %add3A_248 = vector.broadcast %add3A_247 : i32 to vector<16xi32>
    %add3A_249 = arith.addi %add3A_248, %iota3A_246 : vector<16xi32>
    %shift_right_logical3A_250 = arith.constant 5 : i32
    %shift_right_logical3A_251 = vector.broadcast %shift_right_logical3A_250 : i32 to vector<16xi32>
    %shift_right_logical3A_252 = arith.shrui %add3A_249, %shift_right_logical3A_251 : vector<16xi32>
    %add3A_253 = vector.broadcast %mul3A_9 : i32 to vector<16xi32>
    %add3A_254 = arith.addi %add3A_253, %shift_right_logical3A_252 : vector<16xi32>
    %swap3A_255 = arith.constant 0 : i32
    %swap3A_256 = arith.constant 1 : i32
    %swap3A_257 = arith.index_cast %swap3A_255 : i32 to index
    %swap3A_258 = arith.index_cast %swap3A_256 : i32 to index
    %swap3A_259 = arith.constant 80 : index
    %swap3A_260 = tpu.vector_load %arg6[%swap3A_257, %swap3A_258, %swap3A_259] {strides = array<i32>} : memref<4x2x128xi32, #tpu.memory_space<vmem>>, vector<1x1x16xi32>,
    %swap3A_261 = vector.shape_cast %swap3A_260 : vector<1x1x16xi32> to vector<16xi32>
    %swap3A_262 = vector.shape_cast %add3A_254 : vector<16xi32> to vector<1x1x16xi32>
    tpu.vector_store %arg6[%swap3A_257, %swap3A_258, %swap3A_259], %swap3A_262 {strides = array<i32>} : memref<4x2x128xi32, #tpu.memory_space<vmem>>, vector<1x1x16xi32>,
    %iota3A_263 = tpu.iota {dimensions = array<i32: 0>} : vector<16xi32>
    %add3A_264 = arith.constant 224 : i32
    %add3A_265 = vector.broadcast %add3A_264 : i32 to vector<16xi32>
    %add3A_266 = arith.addi %add3A_265, %iota3A_263 : vector<16xi32>
    %shift_right_logical3A_267 = arith.constant 5 : i32
    %shift_right_logical3A_268 = vector.broadcast %shift_right_logical3A_267 : i32 to vector<16xi32>
    %shift_right_logical3A_269 = arith.shrui %add3A_266, %shift_right_logical3A_268 : vector<16xi32>
    %add3A_270 = vector.broadcast %mul3A_9 : i32 to vector<16xi32>
    %add3A_271 = arith.addi %add3A_270, %shift_right_logical3A_269 : vector<16xi32>
    %swap3A_272 = arith.constant 0 : i32
    %swap3A_273 = arith.constant 1 : i32
    %swap3A_274 = arith.index_cast %swap3A_272 : i32 to index
    %swap3A_275 = arith.index_cast %swap3A_273 : i32 to index
    %swap3A_276 = arith.constant 96 : index
    %swap3A_277 = tpu.vector_load %arg6[%swap3A_274, %swap3A_275, %swap3A_276] {strides = array<i32>} : memref<4x2x128xi32, #tpu.memory_space<vmem>>, vector<1x1x16xi32>,
    %swap3A_278 = vector.shape_cast %swap3A_277 : vector<1x1x16xi32> to vector<16xi32>
    %swap3A_279 = vector.shape_cast %add3A_271 : vector<16xi32> to vector<1x1x16xi32>
    tpu.vector_store %arg6[%swap3A_274, %swap3A_275, %swap3A_276], %swap3A_279 {strides = array<i32>} : memref<4x2x128xi32, #tpu.memory_space<vmem>>, vector<1x1x16xi32>,
    %iota3A_280 = tpu.iota {dimensions = array<i32: 0>} : vector<16xi32>
    %add3A_281 = arith.constant 240 : i32
    %add3A_282 = vector.broadcast %add3A_281 : i32 to vector<16xi32>
    %add3A_283 = arith.addi %add3A_282, %iota3A_280 : vector<16xi32>
    %shift_right_logical3A_284 = arith.constant 5 : i32
    %shift_right_logical3A_285 = vector.broadcast %shift_right_logical3A_284 : i32 to vector<16xi32>
    %shift_right_logical3A_286 = arith.shrui %add3A_283, %shift_right_logical3A_285 : vector<16xi32>
    %add3A_287 = vector.broadcast %mul3A_9 : i32 to vector<16xi32>
    %add3A_288 = arith.addi %add3A_287, %shift_right_logical3A_286 : vector<16xi32>
    %swap3A_289 = arith.constant 0 : i32
    %swap3A_290 = arith.constant 1 : i32
    %swap3A_291 = arith.index_cast %swap3A_289 : i32 to index
    %swap3A_292 = arith.index_cast %swap3A_290 : i32 to index
    %swap3A_293 = arith.constant 112 : index
    %swap3A_294 = tpu.vector_load %arg6[%swap3A_291, %swap3A_292, %swap3A_293] {strides = array<i32>} : memref<4x2x128xi32, #tpu.memory_space<vmem>>, vector<1x1x16xi32>,
    %swap3A_295 = vector.shape_cast %swap3A_294 : vector<1x1x16xi32> to vector<16xi32>
    %swap3A_296 = vector.shape_cast %add3A_288 : vector<16xi32> to vector<1x1x16xi32>
    tpu.vector_store %arg6[%swap3A_291, %swap3A_292, %swap3A_293], %swap3A_296 {strides = array<i32>} : memref<4x2x128xi32, #tpu.memory_space<vmem>>, vector<1x1x16xi32>,
    %iota3A_297 = tpu.iota {dimensions = array<i32: 0>} : vector<16xi32>
    %add3A_298 = arith.constant 0 : i32
    %add3A_299 = vector.broadcast %add3A_298 : i32 to vector<16xi32>
    %add3A_300 = arith.addi %add3A_299, %iota3A_297 : vector<16xi32>
    %shift_right_logical3A_301 = arith.constant 5 : i32
    %shift_right_logical3A_302 = vector.broadcast %shift_right_logical3A_301 : i32 to vector<16xi32>
    %shift_right_logical3A_303 = arith.shrui %add3A_300, %shift_right_logical3A_302 : vector<16xi32>
    %add3A_304 = vector.broadcast %mul3A_15 : i32 to vector<16xi32>
    %add3A_305 = arith.addi %add3A_304, %shift_right_logical3A_303 : vector<16xi32>
    %swap3A_306 = arith.constant 1 : i32
    %swap3A_307 = arith.constant 0 : i32
    %swap3A_308 = arith.index_cast %swap3A_306 : i32 to index
    %swap3A_309 = arith.index_cast %swap3A_307 : i32 to index
    %swap3A_310 = arith.constant 0 : index
    %swap3A_311 = tpu.vector_load %arg6[%swap3A_308, %swap3A_309, %swap3A_310] {strides = array<i32>} : memref<4x2x128xi32, #tpu.memory_space<vmem>>, vector<1x1x16xi32>,
    %swap3A_312 = vector.shape_cast %swap3A_311 : vector<1x1x16xi32> to vector<16xi32>
    %swap3A_313 = vector.shape_cast %add3A_305 : vector<16xi32> to vector<1x1x16xi32>
    tpu.vector_store %arg6[%swap3A_308, %swap3A_309, %swap3A_310], %swap3A_313 {strides = array<i32>} : memref<4x2x128xi32, #tpu.memory_space<vmem>>, vector<1x1x16xi32>,
    %iota3A_314 = tpu.iota {dimensions = array<i32: 0>} : vector<16xi32>
    %add3A_315 = arith.constant 16 : i32
    %add3A_316 = vector.broadcast %add3A_315 : i32 to vector<16xi32>
    %add3A_317 = arith.addi %add3A_316, %iota3A_314 : vector<16xi32>
    %shift_right_logical3A_318 = arith.constant 5 : i32
    %shift_right_logical3A_319 = vector.broadcast %shift_right_logical3A_318 : i32 to vector<16xi32>
    %shift_right_logical3A_320 = arith.shrui %add3A_317, %shift_right_logical3A_319 : vector<16xi32>
    %add3A_321 = vector.broadcast %mul3A_15 : i32 to vector<16xi32>
    %add3A_322 = arith.addi %add3A_321, %shift_right_logical3A_320 : vector<16xi32>
    %swap3A_323 = arith.constant 1 : i32
    %swap3A_324 = arith.constant 0 : i32
    %swap3A_325 = arith.index_cast %swap3A_323 : i32 to index
    %swap3A_326 = arith.index_cast %swap3A_324 : i32 to index
    %swap3A_327 = arith.constant 16 : index
    %swap3A_328 = tpu.vector_load %arg6[%swap3A_325, %swap3A_326, %swap3A_327] {strides = array<i32>} : memref<4x2x128xi32, #tpu.memory_space<vmem>>, vector<1x1x16xi32>,
    %swap3A_329 = vector.shape_cast %swap3A_328 : vector<1x1x16xi32> to vector<16xi32>
    %swap3A_330 = vector.shape_cast %add3A_322 : vector<16xi32> to vector<1x1x16xi32>
    tpu.vector_store %arg6[%swap3A_325, %swap3A_326, %swap3A_327], %swap3A_330 {strides = array<i32>} : memref<4x2x128xi32, #tpu.memory_space<vmem>>, vector<1x1x16xi32>,
    %iota3A_331 = tpu.iota {dimensions = array<i32: 0>} : vector<16xi32>
    %add3A_332 = arith.constant 32 : i32
    %add3A_333 = vector.broadcast %add3A_332 : i32 to vector<16xi32>
    %add3A_334 = arith.addi %add3A_333, %iota3A_331 : vector<16xi32>
    %shift_right_logical3A_335 = arith.constant 5 : i32
    %shift_right_logical3A_336 = vector.broadcast %shift_right_logical3A_335 : i32 to vector<16xi32>
    %shift_right_logical3A_337 = arith.shrui %add3A_334, %shift_right_logical3A_336 : vector<16xi32>
    %add3A_338 = vector.broadcast %mul3A_15 : i32 to vector<16xi32>
    %add3A_339 = arith.addi %add3A_338, %shift_right_logical3A_337 : vector<16xi32>
    %swap3A_340 = arith.constant 1 : i32
    %swap3A_341 = arith.constant 0 : i32
    %swap3A_342 = arith.index_cast %swap3A_340 : i32 to index
    %swap3A_343 = arith.index_cast %swap3A_341 : i32 to index
    %swap3A_344 = arith.constant 32 : index
    %swap3A_345 = tpu.vector_load %arg6[%swap3A_342, %swap3A_343, %swap3A_344] {strides = array<i32>} : memref<4x2x128xi32, #tpu.memory_space<vmem>>, vector<1x1x16xi32>,
    %swap3A_346 = vector.shape_cast %swap3A_345 : vector<1x1x16xi32> to vector<16xi32>
    %swap3A_347 = vector.shape_cast %add3A_339 : vector<16xi32> to vector<1x1x16xi32>
    tpu.vector_store %arg6[%swap3A_342, %swap3A_343, %swap3A_344], %swap3A_347 {strides = array<i32>} : memref<4x2x128xi32, #tpu.memory_space<vmem>>, vector<1x1x16xi32>,
    %iota3A_348 = tpu.iota {dimensions = array<i32: 0>} : vector<16xi32>
    %add3A_349 = arith.constant 48 : i32
    %add3A_350 = vector.broadcast %add3A_349 : i32 to vector<16xi32>
    %add3A_351 = arith.addi %add3A_350, %iota3A_348 : vector<16xi32>
    %shift_right_logical3A_352 = arith.constant 5 : i32
    %shift_right_logical3A_353 = vector.broadcast %shift_right_logical3A_352 : i32 to vector<16xi32>
    %shift_right_logical3A_354 = arith.shrui %add3A_351, %shift_right_logical3A_353 : vector<16xi32>
    %add3A_355 = vector.broadcast %mul3A_15 : i32 to vector<16xi32>
    %add3A_356 = arith.addi %add3A_355, %shift_right_logical3A_354 : vector<16xi32>
    %swap3A_357 = arith.constant 1 : i32
    %swap3A_358 = arith.constant 0 : i32
    %swap3A_359 = arith.index_cast %swap3A_357 : i32 to index
    %swap3A_360 = arith.index_cast %swap3A_358 : i32 to index
    %swap3A_361 = arith.constant 48 : index
    %swap3A_362 = tpu.vector_load %arg6[%swap3A_359, %swap3A_360, %swap3A_361] {strides = array<i32>} : memref<4x2x128xi32, #tpu.memory_space<vmem>>, vector<1x1x16xi32>,
    %swap3A_363 = vector.shape_cast %swap3A_362 : vector<1x1x16xi32> to vector<16xi32>
    %swap3A_364 = vector.shape_cast %add3A_356 : vector<16xi32> to vector<1x1x16xi32>
    tpu.vector_store %arg6[%swap3A_359, %swap3A_360, %swap3A_361], %swap3A_364 {strides = array<i32>} : memref<4x2x128xi32, #tpu.memory_space<vmem>>, vector<1x1x16xi32>,
    %iota3A_365 = tpu.iota {dimensions = array<i32: 0>} : vector<16xi32>
    %add3A_366 = arith.constant 64 : i32
    %add3A_367 = vector.broadcast %add3A_366 : i32 to vector<16xi32>
    %add3A_368 = arith.addi %add3A_367, %iota3A_365 : vector<16xi32>
    %shift_right_logical3A_369 = arith.constant 5 : i32
    %shift_right_logical3A_370 = vector.broadcast %shift_right_logical3A_369 : i32 to vector<16xi32>
    %shift_right_logical3A_371 = arith.shrui %add3A_368, %shift_right_logical3A_370 : vector<16xi32>
    %add3A_372 = vector.broadcast %mul3A_15 : i32 to vector<16xi32>
    %add3A_373 = arith.addi %add3A_372, %shift_right_logical3A_371 : vector<16xi32>
    %swap3A_374 = arith.constant 1 : i32
    %swap3A_375 = arith.constant 0 : i32
    %swap3A_376 = arith.index_cast %swap3A_374 : i32 to index
    %swap3A_377 = arith.index_cast %swap3A_375 : i32 to index
    %swap3A_378 = arith.constant 64 : index
    %swap3A_379 = tpu.vector_load %arg6[%swap3A_376, %swap3A_377, %swap3A_378] {strides = array<i32>} : memref<4x2x128xi32, #tpu.memory_space<vmem>>, vector<1x1x16xi32>,
    %swap3A_380 = vector.shape_cast %swap3A_379 : vector<1x1x16xi32> to vector<16xi32>
    %swap3A_381 = vector.shape_cast %add3A_373 : vector<16xi32> to vector<1x1x16xi32>
    tpu.vector_store %arg6[%swap3A_376, %swap3A_377, %swap3A_378], %swap3A_381 {strides = array<i32>} : memref<4x2x128xi32, #tpu.memory_space<vmem>>, vector<1x1x16xi32>,
    %iota3A_382 = tpu.iota {dimensions = array<i32: 0>} : vector<16xi32>
    %add3A_383 = arith.constant 80 : i32
    %add3A_384 = vector.broadcast %add3A_383 : i32 to vector<16xi32>
    %add3A_385 = arith.addi %add3A_384, %iota3A_382 : vector<16xi32>
    %shift_right_logical3A_386 = arith.constant 5 : i32
    %shift_right_logical3A_387 = vector.broadcast %shift_right_logical3A_386 : i32 to vector<16xi32>
    %shift_right_logical3A_388 = arith.shrui %add3A_385, %shift_right_logical3A_387 : vector<16xi32>
    %add3A_389 = vector.broadcast %mul3A_15 : i32 to vector<16xi32>
    %add3A_390 = arith.addi %add3A_389, %shift_right_logical3A_388 : vector<16xi32>
    %swap3A_391 = arith.constant 1 : i32
    %swap3A_392 = arith.constant 0 : i32
    %swap3A_393 = arith.index_cast %swap3A_391 : i32 to index
    %swap3A_394 = arith.index_cast %swap3A_392 : i32 to index
    %swap3A_395 = arith.constant 80 : index
    %swap3A_396 = tpu.vector_load %arg6[%swap3A_393, %swap3A_394, %swap3A_395] {strides = array<i32>} : memref<4x2x128xi32, #tpu.memory_space<vmem>>, vector<1x1x16xi32>,
    %swap3A_397 = vector.shape_cast %swap3A_396 : vector<1x1x16xi32> to vector<16xi32>
    %swap3A_398 = vector.shape_cast %add3A_390 : vector<16xi32> to vector<1x1x16xi32>
    tpu.vector_store %arg6[%swap3A_393, %swap3A_394, %swap3A_395], %swap3A_398 {strides = array<i32>} : memref<4x2x128xi32, #tpu.memory_space<vmem>>, vector<1x1x16xi32>,
    %iota3A_399 = tpu.iota {dimensions = array<i32: 0>} : vector<16xi32>
    %add3A_400 = arith.constant 96 : i32
    %add3A_401 = vector.broadcast %add3A_400 : i32 to vector<16xi32>
    %add3A_402 = arith.addi %add3A_401, %iota3A_399 : vector<16xi32>
    %shift_right_logical3A_403 = arith.constant 5 : i32
    %shift_right_logical3A_404 = vector.broadcast %shift_right_logical3A_403 : i32 to vector<16xi32>
    %shift_right_logical3A_405 = arith.shrui %add3A_402, %shift_right_logical3A_404 : vector<16xi32>
    %add3A_406 = vector.broadcast %mul3A_15 : i32 to vector<16xi32>
    %add3A_407 = arith.addi %add3A_406, %shift_right_logical3A_405 : vector<16xi32>
    %swap3A_408 = arith.constant 1 : i32
    %swap3A_409 = arith.constant 0 : i32
    %swap3A_410 = arith.index_cast %swap3A_408 : i32 to index
    %swap3A_411 = arith.index_cast %swap3A_409 : i32 to index
    %swap3A_412 = arith.constant 96 : index
    %swap3A_413 = tpu.vector_load %arg6[%swap3A_410, %swap3A_411, %swap3A_412] {strides = array<i32>} : memref<4x2x128xi32, #tpu.memory_space<vmem>>, vector<1x1x16xi32>,
    %swap3A_414 = vector.shape_cast %swap3A_413 : vector<1x1x16xi32> to vector<16xi32>
    %swap3A_415 = vector.shape_cast %add3A_407 : vector<16xi32> to vector<1x1x16xi32>
    tpu.vector_store %arg6[%swap3A_410, %swap3A_411, %swap3A_412], %swap3A_415 {strides = array<i32>} : memref<4x2x128xi32, #tpu.memory_space<vmem>>, vector<1x1x16xi32>,
    %iota3A_416 = tpu.iota {dimensions = array<i32: 0>} : vector<16xi32>
    %add3A_417 = arith.constant 112 : i32
    %add3A_418 = vector.broadcast %add3A_417 : i32 to vector<16xi32>
    %add3A_419 = arith.addi %add3A_418, %iota3A_416 : vector<16xi32>
    %shift_right_logical3A_420 = arith.constant 5 : i32
    %shift_right_logical3A_421 = vector.broadcast %shift_right_logical3A_420 : i32 to vector<16xi32>
    %shift_right_logical3A_422 = arith.shrui %add3A_419, %shift_right_logical3A_421 : vector<16xi32>
    %add3A_423 = vector.broadcast %mul3A_15 : i32 to vector<16xi32>
    %add3A_424 = arith.addi %add3A_423, %shift_right_logical3A_422 : vector<16xi32>
    %swap3A_425 = arith.constant 1 : i32
    %swap3A_426 = arith.constant 0 : i32
    %swap3A_427 = arith.index_cast %swap3A_425 : i32 to index
    %swap3A_428 = arith.index_cast %swap3A_426 : i32 to index
    %swap3A_429 = arith.constant 112 : index
    %swap3A_430 = tpu.vector_load %arg6[%swap3A_427, %swap3A_428, %swap3A_429] {strides = array<i32>} : memref<4x2x128xi32, #tpu.memory_space<vmem>>, vector<1x1x16xi32>,
    %swap3A_431 = vector.shape_cast %swap3A_430 : vector<1x1x16xi32> to vector<16xi32>
    %swap3A_432 = vector.shape_cast %add3A_424 : vector<16xi32> to vector<1x1x16xi32>
    tpu.vector_store %arg6[%swap3A_427, %swap3A_428, %swap3A_429], %swap3A_432 {strides = array<i32>} : memref<4x2x128xi32, #tpu.memory_space<vmem>>, vector<1x1x16xi32>,
    %iota3A_433 = tpu.iota {dimensions = array<i32: 0>} : vector<16xi32>
    %add3A_434 = arith.constant 128 : i32
    %add3A_435 = vector.broadcast %add3A_434 : i32 to vector<16xi32>
    %add3A_436 = arith.addi %add3A_435, %iota3A_433 : vector<16xi32>
    %shift_right_logical3A_437 = arith.constant 5 : i32
    %shift_right_logical3A_438 = vector.broadcast %shift_right_logical3A_437 : i32 to vector<16xi32>
    %shift_right_logical3A_439 = arith.shrui %add3A_436, %shift_right_logical3A_438 : vector<16xi32>
    %add3A_440 = vector.broadcast %mul3A_15 : i32 to vector<16xi32>
    %add3A_441 = arith.addi %add3A_440, %shift_right_logical3A_439 : vector<16xi32>
    %swap3A_442 = arith.constant 1 : i32
    %swap3A_443 = arith.constant 1 : i32
    %swap3A_444 = arith.index_cast %swap3A_442 : i32 to index
    %swap3A_445 = arith.index_cast %swap3A_443 : i32 to index
    %swap3A_446 = arith.constant 0 : index
    %swap3A_447 = tpu.vector_load %arg6[%swap3A_444, %swap3A_445, %swap3A_446] {strides = array<i32>} : memref<4x2x128xi32, #tpu.memory_space<vmem>>, vector<1x1x16xi32>,
    %swap3A_448 = vector.shape_cast %swap3A_447 : vector<1x1x16xi32> to vector<16xi32>
    %swap3A_449 = vector.shape_cast %add3A_441 : vector<16xi32> to vector<1x1x16xi32>
    tpu.vector_store %arg6[%swap3A_444, %swap3A_445, %swap3A_446], %swap3A_449 {strides = array<i32>} : memref<4x2x128xi32, #tpu.memory_space<vmem>>, vector<1x1x16xi32>,
    %iota3A_450 = tpu.iota {dimensions = array<i32: 0>} : vector<16xi32>
    %add3A_451 = arith.constant 144 : i32
    %add3A_452 = vector.broadcast %add3A_451 : i32 to vector<16xi32>
    %add3A_453 = arith.addi %add3A_452, %iota3A_450 : vector<16xi32>
    %shift_right_logical3A_454 = arith.constant 5 : i32
    %shift_right_logical3A_455 = vector.broadcast %shift_right_logical3A_454 : i32 to vector<16xi32>
    %shift_right_logical3A_456 = arith.shrui %add3A_453, %shift_right_logical3A_455 : vector<16xi32>
    %add3A_457 = vector.broadcast %mul3A_15 : i32 to vector<16xi32>
    %add3A_458 = arith.addi %add3A_457, %shift_right_logical3A_456 : vector<16xi32>
    %swap3A_459 = arith.constant 1 : i32
    %swap3A_460 = arith.constant 1 : i32
    %swap3A_461 = arith.index_cast %swap3A_459 : i32 to index
    %swap3A_462 = arith.index_cast %swap3A_460 : i32 to index
    %swap3A_463 = arith.constant 16 : index
    %swap3A_464 = tpu.vector_load %arg6[%swap3A_461, %swap3A_462, %swap3A_463] {strides = array<i32>} : memref<4x2x128xi32, #tpu.memory_space<vmem>>, vector<1x1x16xi32>,
    %swap3A_465 = vector.shape_cast %swap3A_464 : vector<1x1x16xi32> to vector<16xi32>
    %swap3A_466 = vector.shape_cast %add3A_458 : vector<16xi32> to vector<1x1x16xi32>
    tpu.vector_store %arg6[%swap3A_461, %swap3A_462, %swap3A_463], %swap3A_466 {strides = array<i32>} : memref<4x2x128xi32, #tpu.memory_space<vmem>>, vector<1x1x16xi32>,
    %iota3A_467 = tpu.iota {dimensions = array<i32: 0>} : vector<16xi32>
    %add3A_468 = arith.constant 160 : i32
    %add3A_469 = vector.broadcast %add3A_468 : i32 to vector<16xi32>
    %add3A_470 = arith.addi %add3A_469, %iota3A_467 : vector<16xi32>
    %shift_right_logical3A_471 = arith.constant 5 : i32
    %shift_right_logical3A_472 = vector.broadcast %shift_right_logical3A_471 : i32 to vector<16xi32>
    %shift_right_logical3A_473 = arith.shrui %add3A_470, %shift_right_logical3A_472 : vector<16xi32>
    %add3A_474 = vector.broadcast %mul3A_15 : i32 to vector<16xi32>
    %add3A_475 = arith.addi %add3A_474, %shift_right_logical3A_473 : vector<16xi32>
    %swap3A_476 = arith.constant 1 : i32
    %swap3A_477 = arith.constant 1 : i32
    %swap3A_478 = arith.index_cast %swap3A_476 : i32 to index
    %swap3A_479 = arith.index_cast %swap3A_477 : i32 to index
    %swap3A_480 = arith.constant 32 : index
    %swap3A_481 = tpu.vector_load %arg6[%swap3A_478, %swap3A_479, %swap3A_480] {strides = array<i32>} : memref<4x2x128xi32, #tpu.memory_space<vmem>>, vector<1x1x16xi32>,
    %swap3A_482 = vector.shape_cast %swap3A_481 : vector<1x1x16xi32> to vector<16xi32>
    %swap3A_483 = vector.shape_cast %add3A_475 : vector<16xi32> to vector<1x1x16xi32>
    tpu.vector_store %arg6[%swap3A_478, %swap3A_479, %swap3A_480], %swap3A_483 {strides = array<i32>} : memref<4x2x128xi32, #tpu.memory_space<vmem>>, vector<1x1x16xi32>,
    %iota3A_484 = tpu.iota {dimensions = array<i32: 0>} : vector<16xi32>
    %add3A_485 = arith.constant 176 : i32
    %add3A_486 = vector.broadcast %add3A_485 : i32 to vector<16xi32>
    %add3A_487 = arith.addi %add3A_486, %iota3A_484 : vector<16xi32>
    %shift_right_logical3A_488 = arith.constant 5 : i32
    %shift_right_logical3A_489 = vector.broadcast %shift_right_logical3A_488 : i32 to vector<16xi32>
    %shift_right_logical3A_490 = arith.shrui %add3A_487, %shift_right_logical3A_489 : vector<16xi32>
    %add3A_491 = vector.broadcast %mul3A_15 : i32 to vector<16xi32>
    %add3A_492 = arith.addi %add3A_491, %shift_right_logical3A_490 : vector<16xi32>
    %swap3A_493 = arith.constant 1 : i32
    %swap3A_494 = arith.constant 1 : i32
    %swap3A_495 = arith.index_cast %swap3A_493 : i32 to index
    %swap3A_496 = arith.index_cast %swap3A_494 : i32 to index
    %swap3A_497 = arith.constant 48 : index
    %swap3A_498 = tpu.vector_load %arg6[%swap3A_495, %swap3A_496, %swap3A_497] {strides = array<i32>} : memref<4x2x128xi32, #tpu.memory_space<vmem>>, vector<1x1x16xi32>,
    %swap3A_499 = vector.shape_cast %swap3A_498 : vector<1x1x16xi32> to vector<16xi32>
    %swap3A_500 = vector.shape_cast %add3A_492 : vector<16xi32> to vector<1x1x16xi32>
    tpu.vector_store %arg6[%swap3A_495, %swap3A_496, %swap3A_497], %swap3A_500 {strides = array<i32>} : memref<4x2x128xi32, #tpu.memory_space<vmem>>, vector<1x1x16xi32>,
    %iota3A_501 = tpu.iota {dimensions = array<i32: 0>} : vector<16xi32>
    %add3A_502 = arith.constant 192 : i32
    %add3A_503 = vector.broadcast %add3A_502 : i32 to vector<16xi32>
    %add3A_504 = arith.addi %add3A_503, %iota3A_501 : vector<16xi32>
    %shift_right_logical3A_505 = arith.constant 5 : i32
    %shift_right_logical3A_506 = vector.broadcast %shift_right_logical3A_505 : i32 to vector<16xi32>
    %shift_right_logical3A_507 = arith.shrui %add3A_504, %shift_right_logical3A_506 : vector<16xi32>
    %add3A_508 = vector.broadcast %mul3A_15 : i32 to vector<16xi32>
    %add3A_509 = arith.addi %add3A_508, %shift_right_logical3A_507 : vector<16xi32>
    %swap3A_510 = arith.constant 1 : i32
    %swap3A_511 = arith.constant 1 : i32
    %swap3A_512 = arith.index_cast %swap3A_510 : i32 to index
    %swap3A_513 = arith.index_cast %swap3A_511 : i32 to index
    %swap3A_514 = arith.constant 64 : index
    %swap3A_515 = tpu.vector_load %arg6[%swap3A_512, %swap3A_513, %swap3A_514] {strides = array<i32>} : memref<4x2x128xi32, #tpu.memory_space<vmem>>, vector<1x1x16xi32>,
    %swap3A_516 = vector.shape_cast %swap3A_515 : vector<1x1x16xi32> to vector<16xi32>
    %swap3A_517 = vector.shape_cast %add3A_509 : vector<16xi32> to vector<1x1x16xi32>
    tpu.vector_store %arg6[%swap3A_512, %swap3A_513, %swap3A_514], %swap3A_517 {strides = array<i32>} : memref<4x2x128xi32, #tpu.memory_space<vmem>>, vector<1x1x16xi32>,
    %iota3A_518 = tpu.iota {dimensions = array<i32: 0>} : vector<16xi32>
    %add3A_519 = arith.constant 208 : i32
    %add3A_520 = vector.broadcast %add3A_519 : i32 to vector<16xi32>
    %add3A_521 = arith.addi %add3A_520, %iota3A_518 : vector<16xi32>
    %shift_right_logical3A_522 = arith.constant 5 : i32
    %shift_right_logical3A_523 = vector.broadcast %shift_right_logical3A_522 : i32 to vector<16xi32>
    %shift_right_logical3A_524 = arith.shrui %add3A_521, %shift_right_logical3A_523 : vector<16xi32>
    %add3A_525 = vector.broadcast %mul3A_15 : i32 to vector<16xi32>
    %add3A_526 = arith.addi %add3A_525, %shift_right_logical3A_524 : vector<16xi32>
    %swap3A_527 = arith.constant 1 : i32
    %swap3A_528 = arith.constant 1 : i32
    %swap3A_529 = arith.index_cast %swap3A_527 : i32 to index
    %swap3A_530 = arith.index_cast %swap3A_528 : i32 to index
    %swap3A_531 = arith.constant 80 : index
    %swap3A_532 = tpu.vector_load %arg6[%swap3A_529, %swap3A_530, %swap3A_531] {strides = array<i32>} : memref<4x2x128xi32, #tpu.memory_space<vmem>>, vector<1x1x16xi32>,
    %swap3A_533 = vector.shape_cast %swap3A_532 : vector<1x1x16xi32> to vector<16xi32>
    %swap3A_534 = vector.shape_cast %add3A_526 : vector<16xi32> to vector<1x1x16xi32>
    tpu.vector_store %arg6[%swap3A_529, %swap3A_530, %swap3A_531], %swap3A_534 {strides = array<i32>} : memref<4x2x128xi32, #tpu.memory_space<vmem>>, vector<1x1x16xi32>,
    %iota3A_535 = tpu.iota {dimensions = array<i32: 0>} : vector<16xi32>
    %add3A_536 = arith.constant 224 : i32
    %add3A_537 = vector.broadcast %add3A_536 : i32 to vector<16xi32>
    %add3A_538 = arith.addi %add3A_537, %iota3A_535 : vector<16xi32>
    %shift_right_logical3A_539 = arith.constant 5 : i32
    %shift_right_logical3A_540 = vector.broadcast %shift_right_logical3A_539 : i32 to vector<16xi32>
    %shift_right_logical3A_541 = arith.shrui %add3A_538, %shift_right_logical3A_540 : vector<16xi32>
    %add3A_542 = vector.broadcast %mul3A_15 : i32 to vector<16xi32>
    %add3A_543 = arith.addi %add3A_542, %shift_right_logical3A_541 : vector<16xi32>
    %swap3A_544 = arith.constant 1 : i32
    %swap3A_545 = arith.constant 1 : i32
    %swap3A_546 = arith.index_cast %swap3A_544 : i32 to index
    %swap3A_547 = arith.index_cast %swap3A_545 : i32 to index
    %swap3A_548 = arith.constant 96 : index
    %swap3A_549 = tpu.vector_load %arg6[%swap3A_546, %swap3A_547, %swap3A_548] {strides = array<i32>} : memref<4x2x128xi32, #tpu.memory_space<vmem>>, vector<1x1x16xi32>,
    %swap3A_550 = vector.shape_cast %swap3A_549 : vector<1x1x16xi32> to vector<16xi32>
    %swap3A_551 = vector.shape_cast %add3A_543 : vector<16xi32> to vector<1x1x16xi32>
    tpu.vector_store %arg6[%swap3A_546, %swap3A_547, %swap3A_548], %swap3A_551 {strides = array<i32>} : memref<4x2x128xi32, #tpu.memory_space<vmem>>, vector<1x1x16xi32>,
    %iota3A_552 = tpu.iota {dimensions = array<i32: 0>} : vector<16xi32>
    %add3A_553 = arith.constant 240 : i32
    %add3A_554 = vector.broadcast %add3A_553 : i32 to vector<16xi32>
    %add3A_555 = arith.addi %add3A_554, %iota3A_552 : vector<16xi32>
    %shift_right_logical3A_556 = arith.constant 5 : i32
    %shift_right_logical3A_557 = vector.broadcast %shift_right_logical3A_556 : i32 to vector<16xi32>
    %shift_right_logical3A_558 = arith.shrui %add3A_555, %shift_right_logical3A_557 : vector<16xi32>
    %add3A_559 = vector.broadcast %mul3A_15 : i32 to vector<16xi32>
    %add3A_560 = arith.addi %add3A_559, %shift_right_logical3A_558 : vector<16xi32>
    %swap3A_561 = arith.constant 1 : i32
    %swap3A_562 = arith.constant 1 : i32
    %swap3A_563 = arith.index_cast %swap3A_561 : i32 to index
    %swap3A_564 = arith.index_cast %swap3A_562 : i32 to index
    %swap3A_565 = arith.constant 112 : index
    %swap3A_566 = tpu.vector_load %arg6[%swap3A_563, %swap3A_564, %swap3A_565] {strides = array<i32>} : memref<4x2x128xi32, #tpu.memory_space<vmem>>, vector<1x1x16xi32>,
    %swap3A_567 = vector.shape_cast %swap3A_566 : vector<1x1x16xi32> to vector<16xi32>
    %swap3A_568 = vector.shape_cast %add3A_560 : vector<16xi32> to vector<1x1x16xi32>
    tpu.vector_store %arg6[%swap3A_563, %swap3A_564, %swap3A_565], %swap3A_568 {strides = array<i32>} : memref<4x2x128xi32, #tpu.memory_space<vmem>>, vector<1x1x16xi32>,
    %iota3A_569 = tpu.iota {dimensions = array<i32: 0>} : vector<16xi32>
    %add3A_570 = arith.constant 0 : i32
    %add3A_571 = vector.broadcast %add3A_570 : i32 to vector<16xi32>
    %add3A_572 = arith.addi %add3A_571, %iota3A_569 : vector<16xi32>
    %shift_right_logical3A_573 = arith.constant 5 : i32
    %shift_right_logical3A_574 = vector.broadcast %shift_right_logical3A_573 : i32 to vector<16xi32>
    %shift_right_logical3A_575 = arith.shrui %add3A_572, %shift_right_logical3A_574 : vector<16xi32>
    %add3A_576 = vector.broadcast %mul3A_21 : i32 to vector<16xi32>
    %add3A_577 = arith.addi %add3A_576, %shift_right_logical3A_575 : vector<16xi32>
    %swap3A_578 = arith.constant 2 : i32
    %swap3A_579 = arith.constant 0 : i32
    %swap3A_580 = arith.index_cast %swap3A_578 : i32 to index
    %swap3A_581 = arith.index_cast %swap3A_579 : i32 to index
    %swap3A_582 = arith.constant 0 : index
    %swap3A_583 = tpu.vector_load %arg6[%swap3A_580, %swap3A_581, %swap3A_582] {strides = array<i32>} : memref<4x2x128xi32, #tpu.memory_space<vmem>>, vector<1x1x16xi32>,
    %swap3A_584 = vector.shape_cast %swap3A_583 : vector<1x1x16xi32> to vector<16xi32>
    %swap3A_585 = vector.shape_cast %add3A_577 : vector<16xi32> to vector<1x1x16xi32>
    tpu.vector_store %arg6[%swap3A_580, %swap3A_581, %swap3A_582], %swap3A_585 {strides = array<i32>} : memref<4x2x128xi32, #tpu.memory_space<vmem>>, vector<1x1x16xi32>,
    %iota3A_586 = tpu.iota {dimensions = array<i32: 0>} : vector<16xi32>
    %add3A_587 = arith.constant 16 : i32
    %add3A_588 = vector.broadcast %add3A_587 : i32 to vector<16xi32>
    %add3A_589 = arith.addi %add3A_588, %iota3A_586 : vector<16xi32>
    %shift_right_logical3A_590 = arith.constant 5 : i32
    %shift_right_logical3A_591 = vector.broadcast %shift_right_logical3A_590 : i32 to vector<16xi32>
    %shift_right_logical3A_592 = arith.shrui %add3A_589, %shift_right_logical3A_591 : vector<16xi32>
    %add3A_593 = vector.broadcast %mul3A_21 : i32 to vector<16xi32>
    %add3A_594 = arith.addi %add3A_593, %shift_right_logical3A_592 : vector<16xi32>
    %swap3A_595 = arith.constant 2 : i32
    %swap3A_596 = arith.constant 0 : i32
    %swap3A_597 = arith.index_cast %swap3A_595 : i32 to index
    %swap3A_598 = arith.index_cast %swap3A_596 : i32 to index
    %swap3A_599 = arith.constant 16 : index
    %swap3A_600 = tpu.vector_load %arg6[%swap3A_597, %swap3A_598, %swap3A_599] {strides = array<i32>} : memref<4x2x128xi32, #tpu.memory_space<vmem>>, vector<1x1x16xi32>,
    %swap3A_601 = vector.shape_cast %swap3A_600 : vector<1x1x16xi32> to vector<16xi32>
    %swap3A_602 = vector.shape_cast %add3A_594 : vector<16xi32> to vector<1x1x16xi32>
    tpu.vector_store %arg6[%swap3A_597, %swap3A_598, %swap3A_599], %swap3A_602 {strides = array<i32>} : memref<4x2x128xi32, #tpu.memory_space<vmem>>, vector<1x1x16xi32>,
    %iota3A_603 = tpu.iota {dimensions = array<i32: 0>} : vector<16xi32>
    %add3A_604 = arith.constant 32 : i32
    %add3A_605 = vector.broadcast %add3A_604 : i32 to vector<16xi32>
    %add3A_606 = arith.addi %add3A_605, %iota3A_603 : vector<16xi32>
    %shift_right_logical3A_607 = arith.constant 5 : i32
    %shift_right_logical3A_608 = vector.broadcast %shift_right_logical3A_607 : i32 to vector<16xi32>
    %shift_right_logical3A_609 = arith.shrui %add3A_606, %shift_right_logical3A_608 : vector<16xi32>
    %add3A_610 = vector.broadcast %mul3A_21 : i32 to vector<16xi32>
    %add3A_611 = arith.addi %add3A_610, %shift_right_logical3A_609 : vector<16xi32>
    %swap3A_612 = arith.constant 2 : i32
    %swap3A_613 = arith.constant 0 : i32
    %swap3A_614 = arith.index_cast %swap3A_612 : i32 to index
    %swap3A_615 = arith.index_cast %swap3A_613 : i32 to index
    %swap3A_616 = arith.constant 32 : index
    %swap3A_617 = tpu.vector_load %arg6[%swap3A_614, %swap3A_615, %swap3A_616] {strides = array<i32>} : memref<4x2x128xi32, #tpu.memory_space<vmem>>, vector<1x1x16xi32>,
    %swap3A_618 = vector.shape_cast %swap3A_617 : vector<1x1x16xi32> to vector<16xi32>
    %swap3A_619 = vector.shape_cast %add3A_611 : vector<16xi32> to vector<1x1x16xi32>
    tpu.vector_store %arg6[%swap3A_614, %swap3A_615, %swap3A_616], %swap3A_619 {strides = array<i32>} : memref<4x2x128xi32, #tpu.memory_space<vmem>>, vector<1x1x16xi32>,
    %iota3A_620 = tpu.iota {dimensions = array<i32: 0>} : vector<16xi32>
    %add3A_621 = arith.constant 48 : i32
    %add3A_622 = vector.broadcast %add3A_621 : i32 to vector<16xi32>
    %add3A_623 = arith.addi %add3A_622, %iota3A_620 : vector<16xi32>
    %shift_right_logical3A_624 = arith.constant 5 : i32
    %shift_right_logical3A_625 = vector.broadcast %shift_right_logical3A_624 : i32 to vector<16xi32>
    %shift_right_logical3A_626 = arith.shrui %add3A_623, %shift_right_logical3A_625 : vector<16xi32>
    %add3A_627 = vector.broadcast %mul3A_21 : i32 to vector<16xi32>
    %add3A_628 = arith.addi %add3A_627, %shift_right_logical3A_626 : vector<16xi32>
    %swap3A_629 = arith.constant 2 : i32
    %swap3A_630 = arith.constant 0 : i32
    %swap3A_631 = arith.index_cast %swap3A_629 : i32 to index
    %swap3A_632 = arith.index_cast %swap3A_630 : i32 to index
    %swap3A_633 = arith.constant 48 : index
    %swap3A_634 = tpu.vector_load %arg6[%swap3A_631, %swap3A_632, %swap3A_633] {strides = array<i32>} : memref<4x2x128xi32, #tpu.memory_space<vmem>>, vector<1x1x16xi32>,
    %swap3A_635 = vector.shape_cast %swap3A_634 : vector<1x1x16xi32> to vector<16xi32>
    %swap3A_636 = vector.shape_cast %add3A_628 : vector<16xi32> to vector<1x1x16xi32>
    tpu.vector_store %arg6[%swap3A_631, %swap3A_632, %swap3A_633], %swap3A_636 {strides = array<i32>} : memref<4x2x128xi32, #tpu.memory_space<vmem>>, vector<1x1x16xi32>,
    %iota3A_637 = tpu.iota {dimensions = array<i32: 0>} : vector<16xi32>
    %add3A_638 = arith.constant 64 : i32
    %add3A_639 = vector.broadcast %add3A_638 : i32 to vector<16xi32>
    %add3A_640 = arith.addi %add3A_639, %iota3A_637 : vector<16xi32>
    %shift_right_logical3A_641 = arith.constant 5 : i32
    %shift_right_logical3A_642 = vector.broadcast %shift_right_logical3A_641 : i32 to vector<16xi32>
    %shift_right_logical3A_643 = arith.shrui %add3A_640, %shift_right_logical3A_642 : vector<16xi32>
    %add3A_644 = vector.broadcast %mul3A_21 : i32 to vector<16xi32>
    %add3A_645 = arith.addi %add3A_644, %shift_right_logical3A_643 : vector<16xi32>
    %swap3A_646 = arith.constant 2 : i32
    %swap3A_647 = arith.constant 0 : i32
    %swap3A_648 = arith.index_cast %swap3A_646 : i32 to index
    %swap3A_649 = arith.index_cast %swap3A_647 : i32 to index
    %swap3A_650 = arith.constant 64 : index
    %swap3A_651 = tpu.vector_load %arg6[%swap3A_648, %swap3A_649, %swap3A_650] {strides = array<i32>} : memref<4x2x128xi32, #tpu.memory_space<vmem>>, vector<1x1x16xi32>,
    %swap3A_652 = vector.shape_cast %swap3A_651 : vector<1x1x16xi32> to vector<16xi32>
    %swap3A_653 = vector.shape_cast %add3A_645 : vector<16xi32> to vector<1x1x16xi32>
    tpu.vector_store %arg6[%swap3A_648, %swap3A_649, %swap3A_650], %swap3A_653 {strides = array<i32>} : memref<4x2x128xi32, #tpu.memory_space<vmem>>, vector<1x1x16xi32>,
    %iota3A_654 = tpu.iota {dimensions = array<i32: 0>} : vector<16xi32>
    %add3A_655 = arith.constant 80 : i32
    %add3A_656 = vector.broadcast %add3A_655 : i32 to vector<16xi32>
    %add3A_657 = arith.addi %add3A_656, %iota3A_654 : vector<16xi32>
    %shift_right_logical3A_658 = arith.constant 5 : i32
    %shift_right_logical3A_659 = vector.broadcast %shift_right_logical3A_658 : i32 to vector<16xi32>
    %shift_right_logical3A_660 = arith.shrui %add3A_657, %shift_right_logical3A_659 : vector<16xi32>
    %add3A_661 = vector.broadcast %mul3A_21 : i32 to vector<16xi32>
    %add3A_662 = arith.addi %add3A_661, %shift_right_logical3A_660 : vector<16xi32>
    %swap3A_663 = arith.constant 2 : i32
    %swap3A_664 = arith.constant 0 : i32
    %swap3A_665 = arith.index_cast %swap3A_663 : i32 to index
    %swap3A_666 = arith.index_cast %swap3A_664 : i32 to index
    %swap3A_667 = arith.constant 80 : index
    %swap3A_668 = tpu.vector_load %arg6[%swap3A_665, %swap3A_666, %swap3A_667] {strides = array<i32>} : memref<4x2x128xi32, #tpu.memory_space<vmem>>, vector<1x1x16xi32>,
    %swap3A_669 = vector.shape_cast %swap3A_668 : vector<1x1x16xi32> to vector<16xi32>
    %swap3A_670 = vector.shape_cast %add3A_662 : vector<16xi32> to vector<1x1x16xi32>
    tpu.vector_store %arg6[%swap3A_665, %swap3A_666, %swap3A_667], %swap3A_670 {strides = array<i32>} : memref<4x2x128xi32, #tpu.memory_space<vmem>>, vector<1x1x16xi32>,
    %iota3A_671 = tpu.iota {dimensions = array<i32: 0>} : vector<16xi32>
    %add3A_672 = arith.constant 96 : i32
    %add3A_673 = vector.broadcast %add3A_672 : i32 to vector<16xi32>
    %add3A_674 = arith.addi %add3A_673, %iota3A_671 : vector<16xi32>
    %shift_right_logical3A_675 = arith.constant 5 : i32
    %shift_right_logical3A_676 = vector.broadcast %shift_right_logical3A_675 : i32 to vector<16xi32>
    %shift_right_logical3A_677 = arith.shrui %add3A_674, %shift_right_logical3A_676 : vector<16xi32>
    %add3A_678 = vector.broadcast %mul3A_21 : i32 to vector<16xi32>
    %add3A_679 = arith.addi %add3A_678, %shift_right_logical3A_677 : vector<16xi32>
    %swap3A_680 = arith.constant 2 : i32
    %swap3A_681 = arith.constant 0 : i32
    %swap3A_682 = arith.index_cast %swap3A_680 : i32 to index
    %swap3A_683 = arith.index_cast %swap3A_681 : i32 to index
    %swap3A_684 = arith.constant 96 : index
    %swap3A_685 = tpu.vector_load %arg6[%swap3A_682, %swap3A_683, %swap3A_684] {strides = array<i32>} : memref<4x2x128xi32, #tpu.memory_space<vmem>>, vector<1x1x16xi32>,
    %swap3A_686 = vector.shape_cast %swap3A_685 : vector<1x1x16xi32> to vector<16xi32>
    %swap3A_687 = vector.shape_cast %add3A_679 : vector<16xi32> to vector<1x1x16xi32>
    tpu.vector_store %arg6[%swap3A_682, %swap3A_683, %swap3A_684], %swap3A_687 {strides = array<i32>} : memref<4x2x128xi32, #tpu.memory_space<vmem>>, vector<1x1x16xi32>,
    %iota3A_688 = tpu.iota {dimensions = array<i32: 0>} : vector<16xi32>
    %add3A_689 = arith.constant 112 : i32
    %add3A_690 = vector.broadcast %add3A_689 : i32 to vector<16xi32>
    %add3A_691 = arith.addi %add3A_690, %iota3A_688 : vector<16xi32>
    %shift_right_logical3A_692 = arith.constant 5 : i32
    %shift_right_logical3A_693 = vector.broadcast %shift_right_logical3A_692 : i32 to vector<16xi32>
    %shift_right_logical3A_694 = arith.shrui %add3A_691, %shift_right_logical3A_693 : vector<16xi32>
    %add3A_695 = vector.broadcast %mul3A_21 : i32 to vector<16xi32>
    %add3A_696 = arith.addi %add3A_695, %shift_right_logical3A_694 : vector<16xi32>
    %swap3A_697 = arith.constant 2 : i32
    %swap3A_698 = arith.constant 0 : i32
    %swap3A_699 = arith.index_cast %swap3A_697 : i32 to index
    %swap3A_700 = arith.index_cast %swap3A_698 : i32 to index
    %swap3A_701 = arith.constant 112 : index
    %swap3A_702 = tpu.vector_load %arg6[%swap3A_699, %swap3A_700, %swap3A_701] {strides = array<i32>} : memref<4x2x128xi32, #tpu.memory_space<vmem>>, vector<1x1x16xi32>,
    %swap3A_703 = vector.shape_cast %swap3A_702 : vector<1x1x16xi32> to vector<16xi32>
    %swap3A_704 = vector.shape_cast %add3A_696 : vector<16xi32> to vector<1x1x16xi32>
    tpu.vector_store %arg6[%swap3A_699, %swap3A_700, %swap3A_701], %swap3A_704 {strides = array<i32>} : memref<4x2x128xi32, #tpu.memory_space<vmem>>, vector<1x1x16xi32>,
    %iota3A_705 = tpu.iota {dimensions = array<i32: 0>} : vector<16xi32>
    %add3A_706 = arith.constant 128 : i32
    %add3A_707 = vector.broadcast %add3A_706 : i32 to vector<16xi32>
    %add3A_708 = arith.addi %add3A_707, %iota3A_705 : vector<16xi32>
    %shift_right_logical3A_709 = arith.constant 5 : i32
    %shift_right_logical3A_710 = vector.broadcast %shift_right_logical3A_709 : i32 to vector<16xi32>
    %shift_right_logical3A_711 = arith.shrui %add3A_708, %shift_right_logical3A_710 : vector<16xi32>
    %add3A_712 = vector.broadcast %mul3A_21 : i32 to vector<16xi32>
    %add3A_713 = arith.addi %add3A_712, %shift_right_logical3A_711 : vector<16xi32>
    %swap3A_714 = arith.constant 2 : i32
    %swap3A_715 = arith.constant 1 : i32
    %swap3A_716 = arith.index_cast %swap3A_714 : i32 to index
    %swap3A_717 = arith.index_cast %swap3A_715 : i32 to index
    %swap3A_718 = arith.constant 0 : index
    %swap3A_719 = tpu.vector_load %arg6[%swap3A_716, %swap3A_717, %swap3A_718] {strides = array<i32>} : memref<4x2x128xi32, #tpu.memory_space<vmem>>, vector<1x1x16xi32>,
    %swap3A_720 = vector.shape_cast %swap3A_719 : vector<1x1x16xi32> to vector<16xi32>
    %swap3A_721 = vector.shape_cast %add3A_713 : vector<16xi32> to vector<1x1x16xi32>
    tpu.vector_store %arg6[%swap3A_716, %swap3A_717, %swap3A_718], %swap3A_721 {strides = array<i32>} : memref<4x2x128xi32, #tpu.memory_space<vmem>>, vector<1x1x16xi32>,
    %iota3A_722 = tpu.iota {dimensions = array<i32: 0>} : vector<16xi32>
    %add3A_723 = arith.constant 144 : i32
    %add3A_724 = vector.broadcast %add3A_723 : i32 to vector<16xi32>
    %add3A_725 = arith.addi %add3A_724, %iota3A_722 : vector<16xi32>
    %shift_right_logical3A_726 = arith.constant 5 : i32
    %shift_right_logical3A_727 = vector.broadcast %shift_right_logical3A_726 : i32 to vector<16xi32>
    %shift_right_logical3A_728 = arith.shrui %add3A_725, %shift_right_logical3A_727 : vector<16xi32>
    %add3A_729 = vector.broadcast %mul3A_21 : i32 to vector<16xi32>
    %add3A_730 = arith.addi %add3A_729, %shift_right_logical3A_728 : vector<16xi32>
    %swap3A_731 = arith.constant 2 : i32
    %swap3A_732 = arith.constant 1 : i32
    %swap3A_733 = arith.index_cast %swap3A_731 : i32 to index
    %swap3A_734 = arith.index_cast %swap3A_732 : i32 to index
    %swap3A_735 = arith.constant 16 : index
    %swap3A_736 = tpu.vector_load %arg6[%swap3A_733, %swap3A_734, %swap3A_735] {strides = array<i32>} : memref<4x2x128xi32, #tpu.memory_space<vmem>>, vector<1x1x16xi32>,
    %swap3A_737 = vector.shape_cast %swap3A_736 : vector<1x1x16xi32> to vector<16xi32>
    %swap3A_738 = vector.shape_cast %add3A_730 : vector<16xi32> to vector<1x1x16xi32>
    tpu.vector_store %arg6[%swap3A_733, %swap3A_734, %swap3A_735], %swap3A_738 {strides = array<i32>} : memref<4x2x128xi32, #tpu.memory_space<vmem>>, vector<1x1x16xi32>,
    %iota3A_739 = tpu.iota {dimensions = array<i32: 0>} : vector<16xi32>
    %add3A_740 = arith.constant 160 : i32
    %add3A_741 = vector.broadcast %add3A_740 : i32 to vector<16xi32>
    %add3A_742 = arith.addi %add3A_741, %iota3A_739 : vector<16xi32>
    %shift_right_logical3A_743 = arith.constant 5 : i32
    %shift_right_logical3A_744 = vector.broadcast %shift_right_logical3A_743 : i32 to vector<16xi32>
    %shift_right_logical3A_745 = arith.shrui %add3A_742, %shift_right_logical3A_744 : vector<16xi32>
    %add3A_746 = vector.broadcast %mul3A_21 : i32 to vector<16xi32>
    %add3A_747 = arith.addi %add3A_746, %shift_right_logical3A_745 : vector<16xi32>
    %swap3A_748 = arith.constant 2 : i32
    %swap3A_749 = arith.constant 1 : i32
    %swap3A_750 = arith.index_cast %swap3A_748 : i32 to index
    %swap3A_751 = arith.index_cast %swap3A_749 : i32 to index
    %swap3A_752 = arith.constant 32 : index
    %swap3A_753 = tpu.vector_load %arg6[%swap3A_750, %swap3A_751, %swap3A_752] {strides = array<i32>} : memref<4x2x128xi32, #tpu.memory_space<vmem>>, vector<1x1x16xi32>,
    %swap3A_754 = vector.shape_cast %swap3A_753 : vector<1x1x16xi32> to vector<16xi32>
    %swap3A_755 = vector.shape_cast %add3A_747 : vector<16xi32> to vector<1x1x16xi32>
    tpu.vector_store %arg6[%swap3A_750, %swap3A_751, %swap3A_752], %swap3A_755 {strides = array<i32>} : memref<4x2x128xi32, #tpu.memory_space<vmem>>, vector<1x1x16xi32>,
    %iota3A_756 = tpu.iota {dimensions = array<i32: 0>} : vector<16xi32>
    %add3A_757 = arith.constant 176 : i32
    %add3A_758 = vector.broadcast %add3A_757 : i32 to vector<16xi32>
    %add3A_759 = arith.addi %add3A_758, %iota3A_756 : vector<16xi32>
    %shift_right_logical3A_760 = arith.constant 5 : i32
    %shift_right_logical3A_761 = vector.broadcast %shift_right_logical3A_760 : i32 to vector<16xi32>
    %shift_right_logical3A_762 = arith.shrui %add3A_759, %shift_right_logical3A_761 : vector<16xi32>
    %add3A_763 = vector.broadcast %mul3A_21 : i32 to vector<16xi32>
    %add3A_764 = arith.addi %add3A_763, %shift_right_logical3A_762 : vector<16xi32>
    %swap3A_765 = arith.constant 2 : i32
    %swap3A_766 = arith.constant 1 : i32
    %swap3A_767 = arith.index_cast %swap3A_765 : i32 to index
    %swap3A_768 = arith.index_cast %swap3A_766 : i32 to index
    %swap3A_769 = arith.constant 48 : index
    %swap3A_770 = tpu.vector_load %arg6[%swap3A_767, %swap3A_768, %swap3A_769] {strides = array<i32>} : memref<4x2x128xi32, #tpu.memory_space<vmem>>, vector<1x1x16xi32>,
    %swap3A_771 = vector.shape_cast %swap3A_770 : vector<1x1x16xi32> to vector<16xi32>
    %swap3A_772 = vector.shape_cast %add3A_764 : vector<16xi32> to vector<1x1x16xi32>
    tpu.vector_store %arg6[%swap3A_767, %swap3A_768, %swap3A_769], %swap3A_772 {strides = array<i32>} : memref<4x2x128xi32, #tpu.memory_space<vmem>>, vector<1x1x16xi32>,
    %iota3A_773 = tpu.iota {dimensions = array<i32: 0>} : vector<16xi32>
    %add3A_774 = arith.constant 192 : i32
    %add3A_775 = vector.broadcast %add3A_774 : i32 to vector<16xi32>
    %add3A_776 = arith.addi %add3A_775, %iota3A_773 : vector<16xi32>
    %shift_right_logical3A_777 = arith.constant 5 : i32
    %shift_right_logical3A_778 = vector.broadcast %shift_right_logical3A_777 : i32 to vector<16xi32>
    %shift_right_logical3A_779 = arith.shrui %add3A_776, %shift_right_logical3A_778 : vector<16xi32>
    %add3A_780 = vector.broadcast %mul3A_21 : i32 to vector<16xi32>
    %add3A_781 = arith.addi %add3A_780, %shift_right_logical3A_779 : vector<16xi32>
    %swap3A_782 = arith.constant 2 : i32
    %swap3A_783 = arith.constant 1 : i32
    %swap3A_784 = arith.index_cast %swap3A_782 : i32 to index
    %swap3A_785 = arith.index_cast %swap3A_783 : i32 to index
    %swap3A_786 = arith.constant 64 : index
    %swap3A_787 = tpu.vector_load %arg6[%swap3A_784, %swap3A_785, %swap3A_786] {strides = array<i32>} : memref<4x2x128xi32, #tpu.memory_space<vmem>>, vector<1x1x16xi32>,
    %swap3A_788 = vector.shape_cast %swap3A_787 : vector<1x1x16xi32> to vector<16xi32>
    %swap3A_789 = vector.shape_cast %add3A_781 : vector<16xi32> to vector<1x1x16xi32>
    tpu.vector_store %arg6[%swap3A_784, %swap3A_785, %swap3A_786], %swap3A_789 {strides = array<i32>} : memref<4x2x128xi32, #tpu.memory_space<vmem>>, vector<1x1x16xi32>,
    %iota3A_790 = tpu.iota {dimensions = array<i32: 0>} : vector<16xi32>
    %add3A_791 = arith.constant 208 : i32
    %add3A_792 = vector.broadcast %add3A_791 : i32 to vector<16xi32>
    %add3A_793 = arith.addi %add3A_792, %iota3A_790 : vector<16xi32>
    %shift_right_logical3A_794 = arith.constant 5 : i32
    %shift_right_logical3A_795 = vector.broadcast %shift_right_logical3A_794 : i32 to vector<16xi32>
    %shift_right_logical3A_796 = arith.shrui %add3A_793, %shift_right_logical3A_795 : vector<16xi32>
    %add3A_797 = vector.broadcast %mul3A_21 : i32 to vector<16xi32>
    %add3A_798 = arith.addi %add3A_797, %shift_right_logical3A_796 : vector<16xi32>
    %swap3A_799 = arith.constant 2 : i32
    %swap3A_800 = arith.constant 1 : i32
    %swap3A_801 = arith.index_cast %swap3A_799 : i32 to index
    %swap3A_802 = arith.index_cast %swap3A_800 : i32 to index
    %swap3A_803 = arith.constant 80 : index
    %swap3A_804 = tpu.vector_load %arg6[%swap3A_801, %swap3A_802, %swap3A_803] {strides = array<i32>} : memref<4x2x128xi32, #tpu.memory_space<vmem>>, vector<1x1x16xi32>,
    %swap3A_805 = vector.shape_cast %swap3A_804 : vector<1x1x16xi32> to vector<16xi32>
    %swap3A_806 = vector.shape_cast %add3A_798 : vector<16xi32> to vector<1x1x16xi32>
    tpu.vector_store %arg6[%swap3A_801, %swap3A_802, %swap3A_803], %swap3A_806 {strides = array<i32>} : memref<4x2x128xi32, #tpu.memory_space<vmem>>, vector<1x1x16xi32>,
    %iota3A_807 = tpu.iota {dimensions = array<i32: 0>} : vector<16xi32>
    %add3A_808 = arith.constant 224 : i32
    %add3A_809 = vector.broadcast %add3A_808 : i32 to vector<16xi32>
    %add3A_810 = arith.addi %add3A_809, %iota3A_807 : vector<16xi32>
    %shift_right_logical3A_811 = arith.constant 5 : i32
    %shift_right_logical3A_812 = vector.broadcast %shift_right_logical3A_811 : i32 to vector<16xi32>
    %shift_right_logical3A_813 = arith.shrui %add3A_810, %shift_right_logical3A_812 : vector<16xi32>
    %add3A_814 = vector.broadcast %mul3A_21 : i32 to vector<16xi32>
    %add3A_815 = arith.addi %add3A_814, %shift_right_logical3A_813 : vector<16xi32>
    %swap3A_816 = arith.constant 2 : i32
    %swap3A_817 = arith.constant 1 : i32
    %swap3A_818 = arith.index_cast %swap3A_816 : i32 to index
    %swap3A_819 = arith.index_cast %swap3A_817 : i32 to index
    %swap3A_820 = arith.constant 96 : index
    %swap3A_821 = tpu.vector_load %arg6[%swap3A_818, %swap3A_819, %swap3A_820] {strides = array<i32>} : memref<4x2x128xi32, #tpu.memory_space<vmem>>, vector<1x1x16xi32>,
    %swap3A_822 = vector.shape_cast %swap3A_821 : vector<1x1x16xi32> to vector<16xi32>
    %swap3A_823 = vector.shape_cast %add3A_815 : vector<16xi32> to vector<1x1x16xi32>
    tpu.vector_store %arg6[%swap3A_818, %swap3A_819, %swap3A_820], %swap3A_823 {strides = array<i32>} : memref<4x2x128xi32, #tpu.memory_space<vmem>>, vector<1x1x16xi32>,
    %iota3A_824 = tpu.iota {dimensions = array<i32: 0>} : vector<16xi32>
    %add3A_825 = arith.constant 240 : i32
    %add3A_826 = vector.broadcast %add3A_825 : i32 to vector<16xi32>
    %add3A_827 = arith.addi %add3A_826, %iota3A_824 : vector<16xi32>
    %shift_right_logical3A_828 = arith.constant 5 : i32
    %shift_right_logical3A_829 = vector.broadcast %shift_right_logical3A_828 : i32 to vector<16xi32>
    %shift_right_logical3A_830 = arith.shrui %add3A_827, %shift_right_logical3A_829 : vector<16xi32>
    %add3A_831 = vector.broadcast %mul3A_21 : i32 to vector<16xi32>
    %add3A_832 = arith.addi %add3A_831, %shift_right_logical3A_830 : vector<16xi32>
    %swap3A_833 = arith.constant 2 : i32
    %swap3A_834 = arith.constant 1 : i32
    %swap3A_835 = arith.index_cast %swap3A_833 : i32 to index
    %swap3A_836 = arith.index_cast %swap3A_834 : i32 to index
    %swap3A_837 = arith.constant 112 : index
    %swap3A_838 = tpu.vector_load %arg6[%swap3A_835, %swap3A_836, %swap3A_837] {strides = array<i32>} : memref<4x2x128xi32, #tpu.memory_space<vmem>>, vector<1x1x16xi32>,
    %swap3A_839 = vector.shape_cast %swap3A_838 : vector<1x1x16xi32> to vector<16xi32>
    %swap3A_840 = vector.shape_cast %add3A_832 : vector<16xi32> to vector<1x1x16xi32>
    tpu.vector_store %arg6[%swap3A_835, %swap3A_836, %swap3A_837], %swap3A_840 {strides = array<i32>} : memref<4x2x128xi32, #tpu.memory_space<vmem>>, vector<1x1x16xi32>,
    %iota3A_841 = tpu.iota {dimensions = array<i32: 0>} : vector<16xi32>
    %add3A_842 = arith.constant 0 : i32
    %add3A_843 = vector.broadcast %add3A_842 : i32 to vector<16xi32>
    %add3A_844 = arith.addi %add3A_843, %iota3A_841 : vector<16xi32>
    %shift_right_logical3A_845 = arith.constant 5 : i32
    %shift_right_logical3A_846 = vector.broadcast %shift_right_logical3A_845 : i32 to vector<16xi32>
    %shift_right_logical3A_847 = arith.shrui %add3A_844, %shift_right_logical3A_846 : vector<16xi32>
    %add3A_848 = vector.broadcast %mul3A_27 : i32 to vector<16xi32>
    %add3A_849 = arith.addi %add3A_848, %shift_right_logical3A_847 : vector<16xi32>
    %swap3A_850 = arith.constant 3 : i32
    %swap3A_851 = arith.constant 0 : i32
    %swap3A_852 = arith.index_cast %swap3A_850 : i32 to index
    %swap3A_853 = arith.index_cast %swap3A_851 : i32 to index
    %swap3A_854 = arith.constant 0 : index
    %swap3A_855 = tpu.vector_load %arg6[%swap3A_852, %swap3A_853, %swap3A_854] {strides = array<i32>} : memref<4x2x128xi32, #tpu.memory_space<vmem>>, vector<1x1x16xi32>,
    %swap3A_856 = vector.shape_cast %swap3A_855 : vector<1x1x16xi32> to vector<16xi32>
    %swap3A_857 = vector.shape_cast %add3A_849 : vector<16xi32> to vector<1x1x16xi32>
    tpu.vector_store %arg6[%swap3A_852, %swap3A_853, %swap3A_854], %swap3A_857 {strides = array<i32>} : memref<4x2x128xi32, #tpu.memory_space<vmem>>, vector<1x1x16xi32>,
    %iota3A_858 = tpu.iota {dimensions = array<i32: 0>} : vector<16xi32>
    %add3A_859 = arith.constant 16 : i32
    %add3A_860 = vector.broadcast %add3A_859 : i32 to vector<16xi32>
    %add3A_861 = arith.addi %add3A_860, %iota3A_858 : vector<16xi32>
    %shift_right_logical3A_862 = arith.constant 5 : i32
    %shift_right_logical3A_863 = vector.broadcast %shift_right_logical3A_862 : i32 to vector<16xi32>
    %shift_right_logical3A_864 = arith.shrui %add3A_861, %shift_right_logical3A_863 : vector<16xi32>
    %add3A_865 = vector.broadcast %mul3A_27 : i32 to vector<16xi32>
    %add3A_866 = arith.addi %add3A_865, %shift_right_logical3A_864 : vector<16xi32>
    %swap3A_867 = arith.constant 3 : i32
    %swap3A_868 = arith.constant 0 : i32
    %swap3A_869 = arith.index_cast %swap3A_867 : i32 to index
    %swap3A_870 = arith.index_cast %swap3A_868 : i32 to index
    %swap3A_871 = arith.constant 16 : index
    %swap3A_872 = tpu.vector_load %arg6[%swap3A_869, %swap3A_870, %swap3A_871] {strides = array<i32>} : memref<4x2x128xi32, #tpu.memory_space<vmem>>, vector<1x1x16xi32>,
    %swap3A_873 = vector.shape_cast %swap3A_872 : vector<1x1x16xi32> to vector<16xi32>
    %swap3A_874 = vector.shape_cast %add3A_866 : vector<16xi32> to vector<1x1x16xi32>
    tpu.vector_store %arg6[%swap3A_869, %swap3A_870, %swap3A_871], %swap3A_874 {strides = array<i32>} : memref<4x2x128xi32, #tpu.memory_space<vmem>>, vector<1x1x16xi32>,
    %iota3A_875 = tpu.iota {dimensions = array<i32: 0>} : vector<16xi32>
    %add3A_876 = arith.constant 32 : i32
    %add3A_877 = vector.broadcast %add3A_876 : i32 to vector<16xi32>
    %add3A_878 = arith.addi %add3A_877, %iota3A_875 : vector<16xi32>
    %shift_right_logical3A_879 = arith.constant 5 : i32
    %shift_right_logical3A_880 = vector.broadcast %shift_right_logical3A_879 : i32 to vector<16xi32>
    %shift_right_logical3A_881 = arith.shrui %add3A_878, %shift_right_logical3A_880 : vector<16xi32>
    %add3A_882 = vector.broadcast %mul3A_27 : i32 to vector<16xi32>
    %add3A_883 = arith.addi %add3A_882, %shift_right_logical3A_881 : vector<16xi32>
    %swap3A_884 = arith.constant 3 : i32
    %swap3A_885 = arith.constant 0 : i32
    %swap3A_886 = arith.index_cast %swap3A_884 : i32 to index
    %swap3A_887 = arith.index_cast %swap3A_885 : i32 to index
    %swap3A_888 = arith.constant 32 : index
    %swap3A_889 = tpu.vector_load %arg6[%swap3A_886, %swap3A_887, %swap3A_888] {strides = array<i32>} : memref<4x2x128xi32, #tpu.memory_space<vmem>>, vector<1x1x16xi32>,
    %swap3A_890 = vector.shape_cast %swap3A_889 : vector<1x1x16xi32> to vector<16xi32>
    %swap3A_891 = vector.shape_cast %add3A_883 : vector<16xi32> to vector<1x1x16xi32>
    tpu.vector_store %arg6[%swap3A_886, %swap3A_887, %swap3A_888], %swap3A_891 {strides = array<i32>} : memref<4x2x128xi32, #tpu.memory_space<vmem>>, vector<1x1x16xi32>,
    %iota3A_892 = tpu.iota {dimensions = array<i32: 0>} : vector<16xi32>
    %add3A_893 = arith.constant 48 : i32
    %add3A_894 = vector.broadcast %add3A_893 : i32 to vector<16xi32>
    %add3A_895 = arith.addi %add3A_894, %iota3A_892 : vector<16xi32>
    %shift_right_logical3A_896 = arith.constant 5 : i32
    %shift_right_logical3A_897 = vector.broadcast %shift_right_logical3A_896 : i32 to vector<16xi32>
    %shift_right_logical3A_898 = arith.shrui %add3A_895, %shift_right_logical3A_897 : vector<16xi32>
    %add3A_899 = vector.broadcast %mul3A_27 : i32 to vector<16xi32>
    %add3A_900 = arith.addi %add3A_899, %shift_right_logical3A_898 : vector<16xi32>
    %swap3A_901 = arith.constant 3 : i32
    %swap3A_902 = arith.constant 0 : i32
    %swap3A_903 = arith.index_cast %swap3A_901 : i32 to index
    %swap3A_904 = arith.index_cast %swap3A_902 : i32 to index
    %swap3A_905 = arith.constant 48 : index
    %swap3A_906 = tpu.vector_load %arg6[%swap3A_903, %swap3A_904, %swap3A_905] {strides = array<i32>} : memref<4x2x128xi32, #tpu.memory_space<vmem>>, vector<1x1x16xi32>,
    %swap3A_907 = vector.shape_cast %swap3A_906 : vector<1x1x16xi32> to vector<16xi32>
    %swap3A_908 = vector.shape_cast %add3A_900 : vector<16xi32> to vector<1x1x16xi32>
    tpu.vector_store %arg6[%swap3A_903, %swap3A_904, %swap3A_905], %swap3A_908 {strides = array<i32>} : memref<4x2x128xi32, #tpu.memory_space<vmem>>, vector<1x1x16xi32>,
    %iota3A_909 = tpu.iota {dimensions = array<i32: 0>} : vector<16xi32>
    %add3A_910 = arith.constant 64 : i32
    %add3A_911 = vector.broadcast %add3A_910 : i32 to vector<16xi32>
    %add3A_912 = arith.addi %add3A_911, %iota3A_909 : vector<16xi32>
    %shift_right_logical3A_913 = arith.constant 5 : i32
    %shift_right_logical3A_914 = vector.broadcast %shift_right_logical3A_913 : i32 to vector<16xi32>
    %shift_right_logical3A_915 = arith.shrui %add3A_912, %shift_right_logical3A_914 : vector<16xi32>
    %add3A_916 = vector.broadcast %mul3A_27 : i32 to vector<16xi32>
    %add3A_917 = arith.addi %add3A_916, %shift_right_logical3A_915 : vector<16xi32>
    %swap3A_918 = arith.constant 3 : i32
    %swap3A_919 = arith.constant 0 : i32
    %swap3A_920 = arith.index_cast %swap3A_918 : i32 to index
    %swap3A_921 = arith.index_cast %swap3A_919 : i32 to index
    %swap3A_922 = arith.constant 64 : index
    %swap3A_923 = tpu.vector_load %arg6[%swap3A_920, %swap3A_921, %swap3A_922] {strides = array<i32>} : memref<4x2x128xi32, #tpu.memory_space<vmem>>, vector<1x1x16xi32>,
    %swap3A_924 = vector.shape_cast %swap3A_923 : vector<1x1x16xi32> to vector<16xi32>
    %swap3A_925 = vector.shape_cast %add3A_917 : vector<16xi32> to vector<1x1x16xi32>
    tpu.vector_store %arg6[%swap3A_920, %swap3A_921, %swap3A_922], %swap3A_925 {strides = array<i32>} : memref<4x2x128xi32, #tpu.memory_space<vmem>>, vector<1x1x16xi32>,
    %iota3A_926 = tpu.iota {dimensions = array<i32: 0>} : vector<16xi32>
    %add3A_927 = arith.constant 80 : i32
    %add3A_928 = vector.broadcast %add3A_927 : i32 to vector<16xi32>
    %add3A_929 = arith.addi %add3A_928, %iota3A_926 : vector<16xi32>
    %shift_right_logical3A_930 = arith.constant 5 : i32
    %shift_right_logical3A_931 = vector.broadcast %shift_right_logical3A_930 : i32 to vector<16xi32>
    %shift_right_logical3A_932 = arith.shrui %add3A_929, %shift_right_logical3A_931 : vector<16xi32>
    %add3A_933 = vector.broadcast %mul3A_27 : i32 to vector<16xi32>
    %add3A_934 = arith.addi %add3A_933, %shift_right_logical3A_932 : vector<16xi32>
    %swap3A_935 = arith.constant 3 : i32
    %swap3A_936 = arith.constant 0 : i32
    %swap3A_937 = arith.index_cast %swap3A_935 : i32 to index
    %swap3A_938 = arith.index_cast %swap3A_936 : i32 to index
    %swap3A_939 = arith.constant 80 : index
    %swap3A_940 = tpu.vector_load %arg6[%swap3A_937, %swap3A_938, %swap3A_939] {strides = array<i32>} : memref<4x2x128xi32, #tpu.memory_space<vmem>>, vector<1x1x16xi32>,
    %swap3A_941 = vector.shape_cast %swap3A_940 : vector<1x1x16xi32> to vector<16xi32>
    %swap3A_942 = vector.shape_cast %add3A_934 : vector<16xi32> to vector<1x1x16xi32>
    tpu.vector_store %arg6[%swap3A_937, %swap3A_938, %swap3A_939], %swap3A_942 {strides = array<i32>} : memref<4x2x128xi32, #tpu.memory_space<vmem>>, vector<1x1x16xi32>,
    %iota3A_943 = tpu.iota {dimensions = array<i32: 0>} : vector<16xi32>
    %add3A_944 = arith.constant 96 : i32
    %add3A_945 = vector.broadcast %add3A_944 : i32 to vector<16xi32>
    %add3A_946 = arith.addi %add3A_945, %iota3A_943 : vector<16xi32>
    %shift_right_logical3A_947 = arith.constant 5 : i32
    %shift_right_logical3A_948 = vector.broadcast %shift_right_logical3A_947 : i32 to vector<16xi32>
    %shift_right_logical3A_949 = arith.shrui %add3A_946, %shift_right_logical3A_948 : vector<16xi32>
    %add3A_950 = vector.broadcast %mul3A_27 : i32 to vector<16xi32>
    %add3A_951 = arith.addi %add3A_950, %shift_right_logical3A_949 : vector<16xi32>
    %swap3A_952 = arith.constant 3 : i32
    %swap3A_953 = arith.constant 0 : i32
    %swap3A_954 = arith.index_cast %swap3A_952 : i32 to index
    %swap3A_955 = arith.index_cast %swap3A_953 : i32 to index
    %swap3A_956 = arith.constant 96 : index
    %swap3A_957 = tpu.vector_load %arg6[%swap3A_954, %swap3A_955, %swap3A_956] {strides = array<i32>} : memref<4x2x128xi32, #tpu.memory_space<vmem>>, vector<1x1x16xi32>,
    %swap3A_958 = vector.shape_cast %swap3A_957 : vector<1x1x16xi32> to vector<16xi32>
    %swap3A_959 = vector.shape_cast %add3A_951 : vector<16xi32> to vector<1x1x16xi32>
    tpu.vector_store %arg6[%swap3A_954, %swap3A_955, %swap3A_956], %swap3A_959 {strides = array<i32>} : memref<4x2x128xi32, #tpu.memory_space<vmem>>, vector<1x1x16xi32>,
    %iota3A_960 = tpu.iota {dimensions = array<i32: 0>} : vector<16xi32>
    %add3A_961 = arith.constant 112 : i32
    %add3A_962 = vector.broadcast %add3A_961 : i32 to vector<16xi32>
    %add3A_963 = arith.addi %add3A_962, %iota3A_960 : vector<16xi32>
    %shift_right_logical3A_964 = arith.constant 5 : i32
    %shift_right_logical3A_965 = vector.broadcast %shift_right_logical3A_964 : i32 to vector<16xi32>
    %shift_right_logical3A_966 = arith.shrui %add3A_963, %shift_right_logical3A_965 : vector<16xi32>
    %add3A_967 = vector.broadcast %mul3A_27 : i32 to vector<16xi32>
    %add3A_968 = arith.addi %add3A_967, %shift_right_logical3A_966 : vector<16xi32>
    %swap3A_969 = arith.constant 3 : i32
    %swap3A_970 = arith.constant 0 : i32
    %swap3A_971 = arith.index_cast %swap3A_969 : i32 to index
    %swap3A_972 = arith.index_cast %swap3A_970 : i32 to index
    %swap3A_973 = arith.constant 112 : index
    %swap3A_974 = tpu.vector_load %arg6[%swap3A_971, %swap3A_972, %swap3A_973] {strides = array<i32>} : memref<4x2x128xi32, #tpu.memory_space<vmem>>, vector<1x1x16xi32>,
    %swap3A_975 = vector.shape_cast %swap3A_974 : vector<1x1x16xi32> to vector<16xi32>
    %swap3A_976 = vector.shape_cast %add3A_968 : vector<16xi32> to vector<1x1x16xi32>
    tpu.vector_store %arg6[%swap3A_971, %swap3A_972, %swap3A_973], %swap3A_976 {strides = array<i32>} : memref<4x2x128xi32, #tpu.memory_space<vmem>>, vector<1x1x16xi32>,
    %iota3A_977 = tpu.iota {dimensions = array<i32: 0>} : vector<16xi32>
    %add3A_978 = arith.constant 128 : i32
    %add3A_979 = vector.broadcast %add3A_978 : i32 to vector<16xi32>
    %add3A_980 = arith.addi %add3A_979, %iota3A_977 : vector<16xi32>
    %shift_right_logical3A_981 = arith.constant 5 : i32
    %shift_right_logical3A_982 = vector.broadcast %shift_right_logical3A_981 : i32 to vector<16xi32>
    %shift_right_logical3A_983 = arith.shrui %add3A_980, %shift_right_logical3A_982 : vector<16xi32>
    %add3A_984 = vector.broadcast %mul3A_27 : i32 to vector<16xi32>
    %add3A_985 = arith.addi %add3A_984, %shift_right_logical3A_983 : vector<16xi32>
    %swap3A_986 = arith.constant 3 : i32
    %swap3A_987 = arith.constant 1 : i32
    %swap3A_988 = arith.index_cast %swap3A_986 : i32 to index
    %swap3A_989 = arith.index_cast %swap3A_987 : i32 to index
    %swap3A_990 = arith.constant 0 : index
    %swap3A_991 = tpu.vector_load %arg6[%swap3A_988, %swap3A_989, %swap3A_990] {strides = array<i32>} : memref<4x2x128xi32, #tpu.memory_space<vmem>>, vector<1x1x16xi32>,
    %swap3A_992 = vector.shape_cast %swap3A_991 : vector<1x1x16xi32> to vector<16xi32>
    %swap3A_993 = vector.shape_cast %add3A_985 : vector<16xi32> to vector<1x1x16xi32>
    tpu.vector_store %arg6[%swap3A_988, %swap3A_989, %swap3A_990], %swap3A_993 {strides = array<i32>} : memref<4x2x128xi32, #tpu.memory_space<vmem>>, vector<1x1x16xi32>,
    %iota3A_994 = tpu.iota {dimensions = array<i32: 0>} : vector<16xi32>
    %add3A_995 = arith.constant 144 : i32
    %add3A_996 = vector.broadcast %add3A_995 : i32 to vector<16xi32>
    %add3A_997 = arith.addi %add3A_996, %iota3A_994 : vector<16xi32>
    %shift_right_logical3A_998 = arith.constant 5 : i32
    %shift_right_logical3A_999 = vector.broadcast %shift_right_logical3A_998 : i32 to vector<16xi32>
    %shift_right_logical3A_1000 = arith.shrui %add3A_997, %shift_right_logical3A_999 : vector<16xi32>
    %add3A_1001 = vector.broadcast %mul3A_27 : i32 to vector<16xi32>
    %add3A_1002 = arith.addi %add3A_1001, %shift_right_logical3A_1000 : vector<16xi32>
    %swap3A_1003 = arith.constant 3 : i32
    %swap3A_1004 = arith.constant 1 : i32
    %swap3A_1005 = arith.index_cast %swap3A_1003 : i32 to index
    %swap3A_1006 = arith.index_cast %swap3A_1004 : i32 to index
    %swap3A_1007 = arith.constant 16 : index
    %swap3A_1008 = tpu.vector_load %arg6[%swap3A_1005, %swap3A_1006, %swap3A_1007] {strides = array<i32>} : memref<4x2x128xi32, #tpu.memory_space<vmem>>, vector<1x1x16xi32>,
    %swap3A_1009 = vector.shape_cast %swap3A_1008 : vector<1x1x16xi32> to vector<16xi32>
    %swap3A_1010 = vector.shape_cast %add3A_1002 : vector<16xi32> to vector<1x1x16xi32>
    tpu.vector_store %arg6[%swap3A_1005, %swap3A_1006, %swap3A_1007], %swap3A_1010 {strides = array<i32>} : memref<4x2x128xi32, #tpu.memory_space<vmem>>, vector<1x1x16xi32>,
    %iota3A_1011 = tpu.iota {dimensions = array<i32: 0>} : vector<16xi32>
    %add3A_1012 = arith.constant 160 : i32
    %add3A_1013 = vector.broadcast %add3A_1012 : i32 to vector<16xi32>
    %add3A_1014 = arith.addi %add3A_1013, %iota3A_1011 : vector<16xi32>
    %shift_right_logical3A_1015 = arith.constant 5 : i32
    %shift_right_logical3A_1016 = vector.broadcast %shift_right_logical3A_1015 : i32 to vector<16xi32>
    %shift_right_logical3A_1017 = arith.shrui %add3A_1014, %shift_right_logical3A_1016 : vector<16xi32>
    %add3A_1018 = vector.broadcast %mul3A_27 : i32 to vector<16xi32>
    %add3A_1019 = arith.addi %add3A_1018, %shift_right_logical3A_1017 : vector<16xi32>
    %swap3A_1020 = arith.constant 3 : i32
    %swap3A_1021 = arith.constant 1 : i32
    %swap3A_1022 = arith.index_cast %swap3A_1020 : i32 to index
    %swap3A_1023 = arith.index_cast %swap3A_1021 : i32 to index
    %swap3A_1024 = arith.constant 32 : index
    %swap3A_1025 = tpu.vector_load %arg6[%swap3A_1022, %swap3A_1023, %swap3A_1024] {strides = array<i32>} : memref<4x2x128xi32, #tpu.memory_space<vmem>>, vector<1x1x16xi32>,
    %swap3A_1026 = vector.shape_cast %swap3A_1025 : vector<1x1x16xi32> to vector<16xi32>
    %swap3A_1027 = vector.shape_cast %add3A_1019 : vector<16xi32> to vector<1x1x16xi32>
    tpu.vector_store %arg6[%swap3A_1022, %swap3A_1023, %swap3A_1024], %swap3A_1027 {strides = array<i32>} : memref<4x2x128xi32, #tpu.memory_space<vmem>>, vector<1x1x16xi32>,
    %iota3A_1028 = tpu.iota {dimensions = array<i32: 0>} : vector<16xi32>
    %add3A_1029 = arith.constant 176 : i32
    %add3A_1030 = vector.broadcast %add3A_1029 : i32 to vector<16xi32>
    %add3A_1031 = arith.addi %add3A_1030, %iota3A_1028 : vector<16xi32>
    %shift_right_logical3A_1032 = arith.constant 5 : i32
    %shift_right_logical3A_1033 = vector.broadcast %shift_right_logical3A_1032 : i32 to vector<16xi32>
    %shift_right_logical3A_1034 = arith.shrui %add3A_1031, %shift_right_logical3A_1033 : vector<16xi32>
    %add3A_1035 = vector.broadcast %mul3A_27 : i32 to vector<16xi32>
    %add3A_1036 = arith.addi %add3A_1035, %shift_right_logical3A_1034 : vector<16xi32>
    %swap3A_1037 = arith.constant 3 : i32
    %swap3A_1038 = arith.constant 1 : i32
    %swap3A_1039 = arith.index_cast %swap3A_1037 : i32 to index
    %swap3A_1040 = arith.index_cast %swap3A_1038 : i32 to index
    %swap3A_1041 = arith.constant 48 : index
    %swap3A_1042 = tpu.vector_load %arg6[%swap3A_1039, %swap3A_1040, %swap3A_1041] {strides = array<i32>} : memref<4x2x128xi32, #tpu.memory_space<vmem>>, vector<1x1x16xi32>,
    %swap3A_1043 = vector.shape_cast %swap3A_1042 : vector<1x1x16xi32> to vector<16xi32>
    %swap3A_1044 = vector.shape_cast %add3A_1036 : vector<16xi32> to vector<1x1x16xi32>
    tpu.vector_store %arg6[%swap3A_1039, %swap3A_1040, %swap3A_1041], %swap3A_1044 {strides = array<i32>} : memref<4x2x128xi32, #tpu.memory_space<vmem>>, vector<1x1x16xi32>,
    %iota3A_1045 = tpu.iota {dimensions = array<i32: 0>} : vector<16xi32>
    %add3A_1046 = arith.constant 192 : i32
    %add3A_1047 = vector.broadcast %add3A_1046 : i32 to vector<16xi32>
    %add3A_1048 = arith.addi %add3A_1047, %iota3A_1045 : vector<16xi32>
    %shift_right_logical3A_1049 = arith.constant 5 : i32
    %shift_right_logical3A_1050 = vector.broadcast %shift_right_logical3A_1049 : i32 to vector<16xi32>
    %shift_right_logical3A_1051 = arith.shrui %add3A_1048, %shift_right_logical3A_1050 : vector<16xi32>
    %add3A_1052 = vector.broadcast %mul3A_27 : i32 to vector<16xi32>
    %add3A_1053 = arith.addi %add3A_1052, %shift_right_logical3A_1051 : vector<16xi32>
    %swap3A_1054 = arith.constant 3 : i32
    %swap3A_1055 = arith.constant 1 : i32
    %swap3A_1056 = arith.index_cast %swap3A_1054 : i32 to index
    %swap3A_1057 = arith.index_cast %swap3A_1055 : i32 to index
    %swap3A_1058 = arith.constant 64 : index
    %swap3A_1059 = tpu.vector_load %arg6[%swap3A_1056, %swap3A_1057, %swap3A_1058] {strides = array<i32>} : memref<4x2x128xi32, #tpu.memory_space<vmem>>, vector<1x1x16xi32>,
    %swap3A_1060 = vector.shape_cast %swap3A_1059 : vector<1x1x16xi32> to vector<16xi32>
    %swap3A_1061 = vector.shape_cast %add3A_1053 : vector<16xi32> to vector<1x1x16xi32>
    tpu.vector_store %arg6[%swap3A_1056, %swap3A_1057, %swap3A_1058], %swap3A_1061 {strides = array<i32>} : memref<4x2x128xi32, #tpu.memory_space<vmem>>, vector<1x1x16xi32>,
    %iota3A_1062 = tpu.iota {dimensions = array<i32: 0>} : vector<16xi32>
    %add3A_1063 = arith.constant 208 : i32
    %add3A_1064 = vector.broadcast %add3A_1063 : i32 to vector<16xi32>
    %add3A_1065 = arith.addi %add3A_1064, %iota3A_1062 : vector<16xi32>
    %shift_right_logical3A_1066 = arith.constant 5 : i32
    %shift_right_logical3A_1067 = vector.broadcast %shift_right_logical3A_1066 : i32 to vector<16xi32>
    %shift_right_logical3A_1068 = arith.shrui %add3A_1065, %shift_right_logical3A_1067 : vector<16xi32>
    %add3A_1069 = vector.broadcast %mul3A_27 : i32 to vector<16xi32>
    %add3A_1070 = arith.addi %add3A_1069, %shift_right_logical3A_1068 : vector<16xi32>
    %swap3A_1071 = arith.constant 3 : i32
    %swap3A_1072 = arith.constant 1 : i32
    %swap3A_1073 = arith.index_cast %swap3A_1071 : i32 to index
    %swap3A_1074 = arith.index_cast %swap3A_1072 : i32 to index
    %swap3A_1075 = arith.constant 80 : index
    %swap3A_1076 = tpu.vector_load %arg6[%swap3A_1073, %swap3A_1074, %swap3A_1075] {strides = array<i32>} : memref<4x2x128xi32, #tpu.memory_space<vmem>>, vector<1x1x16xi32>,
    %swap3A_1077 = vector.shape_cast %swap3A_1076 : vector<1x1x16xi32> to vector<16xi32>
    %swap3A_1078 = vector.shape_cast %add3A_1070 : vector<16xi32> to vector<1x1x16xi32>
    tpu.vector_store %arg6[%swap3A_1073, %swap3A_1074, %swap3A_1075], %swap3A_1078 {strides = array<i32>} : memref<4x2x128xi32, #tpu.memory_space<vmem>>, vector<1x1x16xi32>,
    %iota3A_1079 = tpu.iota {dimensions = array<i32: 0>} : vector<16xi32>
    %add3A_1080 = arith.constant 224 : i32
    %add3A_1081 = vector.broadcast %add3A_1080 : i32 to vector<16xi32>
    %add3A_1082 = arith.addi %add3A_1081, %iota3A_1079 : vector<16xi32>
    %shift_right_logical3A_1083 = arith.constant 5 : i32
    %shift_right_logical3A_1084 = vector.broadcast %shift_right_logical3A_1083 : i32 to vector<16xi32>
    %shift_right_logical3A_1085 = arith.shrui %add3A_1082, %shift_right_logical3A_1084 : vector<16xi32>
    %add3A_1086 = vector.broadcast %mul3A_27 : i32 to vector<16xi32>
    %add3A_1087 = arith.addi %add3A_1086, %shift_right_logical3A_1085 : vector<16xi32>
    %swap3A_1088 = arith.constant 3 : i32
    %swap3A_1089 = arith.constant 1 : i32
    %swap3A_1090 = arith.index_cast %swap3A_1088 : i32 to index
    %swap3A_1091 = arith.index_cast %swap3A_1089 : i32 to index
    %swap3A_1092 = arith.constant 96 : index
    %swap3A_1093 = tpu.vector_load %arg6[%swap3A_1090, %swap3A_1091, %swap3A_1092] {strides = array<i32>} : memref<4x2x128xi32, #tpu.memory_space<vmem>>, vector<1x1x16xi32>,
    %swap3A_1094 = vector.shape_cast %swap3A_1093 : vector<1x1x16xi32> to vector<16xi32>
    %swap3A_1095 = vector.shape_cast %add3A_1087 : vector<16xi32> to vector<1x1x16xi32>
    tpu.vector_store %arg6[%swap3A_1090, %swap3A_1091, %swap3A_1092], %swap3A_1095 {strides = array<i32>} : memref<4x2x128xi32, #tpu.memory_space<vmem>>, vector<1x1x16xi32>,
    %iota3A_1096 = tpu.iota {dimensions = array<i32: 0>} : vector<16xi32>
    %add3A_1097 = arith.constant 240 : i32
    %add3A_1098 = vector.broadcast %add3A_1097 : i32 to vector<16xi32>
    %add3A_1099 = arith.addi %add3A_1098, %iota3A_1096 : vector<16xi32>
    %shift_right_logical3A_1100 = arith.constant 5 : i32
    %shift_right_logical3A_1101 = vector.broadcast %shift_right_logical3A_1100 : i32 to vector<16xi32>
    %shift_right_logical3A_1102 = arith.shrui %add3A_1099, %shift_right_logical3A_1101 : vector<16xi32>
    %add3A_1103 = vector.broadcast %mul3A_27 : i32 to vector<16xi32>
    %add3A_1104 = arith.addi %add3A_1103, %shift_right_logical3A_1102 : vector<16xi32>
    %swap3A_1105 = arith.constant 3 : i32
    %swap3A_1106 = arith.constant 1 : i32
    %swap3A_1107 = arith.index_cast %swap3A_1105 : i32 to index
    %swap3A_1108 = arith.index_cast %swap3A_1106 : i32 to index
    %swap3A_1109 = arith.constant 112 : index
    %swap3A_1110 = tpu.vector_load %arg6[%swap3A_1107, %swap3A_1108, %swap3A_1109] {strides = array<i32>} : memref<4x2x128xi32, #tpu.memory_space<vmem>>, vector<1x1x16xi32>,
    %swap3A_1111 = vector.shape_cast %swap3A_1110 : vector<1x1x16xi32> to vector<16xi32>
    %swap3A_1112 = vector.shape_cast %add3A_1104 : vector<16xi32> to vector<1x1x16xi32>
    tpu.vector_store %arg6[%swap3A_1107, %swap3A_1108, %swap3A_1109], %swap3A_1112 {strides = array<i32>} : memref<4x2x128xi32, #tpu.memory_space<vmem>>, vector<1x1x16xi32>,
    %broadcast_in_dim3A = arith.constant 0.000000e+00 : f32
    %broadcast_in_dim3A_1113 = vector.broadcast %broadcast_in_dim3A : f32 to vector<16xf32>
    %swap3A_1114 = arith.constant 0 : i32
    %swap3A_1115 = arith.index_cast %swap3A_1114 : i32 to index
    %swap3A_1116 = arith.constant 0 : index
    %swap3A_1117 = tpu.vector_load %arg7[%swap3A_1115, %swap3A_1116] {strides = array<i32>} : memref<8x128xf32, #tpu.memory_space<vmem>>, vector<1x16xf32>,
    %swap3A_1118 = vector.shape_cast %swap3A_1117 : vector<1x16xf32> to vector<16xf32>
    %swap3A_1119 = vector.shape_cast %broadcast_in_dim3A_1113 : vector<16xf32> to vector<1x16xf32>
    tpu.vector_store %arg7[%swap3A_1115, %swap3A_1116], %swap3A_1119 {strides = array<i32>} : memref<8x128xf32, #tpu.memory_space<vmem>>, vector<1x16xf32>,
    %swap3A_1120 = arith.constant 0 : i32
    %swap3A_1121 = arith.index_cast %swap3A_1120 : i32 to index
    %swap3A_1122 = arith.constant 16 : index
    %swap3A_1123 = tpu.vector_load %arg7[%swap3A_1121, %swap3A_1122] {strides = array<i32>} : memref<8x128xf32, #tpu.memory_space<vmem>>, vector<1x16xf32>,
    %swap3A_1124 = vector.shape_cast %swap3A_1123 : vector<1x16xf32> to vector<16xf32>
    %swap3A_1125 = vector.shape_cast %broadcast_in_dim3A_1113 : vector<16xf32> to vector<1x16xf32>
    tpu.vector_store %arg7[%swap3A_1121, %swap3A_1122], %swap3A_1125 {strides = array<i32>} : memref<8x128xf32, #tpu.memory_space<vmem>>, vector<1x16xf32>,
    %swap3A_1126 = arith.constant 0 : i32
    %swap3A_1127 = arith.index_cast %swap3A_1126 : i32 to index
    %swap3A_1128 = arith.constant 32 : index
    %swap3A_1129 = tpu.vector_load %arg7[%swap3A_1127, %swap3A_1128] {strides = array<i32>} : memref<8x128xf32, #tpu.memory_space<vmem>>, vector<1x16xf32>,
    %swap3A_1130 = vector.shape_cast %swap3A_1129 : vector<1x16xf32> to vector<16xf32>
    %swap3A_1131 = vector.shape_cast %broadcast_in_dim3A_1113 : vector<16xf32> to vector<1x16xf32>
    tpu.vector_store %arg7[%swap3A_1127, %swap3A_1128], %swap3A_1131 {strides = array<i32>} : memref<8x128xf32, #tpu.memory_space<vmem>>, vector<1x16xf32>,
    %swap3A_1132 = arith.constant 0 : i32
    %swap3A_1133 = arith.index_cast %swap3A_1132 : i32 to index
    %swap3A_1134 = arith.constant 48 : index
    %swap3A_1135 = tpu.vector_load %arg7[%swap3A_1133, %swap3A_1134] {strides = array<i32>} : memref<8x128xf32, #tpu.memory_space<vmem>>, vector<1x16xf32>,
    %swap3A_1136 = vector.shape_cast %swap3A_1135 : vector<1x16xf32> to vector<16xf32>
    %swap3A_1137 = vector.shape_cast %broadcast_in_dim3A_1113 : vector<16xf32> to vector<1x16xf32>
    tpu.vector_store %arg7[%swap3A_1133, %swap3A_1134], %swap3A_1137 {strides = array<i32>} : memref<8x128xf32, #tpu.memory_space<vmem>>, vector<1x16xf32>,
    %swap3A_1138 = arith.constant 0 : i32
    %swap3A_1139 = arith.index_cast %swap3A_1138 : i32 to index
    %swap3A_1140 = arith.constant 64 : index
    %swap3A_1141 = tpu.vector_load %arg7[%swap3A_1139, %swap3A_1140] {strides = array<i32>} : memref<8x128xf32, #tpu.memory_space<vmem>>, vector<1x16xf32>,
    %swap3A_1142 = vector.shape_cast %swap3A_1141 : vector<1x16xf32> to vector<16xf32>
    %swap3A_1143 = vector.shape_cast %broadcast_in_dim3A_1113 : vector<16xf32> to vector<1x16xf32>
    tpu.vector_store %arg7[%swap3A_1139, %swap3A_1140], %swap3A_1143 {strides = array<i32>} : memref<8x128xf32, #tpu.memory_space<vmem>>, vector<1x16xf32>,
    %swap3A_1144 = arith.constant 0 : i32
    %swap3A_1145 = arith.index_cast %swap3A_1144 : i32 to index
    %swap3A_1146 = arith.constant 80 : index
    %swap3A_1147 = tpu.vector_load %arg7[%swap3A_1145, %swap3A_1146] {strides = array<i32>} : memref<8x128xf32, #tpu.memory_space<vmem>>, vector<1x16xf32>,
    %swap3A_1148 = vector.shape_cast %swap3A_1147 : vector<1x16xf32> to vector<16xf32>
    %swap3A_1149 = vector.shape_cast %broadcast_in_dim3A_1113 : vector<16xf32> to vector<1x16xf32>
    tpu.vector_store %arg7[%swap3A_1145, %swap3A_1146], %swap3A_1149 {strides = array<i32>} : memref<8x128xf32, #tpu.memory_space<vmem>>, vector<1x16xf32>,
    %swap3A_1150 = arith.constant 0 : i32
    %swap3A_1151 = arith.index_cast %swap3A_1150 : i32 to index
    %swap3A_1152 = arith.constant 96 : index
    %swap3A_1153 = tpu.vector_load %arg7[%swap3A_1151, %swap3A_1152] {strides = array<i32>} : memref<8x128xf32, #tpu.memory_space<vmem>>, vector<1x16xf32>,
    %swap3A_1154 = vector.shape_cast %swap3A_1153 : vector<1x16xf32> to vector<16xf32>
    %swap3A_1155 = vector.shape_cast %broadcast_in_dim3A_1113 : vector<16xf32> to vector<1x16xf32>
    tpu.vector_store %arg7[%swap3A_1151, %swap3A_1152], %swap3A_1155 {strides = array<i32>} : memref<8x128xf32, #tpu.memory_space<vmem>>, vector<1x16xf32>,
    %swap3A_1156 = arith.constant 0 : i32
    %swap3A_1157 = arith.index_cast %swap3A_1156 : i32 to index
    %swap3A_1158 = arith.constant 112 : index
    %swap3A_1159 = tpu.vector_load %arg7[%swap3A_1157, %swap3A_1158] {strides = array<i32>} : memref<8x128xf32, #tpu.memory_space<vmem>>, vector<1x16xf32>,
    %swap3A_1160 = vector.shape_cast %swap3A_1159 : vector<1x16xf32> to vector<16xf32>
    %swap3A_1161 = vector.shape_cast %broadcast_in_dim3A_1113 : vector<16xf32> to vector<1x16xf32>
    tpu.vector_store %arg7[%swap3A_1157, %swap3A_1158], %swap3A_1161 {strides = array<i32>} : memref<8x128xf32, #tpu.memory_space<vmem>>, vector<1x16xf32>,
    %swap3A_1162 = arith.constant 1 : i32
    %swap3A_1163 = arith.index_cast %swap3A_1162 : i32 to index
    %swap3A_1164 = arith.constant 0 : index
    %swap3A_1165 = tpu.vector_load %arg7[%swap3A_1163, %swap3A_1164] {strides = array<i32>} : memref<8x128xf32, #tpu.memory_space<vmem>>, vector<1x16xf32>,
    %swap3A_1166 = vector.shape_cast %swap3A_1165 : vector<1x16xf32> to vector<16xf32>
    %swap3A_1167 = vector.shape_cast %broadcast_in_dim3A_1113 : vector<16xf32> to vector<1x16xf32>
    tpu.vector_store %arg7[%swap3A_1163, %swap3A_1164], %swap3A_1167 {strides = array<i32>} : memref<8x128xf32, #tpu.memory_space<vmem>>, vector<1x16xf32>,
    %swap3A_1168 = arith.constant 1 : i32
    %swap3A_1169 = arith.index_cast %swap3A_1168 : i32 to index
    %swap3A_1170 = arith.constant 16 : index
    %swap3A_1171 = tpu.vector_load %arg7[%swap3A_1169, %swap3A_1170] {strides = array<i32>} : memref<8x128xf32, #tpu.memory_space<vmem>>, vector<1x16xf32>,
    %swap3A_1172 = vector.shape_cast %swap3A_1171 : vector<1x16xf32> to vector<16xf32>
    %swap3A_1173 = vector.shape_cast %broadcast_in_dim3A_1113 : vector<16xf32> to vector<1x16xf32>
    tpu.vector_store %arg7[%swap3A_1169, %swap3A_1170], %swap3A_1173 {strides = array<i32>} : memref<8x128xf32, #tpu.memory_space<vmem>>, vector<1x16xf32>,
    %swap3A_1174 = arith.constant 1 : i32
    %swap3A_1175 = arith.index_cast %swap3A_1174 : i32 to index
    %swap3A_1176 = arith.constant 32 : index
    %swap3A_1177 = tpu.vector_load %arg7[%swap3A_1175, %swap3A_1176] {strides = array<i32>} : memref<8x128xf32, #tpu.memory_space<vmem>>, vector<1x16xf32>,
    %swap3A_1178 = vector.shape_cast %swap3A_1177 : vector<1x16xf32> to vector<16xf32>
    %swap3A_1179 = vector.shape_cast %broadcast_in_dim3A_1113 : vector<16xf32> to vector<1x16xf32>
    tpu.vector_store %arg7[%swap3A_1175, %swap3A_1176], %swap3A_1179 {strides = array<i32>} : memref<8x128xf32, #tpu.memory_space<vmem>>, vector<1x16xf32>,
    %swap3A_1180 = arith.constant 1 : i32
    %swap3A_1181 = arith.index_cast %swap3A_1180 : i32 to index
    %swap3A_1182 = arith.constant 48 : index
    %swap3A_1183 = tpu.vector_load %arg7[%swap3A_1181, %swap3A_1182] {strides = array<i32>} : memref<8x128xf32, #tpu.memory_space<vmem>>, vector<1x16xf32>,
    %swap3A_1184 = vector.shape_cast %swap3A_1183 : vector<1x16xf32> to vector<16xf32>
    %swap3A_1185 = vector.shape_cast %broadcast_in_dim3A_1113 : vector<16xf32> to vector<1x16xf32>
    tpu.vector_store %arg7[%swap3A_1181, %swap3A_1182], %swap3A_1185 {strides = array<i32>} : memref<8x128xf32, #tpu.memory_space<vmem>>, vector<1x16xf32>,
    %swap3A_1186 = arith.constant 1 : i32
    %swap3A_1187 = arith.index_cast %swap3A_1186 : i32 to index
    %swap3A_1188 = arith.constant 64 : index
    %swap3A_1189 = tpu.vector_load %arg7[%swap3A_1187, %swap3A_1188] {strides = array<i32>} : memref<8x128xf32, #tpu.memory_space<vmem>>, vector<1x16xf32>,
    %swap3A_1190 = vector.shape_cast %swap3A_1189 : vector<1x16xf32> to vector<16xf32>
    %swap3A_1191 = vector.shape_cast %broadcast_in_dim3A_1113 : vector<16xf32> to vector<1x16xf32>
    tpu.vector_store %arg7[%swap3A_1187, %swap3A_1188], %swap3A_1191 {strides = array<i32>} : memref<8x128xf32, #tpu.memory_space<vmem>>, vector<1x16xf32>,
    %swap3A_1192 = arith.constant 1 : i32
    %swap3A_1193 = arith.index_cast %swap3A_1192 : i32 to index
    %swap3A_1194 = arith.constant 80 : index
    %swap3A_1195 = tpu.vector_load %arg7[%swap3A_1193, %swap3A_1194] {strides = array<i32>} : memref<8x128xf32, #tpu.memory_space<vmem>>, vector<1x16xf32>,
    %swap3A_1196 = vector.shape_cast %swap3A_1195 : vector<1x16xf32> to vector<16xf32>
    %swap3A_1197 = vector.shape_cast %broadcast_in_dim3A_1113 : vector<16xf32> to vector<1x16xf32>
    tpu.vector_store %arg7[%swap3A_1193, %swap3A_1194], %swap3A_1197 {strides = array<i32>} : memref<8x128xf32, #tpu.memory_space<vmem>>, vector<1x16xf32>,
    %swap3A_1198 = arith.constant 1 : i32
    %swap3A_1199 = arith.index_cast %swap3A_1198 : i32 to index
    %swap3A_1200 = arith.constant 96 : index
    %swap3A_1201 = tpu.vector_load %arg7[%swap3A_1199, %swap3A_1200] {strides = array<i32>} : memref<8x128xf32, #tpu.memory_space<vmem>>, vector<1x16xf32>,
    %swap3A_1202 = vector.shape_cast %swap3A_1201 : vector<1x16xf32> to vector<16xf32>
    %swap3A_1203 = vector.shape_cast %broadcast_in_dim3A_1113 : vector<16xf32> to vector<1x16xf32>
    tpu.vector_store %arg7[%swap3A_1199, %swap3A_1200], %swap3A_1203 {strides = array<i32>} : memref<8x128xf32, #tpu.memory_space<vmem>>, vector<1x16xf32>,
    %swap3A_1204 = arith.constant 1 : i32
    %swap3A_1205 = arith.index_cast %swap3A_1204 : i32 to index
    %swap3A_1206 = arith.constant 112 : index
    %swap3A_1207 = tpu.vector_load %arg7[%swap3A_1205, %swap3A_1206] {strides = array<i32>} : memref<8x128xf32, #tpu.memory_space<vmem>>, vector<1x16xf32>,
    %swap3A_1208 = vector.shape_cast %swap3A_1207 : vector<1x16xf32> to vector<16xf32>
    %swap3A_1209 = vector.shape_cast %broadcast_in_dim3A_1113 : vector<16xf32> to vector<1x16xf32>
    tpu.vector_store %arg7[%swap3A_1205, %swap3A_1206], %swap3A_1209 {strides = array<i32>} : memref<8x128xf32, #tpu.memory_space<vmem>>, vector<1x16xf32>,
    %swap3A_1210 = arith.constant 2 : i32
    %swap3A_1211 = arith.index_cast %swap3A_1210 : i32 to index
    %swap3A_1212 = arith.constant 0 : index
    %swap3A_1213 = tpu.vector_load %arg7[%swap3A_1211, %swap3A_1212] {strides = array<i32>} : memref<8x128xf32, #tpu.memory_space<vmem>>, vector<1x16xf32>,
    %swap3A_1214 = vector.shape_cast %swap3A_1213 : vector<1x16xf32> to vector<16xf32>
    %swap3A_1215 = vector.shape_cast %broadcast_in_dim3A_1113 : vector<16xf32> to vector<1x16xf32>
    tpu.vector_store %arg7[%swap3A_1211, %swap3A_1212], %swap3A_1215 {strides = array<i32>} : memref<8x128xf32, #tpu.memory_space<vmem>>, vector<1x16xf32>,
    %swap3A_1216 = arith.constant 2 : i32
    %swap3A_1217 = arith.index_cast %swap3A_1216 : i32 to index
    %swap3A_1218 = arith.constant 16 : index
    %swap3A_1219 = tpu.vector_load %arg7[%swap3A_1217, %swap3A_1218] {strides = array<i32>} : memref<8x128xf32, #tpu.memory_space<vmem>>, vector<1x16xf32>,
    %swap3A_1220 = vector.shape_cast %swap3A_1219 : vector<1x16xf32> to vector<16xf32>
    %swap3A_1221 = vector.shape_cast %broadcast_in_dim3A_1113 : vector<16xf32> to vector<1x16xf32>
    tpu.vector_store %arg7[%swap3A_1217, %swap3A_1218], %swap3A_1221 {strides = array<i32>} : memref<8x128xf32, #tpu.memory_space<vmem>>, vector<1x16xf32>,
    %swap3A_1222 = arith.constant 2 : i32
    %swap3A_1223 = arith.index_cast %swap3A_1222 : i32 to index
    %swap3A_1224 = arith.constant 32 : index
    %swap3A_1225 = tpu.vector_load %arg7[%swap3A_1223, %swap3A_1224] {strides = array<i32>} : memref<8x128xf32, #tpu.memory_space<vmem>>, vector<1x16xf32>,
    %swap3A_1226 = vector.shape_cast %swap3A_1225 : vector<1x16xf32> to vector<16xf32>
    %swap3A_1227 = vector.shape_cast %broadcast_in_dim3A_1113 : vector<16xf32> to vector<1x16xf32>
    tpu.vector_store %arg7[%swap3A_1223, %swap3A_1224], %swap3A_1227 {strides = array<i32>} : memref<8x128xf32, #tpu.memory_space<vmem>>, vector<1x16xf32>,
    %swap3A_1228 = arith.constant 2 : i32
    %swap3A_1229 = arith.index_cast %swap3A_1228 : i32 to index
    %swap3A_1230 = arith.constant 48 : index
    %swap3A_1231 = tpu.vector_load %arg7[%swap3A_1229, %swap3A_1230] {strides = array<i32>} : memref<8x128xf32, #tpu.memory_space<vmem>>, vector<1x16xf32>,
    %swap3A_1232 = vector.shape_cast %swap3A_1231 : vector<1x16xf32> to vector<16xf32>
    %swap3A_1233 = vector.shape_cast %broadcast_in_dim3A_1113 : vector<16xf32> to vector<1x16xf32>
    tpu.vector_store %arg7[%swap3A_1229, %swap3A_1230], %swap3A_1233 {strides = array<i32>} : memref<8x128xf32, #tpu.memory_space<vmem>>, vector<1x16xf32>,
    %swap3A_1234 = arith.constant 2 : i32
    %swap3A_1235 = arith.index_cast %swap3A_1234 : i32 to index
    %swap3A_1236 = arith.constant 64 : index
    %swap3A_1237 = tpu.vector_load %arg7[%swap3A_1235, %swap3A_1236] {strides = array<i32>} : memref<8x128xf32, #tpu.memory_space<vmem>>, vector<1x16xf32>,
    %swap3A_1238 = vector.shape_cast %swap3A_1237 : vector<1x16xf32> to vector<16xf32>
    %swap3A_1239 = vector.shape_cast %broadcast_in_dim3A_1113 : vector<16xf32> to vector<1x16xf32>
    tpu.vector_store %arg7[%swap3A_1235, %swap3A_1236], %swap3A_1239 {strides = array<i32>} : memref<8x128xf32, #tpu.memory_space<vmem>>, vector<1x16xf32>,
    %swap3A_1240 = arith.constant 2 : i32
    %swap3A_1241 = arith.index_cast %swap3A_1240 : i32 to index
    %swap3A_1242 = arith.constant 80 : index
    %swap3A_1243 = tpu.vector_load %arg7[%swap3A_1241, %swap3A_1242] {strides = array<i32>} : memref<8x128xf32, #tpu.memory_space<vmem>>, vector<1x16xf32>,
    %swap3A_1244 = vector.shape_cast %swap3A_1243 : vector<1x16xf32> to vector<16xf32>
    %swap3A_1245 = vector.shape_cast %broadcast_in_dim3A_1113 : vector<16xf32> to vector<1x16xf32>
    tpu.vector_store %arg7[%swap3A_1241, %swap3A_1242], %swap3A_1245 {strides = array<i32>} : memref<8x128xf32, #tpu.memory_space<vmem>>, vector<1x16xf32>,
    %swap3A_1246 = arith.constant 2 : i32
    %swap3A_1247 = arith.index_cast %swap3A_1246 : i32 to index
    %swap3A_1248 = arith.constant 96 : index
    %swap3A_1249 = tpu.vector_load %arg7[%swap3A_1247, %swap3A_1248] {strides = array<i32>} : memref<8x128xf32, #tpu.memory_space<vmem>>, vector<1x16xf32>,
    %swap3A_1250 = vector.shape_cast %swap3A_1249 : vector<1x16xf32> to vector<16xf32>
    %swap3A_1251 = vector.shape_cast %broadcast_in_dim3A_1113 : vector<16xf32> to vector<1x16xf32>
    tpu.vector_store %arg7[%swap3A_1247, %swap3A_1248], %swap3A_1251 {strides = array<i32>} : memref<8x128xf32, #tpu.memory_space<vmem>>, vector<1x16xf32>,
    %swap3A_1252 = arith.constant 2 : i32
    %swap3A_1253 = arith.index_cast %swap3A_1252 : i32 to index
    %swap3A_1254 = arith.constant 112 : index
    %swap3A_1255 = tpu.vector_load %arg7[%swap3A_1253, %swap3A_1254] {strides = array<i32>} : memref<8x128xf32, #tpu.memory_space<vmem>>, vector<1x16xf32>,
    %swap3A_1256 = vector.shape_cast %swap3A_1255 : vector<1x16xf32> to vector<16xf32>
    %swap3A_1257 = vector.shape_cast %broadcast_in_dim3A_1113 : vector<16xf32> to vector<1x16xf32>
    tpu.vector_store %arg7[%swap3A_1253, %swap3A_1254], %swap3A_1257 {strides = array<i32>} : memref<8x128xf32, #tpu.memory_space<vmem>>, vector<1x16xf32>,
    %swap3A_1258 = arith.constant 3 : i32
    %swap3A_1259 = arith.index_cast %swap3A_1258 : i32 to index
    %swap3A_1260 = arith.constant 0 : index
    %swap3A_1261 = tpu.vector_load %arg7[%swap3A_1259, %swap3A_1260] {strides = array<i32>} : memref<8x128xf32, #tpu.memory_space<vmem>>, vector<1x16xf32>,
    %swap3A_1262 = vector.shape_cast %swap3A_1261 : vector<1x16xf32> to vector<16xf32>
    %swap3A_1263 = vector.shape_cast %broadcast_in_dim3A_1113 : vector<16xf32> to vector<1x16xf32>
    tpu.vector_store %arg7[%swap3A_1259, %swap3A_1260], %swap3A_1263 {strides = array<i32>} : memref<8x128xf32, #tpu.memory_space<vmem>>, vector<1x16xf32>,
    %swap3A_1264 = arith.constant 3 : i32
    %swap3A_1265 = arith.index_cast %swap3A_1264 : i32 to index
    %swap3A_1266 = arith.constant 16 : index
    %swap3A_1267 = tpu.vector_load %arg7[%swap3A_1265, %swap3A_1266] {strides = array<i32>} : memref<8x128xf32, #tpu.memory_space<vmem>>, vector<1x16xf32>,
    %swap3A_1268 = vector.shape_cast %swap3A_1267 : vector<1x16xf32> to vector<16xf32>
    %swap3A_1269 = vector.shape_cast %broadcast_in_dim3A_1113 : vector<16xf32> to vector<1x16xf32>
    tpu.vector_store %arg7[%swap3A_1265, %swap3A_1266], %swap3A_1269 {strides = array<i32>} : memref<8x128xf32, #tpu.memory_space<vmem>>, vector<1x16xf32>,
    %swap3A_1270 = arith.constant 3 : i32
    %swap3A_1271 = arith.index_cast %swap3A_1270 : i32 to index
    %swap3A_1272 = arith.constant 32 : index
    %swap3A_1273 = tpu.vector_load %arg7[%swap3A_1271, %swap3A_1272] {strides = array<i32>} : memref<8x128xf32, #tpu.memory_space<vmem>>, vector<1x16xf32>,
    %swap3A_1274 = vector.shape_cast %swap3A_1273 : vector<1x16xf32> to vector<16xf32>
    %swap3A_1275 = vector.shape_cast %broadcast_in_dim3A_1113 : vector<16xf32> to vector<1x16xf32>
    tpu.vector_store %arg7[%swap3A_1271, %swap3A_1272], %swap3A_1275 {strides = array<i32>} : memref<8x128xf32, #tpu.memory_space<vmem>>, vector<1x16xf32>,
    %swap3A_1276 = arith.constant 3 : i32
    %swap3A_1277 = arith.index_cast %swap3A_1276 : i32 to index
    %swap3A_1278 = arith.constant 48 : index
    %swap3A_1279 = tpu.vector_load %arg7[%swap3A_1277, %swap3A_1278] {strides = array<i32>} : memref<8x128xf32, #tpu.memory_space<vmem>>, vector<1x16xf32>,
    %swap3A_1280 = vector.shape_cast %swap3A_1279 : vector<1x16xf32> to vector<16xf32>
    %swap3A_1281 = vector.shape_cast %broadcast_in_dim3A_1113 : vector<16xf32> to vector<1x16xf32>
    tpu.vector_store %arg7[%swap3A_1277, %swap3A_1278], %swap3A_1281 {strides = array<i32>} : memref<8x128xf32, #tpu.memory_space<vmem>>, vector<1x16xf32>,
    %swap3A_1282 = arith.constant 3 : i32
    %swap3A_1283 = arith.index_cast %swap3A_1282 : i32 to index
    %swap3A_1284 = arith.constant 64 : index
    %swap3A_1285 = tpu.vector_load %arg7[%swap3A_1283, %swap3A_1284] {strides = array<i32>} : memref<8x128xf32, #tpu.memory_space<vmem>>, vector<1x16xf32>,
    %swap3A_1286 = vector.shape_cast %swap3A_1285 : vector<1x16xf32> to vector<16xf32>
    %swap3A_1287 = vector.shape_cast %broadcast_in_dim3A_1113 : vector<16xf32> to vector<1x16xf32>
    tpu.vector_store %arg7[%swap3A_1283, %swap3A_1284], %swap3A_1287 {strides = array<i32>} : memref<8x128xf32, #tpu.memory_space<vmem>>, vector<1x16xf32>,
    %swap3A_1288 = arith.constant 3 : i32
    %swap3A_1289 = arith.index_cast %swap3A_1288 : i32 to index
    %swap3A_1290 = arith.constant 80 : index
    %swap3A_1291 = tpu.vector_load %arg7[%swap3A_1289, %swap3A_1290] {strides = array<i32>} : memref<8x128xf32, #tpu.memory_space<vmem>>, vector<1x16xf32>,
    %swap3A_1292 = vector.shape_cast %swap3A_1291 : vector<1x16xf32> to vector<16xf32>
    %swap3A_1293 = vector.shape_cast %broadcast_in_dim3A_1113 : vector<16xf32> to vector<1x16xf32>
    tpu.vector_store %arg7[%swap3A_1289, %swap3A_1290], %swap3A_1293 {strides = array<i32>} : memref<8x128xf32, #tpu.memory_space<vmem>>, vector<1x16xf32>,
    %swap3A_1294 = arith.constant 3 : i32
    %swap3A_1295 = arith.index_cast %swap3A_1294 : i32 to index
    %swap3A_1296 = arith.constant 96 : index
    %swap3A_1297 = tpu.vector_load %arg7[%swap3A_1295, %swap3A_1296] {strides = array<i32>} : memref<8x128xf32, #tpu.memory_space<vmem>>, vector<1x16xf32>,
    %swap3A_1298 = vector.shape_cast %swap3A_1297 : vector<1x16xf32> to vector<16xf32>
    %swap3A_1299 = vector.shape_cast %broadcast_in_dim3A_1113 : vector<16xf32> to vector<1x16xf32>
    tpu.vector_store %arg7[%swap3A_1295, %swap3A_1296], %swap3A_1299 {strides = array<i32>} : memref<8x128xf32, #tpu.memory_space<vmem>>, vector<1x16xf32>,
    %swap3A_1300 = arith.constant 3 : i32
    %swap3A_1301 = arith.index_cast %swap3A_1300 : i32 to index
    %swap3A_1302 = arith.constant 112 : index
    %swap3A_1303 = tpu.vector_load %arg7[%swap3A_1301, %swap3A_1302] {strides = array<i32>} : memref<8x128xf32, #tpu.memory_space<vmem>>, vector<1x16xf32>,
    %swap3A_1304 = vector.shape_cast %swap3A_1303 : vector<1x16xf32> to vector<16xf32>
    %swap3A_1305 = vector.shape_cast %broadcast_in_dim3A_1113 : vector<16xf32> to vector<1x16xf32>
    tpu.vector_store %arg7[%swap3A_1301, %swap3A_1302], %swap3A_1305 {strides = array<i32>} : memref<8x128xf32, #tpu.memory_space<vmem>>, vector<1x16xf32>,
    %swap3A_1306 = arith.constant 4 : i32
    %swap3A_1307 = arith.index_cast %swap3A_1306 : i32 to index
    %swap3A_1308 = arith.constant 0 : index
    %swap3A_1309 = tpu.vector_load %arg7[%swap3A_1307, %swap3A_1308] {strides = array<i32>} : memref<8x128xf32, #tpu.memory_space<vmem>>, vector<1x16xf32>,
    %swap3A_1310 = vector.shape_cast %swap3A_1309 : vector<1x16xf32> to vector<16xf32>
    %swap3A_1311 = vector.shape_cast %broadcast_in_dim3A_1113 : vector<16xf32> to vector<1x16xf32>
    tpu.vector_store %arg7[%swap3A_1307, %swap3A_1308], %swap3A_1311 {strides = array<i32>} : memref<8x128xf32, #tpu.memory_space<vmem>>, vector<1x16xf32>,
    %swap3A_1312 = arith.constant 4 : i32
    %swap3A_1313 = arith.index_cast %swap3A_1312 : i32 to index
    %swap3A_1314 = arith.constant 16 : index
    %swap3A_1315 = tpu.vector_load %arg7[%swap3A_1313, %swap3A_1314] {strides = array<i32>} : memref<8x128xf32, #tpu.memory_space<vmem>>, vector<1x16xf32>,
    %swap3A_1316 = vector.shape_cast %swap3A_1315 : vector<1x16xf32> to vector<16xf32>
    %swap3A_1317 = vector.shape_cast %broadcast_in_dim3A_1113 : vector<16xf32> to vector<1x16xf32>
    tpu.vector_store %arg7[%swap3A_1313, %swap3A_1314], %swap3A_1317 {strides = array<i32>} : memref<8x128xf32, #tpu.memory_space<vmem>>, vector<1x16xf32>,
    %swap3A_1318 = arith.constant 4 : i32
    %swap3A_1319 = arith.index_cast %swap3A_1318 : i32 to index
    %swap3A_1320 = arith.constant 32 : index
    %swap3A_1321 = tpu.vector_load %arg7[%swap3A_1319, %swap3A_1320] {strides = array<i32>} : memref<8x128xf32, #tpu.memory_space<vmem>>, vector<1x16xf32>,
    %swap3A_1322 = vector.shape_cast %swap3A_1321 : vector<1x16xf32> to vector<16xf32>
    %swap3A_1323 = vector.shape_cast %broadcast_in_dim3A_1113 : vector<16xf32> to vector<1x16xf32>
    tpu.vector_store %arg7[%swap3A_1319, %swap3A_1320], %swap3A_1323 {strides = array<i32>} : memref<8x128xf32, #tpu.memory_space<vmem>>, vector<1x16xf32>,
    %swap3A_1324 = arith.constant 4 : i32
    %swap3A_1325 = arith.index_cast %swap3A_1324 : i32 to index
    %swap3A_1326 = arith.constant 48 : index
    %swap3A_1327 = tpu.vector_load %arg7[%swap3A_1325, %swap3A_1326] {strides = array<i32>} : memref<8x128xf32, #tpu.memory_space<vmem>>, vector<1x16xf32>,
    %swap3A_1328 = vector.shape_cast %swap3A_1327 : vector<1x16xf32> to vector<16xf32>
    %swap3A_1329 = vector.shape_cast %broadcast_in_dim3A_1113 : vector<16xf32> to vector<1x16xf32>
    tpu.vector_store %arg7[%swap3A_1325, %swap3A_1326], %swap3A_1329 {strides = array<i32>} : memref<8x128xf32, #tpu.memory_space<vmem>>, vector<1x16xf32>,
    %swap3A_1330 = arith.constant 4 : i32
    %swap3A_1331 = arith.index_cast %swap3A_1330 : i32 to index
    %swap3A_1332 = arith.constant 64 : index
    %swap3A_1333 = tpu.vector_load %arg7[%swap3A_1331, %swap3A_1332] {strides = array<i32>} : memref<8x128xf32, #tpu.memory_space<vmem>>, vector<1x16xf32>,
    %swap3A_1334 = vector.shape_cast %swap3A_1333 : vector<1x16xf32> to vector<16xf32>
    %swap3A_1335 = vector.shape_cast %broadcast_in_dim3A_1113 : vector<16xf32> to vector<1x16xf32>
    tpu.vector_store %arg7[%swap3A_1331, %swap3A_1332], %swap3A_1335 {strides = array<i32>} : memref<8x128xf32, #tpu.memory_space<vmem>>, vector<1x16xf32>,
    %swap3A_1336 = arith.constant 4 : i32
    %swap3A_1337 = arith.index_cast %swap3A_1336 : i32 to index
    %swap3A_1338 = arith.constant 80 : index
    %swap3A_1339 = tpu.vector_load %arg7[%swap3A_1337, %swap3A_1338] {strides = array<i32>} : memref<8x128xf32, #tpu.memory_space<vmem>>, vector<1x16xf32>,
    %swap3A_1340 = vector.shape_cast %swap3A_1339 : vector<1x16xf32> to vector<16xf32>
    %swap3A_1341 = vector.shape_cast %broadcast_in_dim3A_1113 : vector<16xf32> to vector<1x16xf32>
    tpu.vector_store %arg7[%swap3A_1337, %swap3A_1338], %swap3A_1341 {strides = array<i32>} : memref<8x128xf32, #tpu.memory_space<vmem>>, vector<1x16xf32>,
    %swap3A_1342 = arith.constant 4 : i32
    %swap3A_1343 = arith.index_cast %swap3A_1342 : i32 to index
    %swap3A_1344 = arith.constant 96 : index
    %swap3A_1345 = tpu.vector_load %arg7[%swap3A_1343, %swap3A_1344] {strides = array<i32>} : memref<8x128xf32, #tpu.memory_space<vmem>>, vector<1x16xf32>,
    %swap3A_1346 = vector.shape_cast %swap3A_1345 : vector<1x16xf32> to vector<16xf32>
    %swap3A_1347 = vector.shape_cast %broadcast_in_dim3A_1113 : vector<16xf32> to vector<1x16xf32>
    tpu.vector_store %arg7[%swap3A_1343, %swap3A_1344], %swap3A_1347 {strides = array<i32>} : memref<8x128xf32, #tpu.memory_space<vmem>>, vector<1x16xf32>,
    %swap3A_1348 = arith.constant 4 : i32
    %swap3A_1349 = arith.index_cast %swap3A_1348 : i32 to index
    %swap3A_1350 = arith.constant 112 : index
    %swap3A_1351 = tpu.vector_load %arg7[%swap3A_1349, %swap3A_1350] {strides = array<i32>} : memref<8x128xf32, #tpu.memory_space<vmem>>, vector<1x16xf32>,
    %swap3A_1352 = vector.shape_cast %swap3A_1351 : vector<1x16xf32> to vector<16xf32>
    %swap3A_1353 = vector.shape_cast %broadcast_in_dim3A_1113 : vector<16xf32> to vector<1x16xf32>
    tpu.vector_store %arg7[%swap3A_1349, %swap3A_1350], %swap3A_1353 {strides = array<i32>} : memref<8x128xf32, #tpu.memory_space<vmem>>, vector<1x16xf32>,
    %swap3A_1354 = arith.constant 5 : i32
    %swap3A_1355 = arith.index_cast %swap3A_1354 : i32 to index
    %swap3A_1356 = arith.constant 0 : index
    %swap3A_1357 = tpu.vector_load %arg7[%swap3A_1355, %swap3A_1356] {strides = array<i32>} : memref<8x128xf32, #tpu.memory_space<vmem>>, vector<1x16xf32>,
    %swap3A_1358 = vector.shape_cast %swap3A_1357 : vector<1x16xf32> to vector<16xf32>
    %swap3A_1359 = vector.shape_cast %broadcast_in_dim3A_1113 : vector<16xf32> to vector<1x16xf32>
    tpu.vector_store %arg7[%swap3A_1355, %swap3A_1356], %swap3A_1359 {strides = array<i32>} : memref<8x128xf32, #tpu.memory_space<vmem>>, vector<1x16xf32>,
    %swap3A_1360 = arith.constant 5 : i32
    %swap3A_1361 = arith.index_cast %swap3A_1360 : i32 to index
    %swap3A_1362 = arith.constant 16 : index
    %swap3A_1363 = tpu.vector_load %arg7[%swap3A_1361, %swap3A_1362] {strides = array<i32>} : memref<8x128xf32, #tpu.memory_space<vmem>>, vector<1x16xf32>,
    %swap3A_1364 = vector.shape_cast %swap3A_1363 : vector<1x16xf32> to vector<16xf32>
    %swap3A_1365 = vector.shape_cast %broadcast_in_dim3A_1113 : vector<16xf32> to vector<1x16xf32>
    tpu.vector_store %arg7[%swap3A_1361, %swap3A_1362], %swap3A_1365 {strides = array<i32>} : memref<8x128xf32, #tpu.memory_space<vmem>>, vector<1x16xf32>,
    %swap3A_1366 = arith.constant 5 : i32
    %swap3A_1367 = arith.index_cast %swap3A_1366 : i32 to index
    %swap3A_1368 = arith.constant 32 : index
    %swap3A_1369 = tpu.vector_load %arg7[%swap3A_1367, %swap3A_1368] {strides = array<i32>} : memref<8x128xf32, #tpu.memory_space<vmem>>, vector<1x16xf32>,
    %swap3A_1370 = vector.shape_cast %swap3A_1369 : vector<1x16xf32> to vector<16xf32>
    %swap3A_1371 = vector.shape_cast %broadcast_in_dim3A_1113 : vector<16xf32> to vector<1x16xf32>
    tpu.vector_store %arg7[%swap3A_1367, %swap3A_1368], %swap3A_1371 {strides = array<i32>} : memref<8x128xf32, #tpu.memory_space<vmem>>, vector<1x16xf32>,
    %swap3A_1372 = arith.constant 5 : i32
    %swap3A_1373 = arith.index_cast %swap3A_1372 : i32 to index
    %swap3A_1374 = arith.constant 48 : index
    %swap3A_1375 = tpu.vector_load %arg7[%swap3A_1373, %swap3A_1374] {strides = array<i32>} : memref<8x128xf32, #tpu.memory_space<vmem>>, vector<1x16xf32>,
    %swap3A_1376 = vector.shape_cast %swap3A_1375 : vector<1x16xf32> to vector<16xf32>
    %swap3A_1377 = vector.shape_cast %broadcast_in_dim3A_1113 : vector<16xf32> to vector<1x16xf32>
    tpu.vector_store %arg7[%swap3A_1373, %swap3A_1374], %swap3A_1377 {strides = array<i32>} : memref<8x128xf32, #tpu.memory_space<vmem>>, vector<1x16xf32>,
    %swap3A_1378 = arith.constant 5 : i32
    %swap3A_1379 = arith.index_cast %swap3A_1378 : i32 to index
    %swap3A_1380 = arith.constant 64 : index
    %swap3A_1381 = tpu.vector_load %arg7[%swap3A_1379, %swap3A_1380] {strides = array<i32>} : memref<8x128xf32, #tpu.memory_space<vmem>>, vector<1x16xf32>,
    %swap3A_1382 = vector.shape_cast %swap3A_1381 : vector<1x16xf32> to vector<16xf32>
    %swap3A_1383 = vector.shape_cast %broadcast_in_dim3A_1113 : vector<16xf32> to vector<1x16xf32>
    tpu.vector_store %arg7[%swap3A_1379, %swap3A_1380], %swap3A_1383 {strides = array<i32>} : memref<8x128xf32, #tpu.memory_space<vmem>>, vector<1x16xf32>,
    %swap3A_1384 = arith.constant 5 : i32
    %swap3A_1385 = arith.index_cast %swap3A_1384 : i32 to index
    %swap3A_1386 = arith.constant 80 : index
    %swap3A_1387 = tpu.vector_load %arg7[%swap3A_1385, %swap3A_1386] {strides = array<i32>} : memref<8x128xf32, #tpu.memory_space<vmem>>, vector<1x16xf32>,
    %swap3A_1388 = vector.shape_cast %swap3A_1387 : vector<1x16xf32> to vector<16xf32>
    %swap3A_1389 = vector.shape_cast %broadcast_in_dim3A_1113 : vector<16xf32> to vector<1x16xf32>
    tpu.vector_store %arg7[%swap3A_1385, %swap3A_1386], %swap3A_1389 {strides = array<i32>} : memref<8x128xf32, #tpu.memory_space<vmem>>, vector<1x16xf32>,
    %swap3A_1390 = arith.constant 5 : i32
    %swap3A_1391 = arith.index_cast %swap3A_1390 : i32 to index
    %swap3A_1392 = arith.constant 96 : index
    %swap3A_1393 = tpu.vector_load %arg7[%swap3A_1391, %swap3A_1392] {strides = array<i32>} : memref<8x128xf32, #tpu.memory_space<vmem>>, vector<1x16xf32>,
    %swap3A_1394 = vector.shape_cast %swap3A_1393 : vector<1x16xf32> to vector<16xf32>
    %swap3A_1395 = vector.shape_cast %broadcast_in_dim3A_1113 : vector<16xf32> to vector<1x16xf32>
    tpu.vector_store %arg7[%swap3A_1391, %swap3A_1392], %swap3A_1395 {strides = array<i32>} : memref<8x128xf32, #tpu.memory_space<vmem>>, vector<1x16xf32>,
    %swap3A_1396 = arith.constant 5 : i32
    %swap3A_1397 = arith.index_cast %swap3A_1396 : i32 to index
    %swap3A_1398 = arith.constant 112 : index
    %swap3A_1399 = tpu.vector_load %arg7[%swap3A_1397, %swap3A_1398] {strides = array<i32>} : memref<8x128xf32, #tpu.memory_space<vmem>>, vector<1x16xf32>,
    %swap3A_1400 = vector.shape_cast %swap3A_1399 : vector<1x16xf32> to vector<16xf32>
    %swap3A_1401 = vector.shape_cast %broadcast_in_dim3A_1113 : vector<16xf32> to vector<1x16xf32>
    tpu.vector_store %arg7[%swap3A_1397, %swap3A_1398], %swap3A_1401 {strides = array<i32>} : memref<8x128xf32, #tpu.memory_space<vmem>>, vector<1x16xf32>,
    %swap3A_1402 = arith.constant 6 : i32
    %swap3A_1403 = arith.index_cast %swap3A_1402 : i32 to index
    %swap3A_1404 = arith.constant 0 : index
    %swap3A_1405 = tpu.vector_load %arg7[%swap3A_1403, %swap3A_1404] {strides = array<i32>} : memref<8x128xf32, #tpu.memory_space<vmem>>, vector<1x16xf32>,
    %swap3A_1406 = vector.shape_cast %swap3A_1405 : vector<1x16xf32> to vector<16xf32>
    %swap3A_1407 = vector.shape_cast %broadcast_in_dim3A_1113 : vector<16xf32> to vector<1x16xf32>
    tpu.vector_store %arg7[%swap3A_1403, %swap3A_1404], %swap3A_1407 {strides = array<i32>} : memref<8x128xf32, #tpu.memory_space<vmem>>, vector<1x16xf32>,
    %swap3A_1408 = arith.constant 6 : i32
    %swap3A_1409 = arith.index_cast %swap3A_1408 : i32 to index
    %swap3A_1410 = arith.constant 16 : index
    %swap3A_1411 = tpu.vector_load %arg7[%swap3A_1409, %swap3A_1410] {strides = array<i32>} : memref<8x128xf32, #tpu.memory_space<vmem>>, vector<1x16xf32>,
    %swap3A_1412 = vector.shape_cast %swap3A_1411 : vector<1x16xf32> to vector<16xf32>
    %swap3A_1413 = vector.shape_cast %broadcast_in_dim3A_1113 : vector<16xf32> to vector<1x16xf32>
    tpu.vector_store %arg7[%swap3A_1409, %swap3A_1410], %swap3A_1413 {strides = array<i32>} : memref<8x128xf32, #tpu.memory_space<vmem>>, vector<1x16xf32>,
    %swap3A_1414 = arith.constant 6 : i32
    %swap3A_1415 = arith.index_cast %swap3A_1414 : i32 to index
    %swap3A_1416 = arith.constant 32 : index
    %swap3A_1417 = tpu.vector_load %arg7[%swap3A_1415, %swap3A_1416] {strides = array<i32>} : memref<8x128xf32, #tpu.memory_space<vmem>>, vector<1x16xf32>,
    %swap3A_1418 = vector.shape_cast %swap3A_1417 : vector<1x16xf32> to vector<16xf32>
    %swap3A_1419 = vector.shape_cast %broadcast_in_dim3A_1113 : vector<16xf32> to vector<1x16xf32>
    tpu.vector_store %arg7[%swap3A_1415, %swap3A_1416], %swap3A_1419 {strides = array<i32>} : memref<8x128xf32, #tpu.memory_space<vmem>>, vector<1x16xf32>,
    %swap3A_1420 = arith.constant 6 : i32
    %swap3A_1421 = arith.index_cast %swap3A_1420 : i32 to index
    %swap3A_1422 = arith.constant 48 : index
    %swap3A_1423 = tpu.vector_load %arg7[%swap3A_1421, %swap3A_1422] {strides = array<i32>} : memref<8x128xf32, #tpu.memory_space<vmem>>, vector<1x16xf32>,
    %swap3A_1424 = vector.shape_cast %swap3A_1423 : vector<1x16xf32> to vector<16xf32>
    %swap3A_1425 = vector.shape_cast %broadcast_in_dim3A_1113 : vector<16xf32> to vector<1x16xf32>
    tpu.vector_store %arg7[%swap3A_1421, %swap3A_1422], %swap3A_1425 {strides = array<i32>} : memref<8x128xf32, #tpu.memory_space<vmem>>, vector<1x16xf32>,
    %swap3A_1426 = arith.constant 6 : i32
    %swap3A_1427 = arith.index_cast %swap3A_1426 : i32 to index
    %swap3A_1428 = arith.constant 64 : index
    %swap3A_1429 = tpu.vector_load %arg7[%swap3A_1427, %swap3A_1428] {strides = array<i32>} : memref<8x128xf32, #tpu.memory_space<vmem>>, vector<1x16xf32>,
    %swap3A_1430 = vector.shape_cast %swap3A_1429 : vector<1x16xf32> to vector<16xf32>
    %swap3A_1431 = vector.shape_cast %broadcast_in_dim3A_1113 : vector<16xf32> to vector<1x16xf32>
    tpu.vector_store %arg7[%swap3A_1427, %swap3A_1428], %swap3A_1431 {strides = array<i32>} : memref<8x128xf32, #tpu.memory_space<vmem>>, vector<1x16xf32>,
    %swap3A_1432 = arith.constant 6 : i32
    %swap3A_1433 = arith.index_cast %swap3A_1432 : i32 to index
    %swap3A_1434 = arith.constant 80 : index
    %swap3A_1435 = tpu.vector_load %arg7[%swap3A_1433, %swap3A_1434] {strides = array<i32>} : memref<8x128xf32, #tpu.memory_space<vmem>>, vector<1x16xf32>,
    %swap3A_1436 = vector.shape_cast %swap3A_1435 : vector<1x16xf32> to vector<16xf32>
    %swap3A_1437 = vector.shape_cast %broadcast_in_dim3A_1113 : vector<16xf32> to vector<1x16xf32>
    tpu.vector_store %arg7[%swap3A_1433, %swap3A_1434], %swap3A_1437 {strides = array<i32>} : memref<8x128xf32, #tpu.memory_space<vmem>>, vector<1x16xf32>,
    %swap3A_1438 = arith.constant 6 : i32
    %swap3A_1439 = arith.index_cast %swap3A_1438 : i32 to index
    %swap3A_1440 = arith.constant 96 : index
    %swap3A_1441 = tpu.vector_load %arg7[%swap3A_1439, %swap3A_1440] {strides = array<i32>} : memref<8x128xf32, #tpu.memory_space<vmem>>, vector<1x16xf32>,
    %swap3A_1442 = vector.shape_cast %swap3A_1441 : vector<1x16xf32> to vector<16xf32>
    %swap3A_1443 = vector.shape_cast %broadcast_in_dim3A_1113 : vector<16xf32> to vector<1x16xf32>
    tpu.vector_store %arg7[%swap3A_1439, %swap3A_1440], %swap3A_1443 {strides = array<i32>} : memref<8x128xf32, #tpu.memory_space<vmem>>, vector<1x16xf32>,
    %swap3A_1444 = arith.constant 6 : i32
    %swap3A_1445 = arith.index_cast %swap3A_1444 : i32 to index
    %swap3A_1446 = arith.constant 112 : index
    %swap3A_1447 = tpu.vector_load %arg7[%swap3A_1445, %swap3A_1446] {strides = array<i32>} : memref<8x128xf32, #tpu.memory_space<vmem>>, vector<1x16xf32>,
    %swap3A_1448 = vector.shape_cast %swap3A_1447 : vector<1x16xf32> to vector<16xf32>
    %swap3A_1449 = vector.shape_cast %broadcast_in_dim3A_1113 : vector<16xf32> to vector<1x16xf32>
    tpu.vector_store %arg7[%swap3A_1445, %swap3A_1446], %swap3A_1449 {strides = array<i32>} : memref<8x128xf32, #tpu.memory_space<vmem>>, vector<1x16xf32>,
    %swap3A_1450 = arith.constant 7 : i32
    %swap3A_1451 = arith.index_cast %swap3A_1450 : i32 to index
    %swap3A_1452 = arith.constant 0 : index
    %swap3A_1453 = tpu.vector_load %arg7[%swap3A_1451, %swap3A_1452] {strides = array<i32>} : memref<8x128xf32, #tpu.memory_space<vmem>>, vector<1x16xf32>,
    %swap3A_1454 = vector.shape_cast %swap3A_1453 : vector<1x16xf32> to vector<16xf32>
    %swap3A_1455 = vector.shape_cast %broadcast_in_dim3A_1113 : vector<16xf32> to vector<1x16xf32>
    tpu.vector_store %arg7[%swap3A_1451, %swap3A_1452], %swap3A_1455 {strides = array<i32>} : memref<8x128xf32, #tpu.memory_space<vmem>>, vector<1x16xf32>,
    %swap3A_1456 = arith.constant 7 : i32
    %swap3A_1457 = arith.index_cast %swap3A_1456 : i32 to index
    %swap3A_1458 = arith.constant 16 : index
    %swap3A_1459 = tpu.vector_load %arg7[%swap3A_1457, %swap3A_1458] {strides = array<i32>} : memref<8x128xf32, #tpu.memory_space<vmem>>, vector<1x16xf32>,
    %swap3A_1460 = vector.shape_cast %swap3A_1459 : vector<1x16xf32> to vector<16xf32>
    %swap3A_1461 = vector.shape_cast %broadcast_in_dim3A_1113 : vector<16xf32> to vector<1x16xf32>
    tpu.vector_store %arg7[%swap3A_1457, %swap3A_1458], %swap3A_1461 {strides = array<i32>} : memref<8x128xf32, #tpu.memory_space<vmem>>, vector<1x16xf32>,
    %swap3A_1462 = arith.constant 7 : i32
    %swap3A_1463 = arith.index_cast %swap3A_1462 : i32 to index
    %swap3A_1464 = arith.constant 32 : index
    %swap3A_1465 = tpu.vector_load %arg7[%swap3A_1463, %swap3A_1464] {strides = array<i32>} : memref<8x128xf32, #tpu.memory_space<vmem>>, vector<1x16xf32>,
    %swap3A_1466 = vector.shape_cast %swap3A_1465 : vector<1x16xf32> to vector<16xf32>
    %swap3A_1467 = vector.shape_cast %broadcast_in_dim3A_1113 : vector<16xf32> to vector<1x16xf32>
    tpu.vector_store %arg7[%swap3A_1463, %swap3A_1464], %swap3A_1467 {strides = array<i32>} : memref<8x128xf32, #tpu.memory_space<vmem>>, vector<1x16xf32>,
    %swap3A_1468 = arith.constant 7 : i32
    %swap3A_1469 = arith.index_cast %swap3A_1468 : i32 to index
    %swap3A_1470 = arith.constant 48 : index
    %swap3A_1471 = tpu.vector_load %arg7[%swap3A_1469, %swap3A_1470] {strides = array<i32>} : memref<8x128xf32, #tpu.memory_space<vmem>>, vector<1x16xf32>,
    %swap3A_1472 = vector.shape_cast %swap3A_1471 : vector<1x16xf32> to vector<16xf32>
    %swap3A_1473 = vector.shape_cast %broadcast_in_dim3A_1113 : vector<16xf32> to vector<1x16xf32>
    tpu.vector_store %arg7[%swap3A_1469, %swap3A_1470], %swap3A_1473 {strides = array<i32>} : memref<8x128xf32, #tpu.memory_space<vmem>>, vector<1x16xf32>,
    %swap3A_1474 = arith.constant 7 : i32
    %swap3A_1475 = arith.index_cast %swap3A_1474 : i32 to index
    %swap3A_1476 = arith.constant 64 : index
    %swap3A_1477 = tpu.vector_load %arg7[%swap3A_1475, %swap3A_1476] {strides = array<i32>} : memref<8x128xf32, #tpu.memory_space<vmem>>, vector<1x16xf32>,
    %swap3A_1478 = vector.shape_cast %swap3A_1477 : vector<1x16xf32> to vector<16xf32>
    %swap3A_1479 = vector.shape_cast %broadcast_in_dim3A_1113 : vector<16xf32> to vector<1x16xf32>
    tpu.vector_store %arg7[%swap3A_1475, %swap3A_1476], %swap3A_1479 {strides = array<i32>} : memref<8x128xf32, #tpu.memory_space<vmem>>, vector<1x16xf32>,
    %swap3A_1480 = arith.constant 7 : i32
    %swap3A_1481 = arith.index_cast %swap3A_1480 : i32 to index
    %swap3A_1482 = arith.constant 80 : index
    %swap3A_1483 = tpu.vector_load %arg7[%swap3A_1481, %swap3A_1482] {strides = array<i32>} : memref<8x128xf32, #tpu.memory_space<vmem>>, vector<1x16xf32>,
    %swap3A_1484 = vector.shape_cast %swap3A_1483 : vector<1x16xf32> to vector<16xf32>
    %swap3A_1485 = vector.shape_cast %broadcast_in_dim3A_1113 : vector<16xf32> to vector<1x16xf32>
    tpu.vector_store %arg7[%swap3A_1481, %swap3A_1482], %swap3A_1485 {strides = array<i32>} : memref<8x128xf32, #tpu.memory_space<vmem>>, vector<1x16xf32>,
    %swap3A_1486 = arith.constant 7 : i32
    %swap3A_1487 = arith.index_cast %swap3A_1486 : i32 to index
    %swap3A_1488 = arith.constant 96 : index
    %swap3A_1489 = tpu.vector_load %arg7[%swap3A_1487, %swap3A_1488] {strides = array<i32>} : memref<8x128xf32, #tpu.memory_space<vmem>>, vector<1x16xf32>,
    %swap3A_1490 = vector.shape_cast %swap3A_1489 : vector<1x16xf32> to vector<16xf32>
    %swap3A_1491 = vector.shape_cast %broadcast_in_dim3A_1113 : vector<16xf32> to vector<1x16xf32>
    tpu.vector_store %arg7[%swap3A_1487, %swap3A_1488], %swap3A_1491 {strides = array<i32>} : memref<8x128xf32, #tpu.memory_space<vmem>>, vector<1x16xf32>,
    %swap3A_1492 = arith.constant 7 : i32
    %swap3A_1493 = arith.index_cast %swap3A_1492 : i32 to index
    %swap3A_1494 = arith.constant 112 : index
    %swap3A_1495 = tpu.vector_load %arg7[%swap3A_1493, %swap3A_1494] {strides = array<i32>} : memref<8x128xf32, #tpu.memory_space<vmem>>, vector<1x16xf32>,
    %swap3A_1496 = vector.shape_cast %swap3A_1495 : vector<1x16xf32> to vector<16xf32>
    %swap3A_1497 = vector.shape_cast %broadcast_in_dim3A_1113 : vector<16xf32> to vector<1x16xf32>
    tpu.vector_store %arg7[%swap3A_1493, %swap3A_1494], %swap3A_1497 {strides = array<i32>} : memref<8x128xf32, #tpu.memory_space<vmem>>, vector<1x16xf32>,
    %add3A_1498 = arith.constant 0 : i32
    %add3A_1499 = arith.addi %min3A_3, %add3A_1498 : i32
    %mul3A_1500 = arith.constant 256 : i32
    %mul3A_1501 = arith.muli %add3A_1499, %mul3A_1500 : i32
    %dma_start3A = arith.constant 0 : i32
    %dma_start3A_1502 = tpu.memref_slice %arg2[%mul3A_1501, %dma_start3A] : memref<320000x128xf32, #tpu.memory_space<hbm>> -> memref<256x128xf32, #tpu.memory_space<hbm>>
    %dma_start3A_1503 = arith.constant 0 : i32
    %dma_start3A_1504 = tpu.memref_slice %arg2[%mul3A_1501, %dma_start3A_1503] : memref<320000x128xf32, #tpu.memory_space<hbm>> -> memref<256x128xf32, #tpu.memory_space<hbm>>
    tpu.enqueue_dma source(%dma_start3A_1504 : memref<256x128xf32, #tpu.memory_space<hbm>>) target(%arg4 : memref<256x128xf32, #tpu.memory_space<vmem>>) target_semaphore(%arg9 : memref<!tpu.dma_semaphore, #tpu.memory_space<semaphore_mem>>)
    %add3A_1505 = arith.constant 1 : i32
    %add3A_1506 = arith.addi %min3A_3, %add3A_1505 : i32
    %mul3A_1507 = arith.constant 256 : i32
    %mul3A_1508 = arith.muli %add3A_1506, %mul3A_1507 : i32
    %dma_start3A_1509 = arith.constant 0 : i32
    %dma_start3A_1510 = tpu.memref_slice %arg2[%mul3A_1508, %dma_start3A_1509] : memref<320000x128xf32, #tpu.memory_space<hbm>> -> memref<256x128xf32, #tpu.memory_space<hbm>>
    %dma_start3A_1511 = arith.constant 0 : i32
    %dma_start3A_1512 = tpu.memref_slice %arg2[%mul3A_1508, %dma_start3A_1511] : memref<320000x128xf32, #tpu.memory_space<hbm>> -> memref<256x128xf32, #tpu.memory_space<hbm>>
    tpu.enqueue_dma source(%dma_start3A_1512 : memref<256x128xf32, #tpu.memory_space<hbm>>) target(%arg5 : memref<256x128xf32, #tpu.memory_space<vmem>>) target_semaphore(%arg10 : memref<!tpu.dma_semaphore, #tpu.memory_space<semaphore_mem>>)
    %dma_start3A_1513 = arith.constant 0 : i32
    %dma_start3A_1514 = tpu.memref_slice %arg8[%mul3A_9, %dma_start3A_1513] : memref<512x128xf32, #tpu.memory_space<vmem_shared>> -> memref<8x128xf32, #tpu.memory_space<vmem_shared>>
    %dma_start3A_1515 = arith.constant 0 : i32
    %dma_start3A_1516 = tpu.memref_slice %arg8[%mul3A_9, %dma_start3A_1515] : memref<512x128xf32, #tpu.memory_space<vmem_shared>> -> memref<8x128xf32, #tpu.memory_space<vmem_shared>>
    tpu.enqueue_dma source(%arg7 : memref<8x128xf32, #tpu.memory_space<vmem>>) target(%dma_start3A_1516 : memref<8x128xf32, #tpu.memory_space<vmem_shared>>) target_semaphore(%arg16 : memref<!tpu.dma_semaphore, #tpu.memory_space<semaphore_mem>>)
    %dma_start3A_1517 = arith.constant 0 : i32
    %dma_start3A_1518 = tpu.memref_slice %arg8[%mul3A_15, %dma_start3A_1517] : memref<512x128xf32, #tpu.memory_space<vmem_shared>> -> memref<8x128xf32, #tpu.memory_space<vmem_shared>>
    %dma_start3A_1519 = arith.constant 0 : i32
    %dma_start3A_1520 = tpu.memref_slice %arg8[%mul3A_15, %dma_start3A_1519] : memref<512x128xf32, #tpu.memory_space<vmem_shared>> -> memref<8x128xf32, #tpu.memory_space<vmem_shared>>
    tpu.enqueue_dma source(%arg7 : memref<8x128xf32, #tpu.memory_space<vmem>>) target(%dma_start3A_1520 : memref<8x128xf32, #tpu.memory_space<vmem_shared>>) target_semaphore(%arg17 : memref<!tpu.dma_semaphore, #tpu.memory_space<semaphore_mem>>)
    %dma_start3A_1521 = arith.constant 0 : i32
    %dma_start3A_1522 = tpu.memref_slice %arg8[%mul3A_21, %dma_start3A_1521] : memref<512x128xf32, #tpu.memory_space<vmem_shared>> -> memref<8x128xf32, #tpu.memory_space<vmem_shared>>
    %dma_start3A_1523 = arith.constant 0 : i32
    %dma_start3A_1524 = tpu.memref_slice %arg8[%mul3A_21, %dma_start3A_1523] : memref<512x128xf32, #tpu.memory_space<vmem_shared>> -> memref<8x128xf32, #tpu.memory_space<vmem_shared>>
    tpu.enqueue_dma source(%arg7 : memref<8x128xf32, #tpu.memory_space<vmem>>) target(%dma_start3A_1524 : memref<8x128xf32, #tpu.memory_space<vmem_shared>>) target_semaphore(%arg18 : memref<!tpu.dma_semaphore, #tpu.memory_space<semaphore_mem>>)
    %dma_start3A_1525 = arith.constant 0 : i32
    %dma_start3A_1526 = tpu.memref_slice %arg8[%mul3A_27, %dma_start3A_1525] : memref<512x128xf32, #tpu.memory_space<vmem_shared>> -> memref<8x128xf32, #tpu.memory_space<vmem_shared>>
    %dma_start3A_1527 = arith.constant 0 : i32
    %dma_start3A_1528 = tpu.memref_slice %arg8[%mul3A_27, %dma_start3A_1527] : memref<512x128xf32, #tpu.memory_space<vmem_shared>> -> memref<8x128xf32, #tpu.memory_space<vmem_shared>>
    tpu.enqueue_dma source(%arg7 : memref<8x128xf32, #tpu.memory_space<vmem>>) target(%dma_start3A_1528 : memref<8x128xf32, #tpu.memory_space<vmem_shared>>) target_semaphore(%arg19 : memref<!tpu.dma_semaphore, #tpu.memory_space<semaphore_mem>>)
    %scan3A = arith.constant 0 : i32
    %scan3A_1529 = arith.constant 0 : i32
    %scan3A_1530 = arith.constant 2 : i32
    %scan3A_1531 = arith.addi %scan3A_1529, %scan3A_1530 : i32
    %scan3A_1532 = arith.constant 1 : i32
    scf.for %scan3A_1586 = %scan3A_1529 to %scan3A_1531 step %scan3A_1532  : i32 {
      %mul3A_1587 = arith.constant 4 : i32
      %mul3A_1588 = arith.muli %mul3A_1587, %scan3A_1586 : i32
      %add3A_1589 = arith.constant 0 : i32
      %add3A_1590 = arith.addi %mul3A_1588, %add3A_1589 : i32
      %ge3A = arith.constant 1 : i32
      %ge3A_1591 = arith.cmpi sge, %add3A_1590, %ge3A : i32
      %convert_element_type3A = arith.extui %ge3A_1591 : i1 to i32
      %cond3A = arith.constant 0 : i32
      %cond3A_1592 = arith.cmpi ne, %convert_element_type3A, %cond3A : i32
      scf.if %cond3A_1592 {
        %dma_wait3A_1850 = arith.constant 0 : i32
        %dma_wait3A_1851 = arith.constant 0 : i32
        %dma_wait3A_1852 = arith.constant 0 : i32
        %dma_wait3A_1853 = arith.constant 0 : i32
        %dma_wait3A_1854 = tpu.memref_slice %arg4[%dma_wait3A_1852, %dma_wait3A_1853] : memref<256x128xf32, #tpu.memory_space<vmem>> -> memref<128x128xf32, #tpu.memory_space<vmem>>
        %dma_wait3A_1855 = arith.constant 0 : i32
        %dma_wait3A_1856 = tpu.memref_slice %arg6[%dma_wait3A_1850, %dma_wait3A_1851, %dma_wait3A_1855] : memref<4x2x128xi32, #tpu.memory_space<vmem>> -> memref<1x1x128xi32, #tpu.memory_space<vmem>>
        %dma_wait3A_1857 = tpu.memref_squeeze %dma_wait3A_1856 : memref<1x1x128xi32, #tpu.memory_space<vmem>> -> memref<128xi32, #tpu.memory_space<vmem>>
        %dma_wait3A_1858 = arith.constant 0 : i32
        %dma_wait3A_1859 = arith.constant 0 : i32
        %dma_wait3A_1860 = tpu.memref_slice %arg8[%dma_wait3A_1858, %dma_wait3A_1859] : memref<512x128xf32, #tpu.memory_space<vmem_shared>> -> memref<512x128xf32, #tpu.memory_space<vmem_shared>>
        tpu.wait_indirect_dma semaphore(%arg11 : memref<!tpu.dma_semaphore, #tpu.memory_space<semaphore_mem>>) src(%dma_wait3A_1854 : memref<128x128xf32, #tpu.memory_space<vmem>>) dst(%dma_wait3A_1860 : memref<512x128xf32, #tpu.memory_space<vmem_shared>>)
        %dma_wait3A_1861 = arith.constant 0 : i32
        %dma_wait3A_1862 = arith.constant 1 : i32
        %dma_wait3A_1863 = arith.constant 128 : i32
        %dma_wait3A_1864 = arith.constant 0 : i32
        %dma_wait3A_1865 = tpu.memref_slice %arg4[%dma_wait3A_1863, %dma_wait3A_1864] : memref<256x128xf32, #tpu.memory_space<vmem>> -> memref<128x128xf32, #tpu.memory_space<vmem>>
        %dma_wait3A_1866 = arith.constant 0 : i32
        %dma_wait3A_1867 = tpu.memref_slice %arg6[%dma_wait3A_1861, %dma_wait3A_1862, %dma_wait3A_1866] : memref<4x2x128xi32, #tpu.memory_space<vmem>> -> memref<1x1x128xi32, #tpu.memory_space<vmem>>
        %dma_wait3A_1868 = tpu.memref_squeeze %dma_wait3A_1867 : memref<1x1x128xi32, #tpu.memory_space<vmem>> -> memref<128xi32, #tpu.memory_space<vmem>>
        %dma_wait3A_1869 = arith.constant 0 : i32
        %dma_wait3A_1870 = arith.constant 0 : i32
        %dma_wait3A_1871 = tpu.memref_slice %arg8[%dma_wait3A_1869, %dma_wait3A_1870] : memref<512x128xf32, #tpu.memory_space<vmem_shared>> -> memref<512x128xf32, #tpu.memory_space<vmem_shared>>
        tpu.wait_indirect_dma semaphore(%arg11 : memref<!tpu.dma_semaphore, #tpu.memory_space<semaphore_mem>>) src(%dma_wait3A_1865 : memref<128x128xf32, #tpu.memory_space<vmem>>) dst(%dma_wait3A_1871 : memref<512x128xf32, #tpu.memory_space<vmem_shared>>)
      } else {
      }
      %ge3A_1593 = arith.constant 1 : i32
      %ge3A_1594 = arith.cmpi sge, %add3A_1590, %ge3A_1593 : i32
      %le3A = arith.constant 6 : i32
      %le3A_1595 = arith.cmpi sle, %add3A_1590, %le3A : i32
      %and3A = arith.andi %ge3A_1594, %le3A_1595 : i1
      %convert_element_type3A_1596 = arith.extui %and3A : i1 to i32
      %cond3A_1597 = arith.constant 0 : i32
      %cond3A_1598 = arith.cmpi ne, %convert_element_type3A_1596, %cond3A_1597 : i32
      scf.if %cond3A_1598 {
        %add3A_1850 = arith.constant 1 : i32
        %add3A_1851 = arith.addi %add3A_1590, %add3A_1850 : i32
        %add3A_1852 = arith.addi %min3A_3, %add3A_1851 : i32
        %mul3A_1853 = arith.constant 256 : i32
        %mul3A_1854 = arith.muli %add3A_1852, %mul3A_1853 : i32
        %dma_start3A_1855 = arith.constant 0 : i32
        %dma_start3A_1856 = tpu.memref_slice %arg2[%mul3A_1854, %dma_start3A_1855] : memref<320000x128xf32, #tpu.memory_space<hbm>> -> memref<256x128xf32, #tpu.memory_space<hbm>>
        %dma_start3A_1857 = arith.constant 0 : i32
        %dma_start3A_1858 = tpu.memref_slice %arg2[%mul3A_1854, %dma_start3A_1857] : memref<320000x128xf32, #tpu.memory_space<hbm>> -> memref<256x128xf32, #tpu.memory_space<hbm>>
        tpu.enqueue_dma source(%dma_start3A_1858 : memref<256x128xf32, #tpu.memory_space<hbm>>) target(%arg5 : memref<256x128xf32, #tpu.memory_space<vmem>>) target_semaphore(%arg10 : memref<!tpu.dma_semaphore, #tpu.memory_space<semaphore_mem>>)
      } else {
      }
      %dma_wait3A_1599 = arith.constant 0 : i32
      %dma_wait3A_1600 = arith.constant 0 : i32
      %dma_wait3A_1601 = tpu.memref_slice %arg2[%dma_wait3A_1599, %dma_wait3A_1600] : memref<320000x128xf32, #tpu.memory_space<hbm>> -> memref<256x128xf32, #tpu.memory_space<hbm>>
      %dma_wait3A_1602 = arith.constant 0 : i32
      %dma_wait3A_1603 = arith.constant 0 : i32
      %dma_wait3A_1604 = tpu.memref_slice %arg2[%dma_wait3A_1602, %dma_wait3A_1603] : memref<320000x128xf32, #tpu.memory_space<hbm>> -> memref<256x128xf32, #tpu.memory_space<hbm>>
      tpu.wait_dma2 semaphore(%arg9 : memref<!tpu.dma_semaphore, #tpu.memory_space<semaphore_mem>>) src(%dma_wait3A_1604 : memref<256x128xf32, #tpu.memory_space<hbm>>) dst(%arg4 : memref<256x128xf32, #tpu.memory_space<vmem>>)
      %ge3A_1605 = arith.constant 3 : i32
      %ge3A_1606 = arith.cmpi sge, %add3A_1590, %ge3A_1605 : i32
      %convert_element_type3A_1607 = arith.extui %ge3A_1606 : i1 to i32
      %cond3A_1608 = arith.constant 0 : i32
      %cond3A_1609 = arith.cmpi ne, %convert_element_type3A_1607, %cond3A_1608 : i32
      scf.if %cond3A_1609 {
        %dma_wait3A_1850 = arith.constant 0 : i32
        %dma_wait3A_1851 = arith.constant 0 : i32
        %dma_wait3A_1852 = tpu.memref_slice %arg3[%dma_wait3A_1850, %dma_wait3A_1851] : memref<2048x128xf32, #tpu.memory_space<hbm>> -> memref<8x128xf32, #tpu.memory_space<hbm>>
        %dma_wait3A_1853 = arith.constant 0 : i32
        %dma_wait3A_1854 = tpu.memref_slice %arg8[%mul3A_15, %dma_wait3A_1853] : memref<512x128xf32, #tpu.memory_space<vmem_shared>> -> memref<8x128xf32, #tpu.memory_space<vmem_shared>>
        tpu.wait_dma2 semaphore(%arg13 : memref<!tpu.dma_semaphore, #tpu.memory_space<semaphore_mem>>) src(%dma_wait3A_1854 : memref<8x128xf32, #tpu.memory_space<vmem_shared>>) dst(%dma_wait3A_1852 : memref<8x128xf32, #tpu.memory_space<hbm>>)
      } else {
      }
      %ge3A_1610 = arith.constant 3 : i32
      %ge3A_1611 = arith.cmpi sge, %add3A_1590, %ge3A_1610 : i32
      %le3A_1612 = arith.constant 6 : i32
      %le3A_1613 = arith.cmpi sle, %add3A_1590, %le3A_1612 : i32
      %and3A_1614 = arith.andi %ge3A_1611, %le3A_1613 : i1
      %convert_element_type3A_1615 = arith.extui %and3A_1614 : i1 to i32
      %cond3A_1616 = arith.constant 0 : i32
      %cond3A_1617 = arith.cmpi ne, %convert_element_type3A_1615, %cond3A_1616 : i32
      scf.if %cond3A_1617 {
        %dma_start3A_1850 = arith.constant 0 : i32
        %dma_start3A_1851 = tpu.memref_slice %arg8[%mul3A_15, %dma_start3A_1850] : memref<512x128xf32, #tpu.memory_space<vmem_shared>> -> memref<8x128xf32, #tpu.memory_space<vmem_shared>>
        %dma_start3A_1852 = arith.constant 0 : i32
        %dma_start3A_1853 = tpu.memref_slice %arg8[%mul3A_15, %dma_start3A_1852] : memref<512x128xf32, #tpu.memory_space<vmem_shared>> -> memref<8x128xf32, #tpu.memory_space<vmem_shared>>
        tpu.enqueue_dma source(%arg7 : memref<8x128xf32, #tpu.memory_space<vmem>>) target(%dma_start3A_1853 : memref<8x128xf32, #tpu.memory_space<vmem_shared>>) target_semaphore(%arg17 : memref<!tpu.dma_semaphore, #tpu.memory_space<semaphore_mem>>)
      } else {
      }
      %dma_wait3A_1618 = arith.constant 0 : i32
      %dma_wait3A_1619 = tpu.memref_slice %arg8[%mul3A_9, %dma_wait3A_1618] : memref<512x128xf32, #tpu.memory_space<vmem_shared>> -> memref<8x128xf32, #tpu.memory_space<vmem_shared>>
      %dma_wait3A_1620 = arith.constant 0 : i32
      %dma_wait3A_1621 = tpu.memref_slice %arg8[%mul3A_9, %dma_wait3A_1620] : memref<512x128xf32, #tpu.memory_space<vmem_shared>> -> memref<8x128xf32, #tpu.memory_space<vmem_shared>>
      tpu.wait_dma2 semaphore(%arg16 : memref<!tpu.dma_semaphore, #tpu.memory_space<semaphore_mem>>) src(%arg7 : memref<8x128xf32, #tpu.memory_space<vmem>>) dst(%dma_wait3A_1621 : memref<8x128xf32, #tpu.memory_space<vmem_shared>>)
      %dma_start3A_1622 = arith.constant 0 : i32
      %dma_start3A_1623 = arith.constant 0 : i32
      %dma_start3A_1624 = arith.constant 0 : i32
      %dma_start3A_1625 = arith.constant 0 : i32
      %dma_start3A_1626 = tpu.memref_slice %arg4[%dma_start3A_1624, %dma_start3A_1625] : memref<256x128xf32, #tpu.memory_space<vmem>> -> memref<128x128xf32, #tpu.memory_space<vmem>>
      %dma_start3A_1627 = arith.constant 0 : i32
      %dma_start3A_1628 = tpu.memref_slice %arg6[%dma_start3A_1622, %dma_start3A_1623, %dma_start3A_1627] : memref<4x2x128xi32, #tpu.memory_space<vmem>> -> memref<1x1x128xi32, #tpu.memory_space<vmem>>
      %dma_start3A_1629 = tpu.memref_squeeze %dma_start3A_1628 : memref<1x1x128xi32, #tpu.memory_space<vmem>> -> memref<128xi32, #tpu.memory_space<vmem>>
      %dma_start3A_1630 = arith.constant 0 : i32
      %dma_start3A_1631 = arith.constant 0 : i32
      %dma_start3A_1632 = tpu.memref_slice %arg8[%dma_start3A_1630, %dma_start3A_1631] : memref<512x128xf32, #tpu.memory_space<vmem_shared>> -> memref<512x128xf32, #tpu.memory_space<vmem_shared>>
      tpu.enqueue_indirect_dma source(%dma_start3A_1626 : memref<128x128xf32, #tpu.memory_space<vmem>>) target(%dma_start3A_1632 : memref<512x128xf32, #tpu.memory_space<vmem_shared>>) offsets(%dma_start3A_1629 : memref<128xi32, #tpu.memory_space<vmem>>) semaphore(%arg11 : memref<!tpu.dma_semaphore, #tpu.memory_space<semaphore_mem>>) {add = true}
      %dma_start3A_1633 = arith.constant 0 : i32
      %dma_start3A_1634 = arith.constant 1 : i32
      %dma_start3A_1635 = arith.constant 128 : i32
      %dma_start3A_1636 = arith.constant 0 : i32
      %dma_start3A_1637 = tpu.memref_slice %arg4[%dma_start3A_1635, %dma_start3A_1636] : memref<256x128xf32, #tpu.memory_space<vmem>> -> memref<128x128xf32, #tpu.memory_space<vmem>>
      %dma_start3A_1638 = arith.constant 0 : i32
      %dma_start3A_1639 = tpu.memref_slice %arg6[%dma_start3A_1633, %dma_start3A_1634, %dma_start3A_1638] : memref<4x2x128xi32, #tpu.memory_space<vmem>> -> memref<1x1x128xi32, #tpu.memory_space<vmem>>
      %dma_start3A_1640 = tpu.memref_squeeze %dma_start3A_1639 : memref<1x1x128xi32, #tpu.memory_space<vmem>> -> memref<128xi32, #tpu.memory_space<vmem>>
      %dma_start3A_1641 = arith.constant 0 : i32
      %dma_start3A_1642 = arith.constant 0 : i32
      %dma_start3A_1643 = tpu.memref_slice %arg8[%dma_start3A_1641, %dma_start3A_1642] : memref<512x128xf32, #tpu.memory_space<vmem_shared>> -> memref<512x128xf32, #tpu.memory_space<vmem_shared>>
      tpu.enqueue_indirect_dma source(%dma_start3A_1637 : memref<128x128xf32, #tpu.memory_space<vmem>>) target(%dma_start3A_1643 : memref<512x128xf32, #tpu.memory_space<vmem_shared>>) offsets(%dma_start3A_1640 : memref<128xi32, #tpu.memory_space<vmem>>) semaphore(%arg11 : memref<!tpu.dma_semaphore, #tpu.memory_space<semaphore_mem>>) {add = true}
      %ge3A_1644 = arith.constant 2 : i32
      %ge3A_1645 = arith.cmpi sge, %add3A_1590, %ge3A_1644 : i32
      %convert_element_type3A_1646 = arith.extui %ge3A_1645 : i1 to i32
      %cond3A_1647 = arith.constant 0 : i32
      %cond3A_1648 = arith.cmpi ne, %convert_element_type3A_1646, %cond3A_1647 : i32
      scf.if %cond3A_1648 {
        %sub3A = arith.constant 2 : i32
        %sub3A_1850 = arith.subi %add3A_1590, %sub3A : i32
        %add3A_1851 = arith.addi %min3A_3, %sub3A_1850 : i32
        %mul3A_1852 = arith.constant 8 : i32
        %mul3A_1853 = arith.muli %add3A_1851, %mul3A_1852 : i32
        %dma_start3A_1854 = arith.constant 0 : i32
        %dma_start3A_1855 = tpu.memref_slice %arg3[%mul3A_1853, %dma_start3A_1854] : memref<2048x128xf32, #tpu.memory_space<hbm>> -> memref<8x128xf32, #tpu.memory_space<hbm>>
        %dma_start3A_1856 = arith.constant 0 : i32
        %dma_start3A_1857 = tpu.memref_slice %arg8[%mul3A_21, %dma_start3A_1856] : memref<512x128xf32, #tpu.memory_space<vmem_shared>> -> memref<8x128xf32, #tpu.memory_space<vmem_shared>>
        tpu.enqueue_dma source(%dma_start3A_1857 : memref<8x128xf32, #tpu.memory_space<vmem_shared>>) target(%dma_start3A_1855 : memref<8x128xf32, #tpu.memory_space<hbm>>) target_semaphore(%arg14 : memref<!tpu.dma_semaphore, #tpu.memory_space<semaphore_mem>>)
      } else {
      }
      %mul3A_1649 = arith.constant 4 : i32
      %mul3A_1650 = arith.muli %mul3A_1649, %scan3A_1586 : i32
      %add3A_1651 = arith.constant 1 : i32
      %add3A_1652 = arith.addi %mul3A_1650, %add3A_1651 : i32
      %ge3A_1653 = arith.constant 1 : i32
      %ge3A_1654 = arith.cmpi sge, %add3A_1652, %ge3A_1653 : i32
      %convert_element_type3A_1655 = arith.extui %ge3A_1654 : i1 to i32
      %cond3A_1656 = arith.constant 0 : i32
      %cond3A_1657 = arith.cmpi ne, %convert_element_type3A_1655, %cond3A_1656 : i32
      scf.if %cond3A_1657 {
        %dma_wait3A_1850 = arith.constant 0 : i32
        %dma_wait3A_1851 = arith.constant 0 : i32
        %dma_wait3A_1852 = arith.constant 0 : i32
        %dma_wait3A_1853 = arith.constant 0 : i32
        %dma_wait3A_1854 = tpu.memref_slice %arg4[%dma_wait3A_1852, %dma_wait3A_1853] : memref<256x128xf32, #tpu.memory_space<vmem>> -> memref<128x128xf32, #tpu.memory_space<vmem>>
        %dma_wait3A_1855 = arith.constant 0 : i32
        %dma_wait3A_1856 = tpu.memref_slice %arg6[%dma_wait3A_1850, %dma_wait3A_1851, %dma_wait3A_1855] : memref<4x2x128xi32, #tpu.memory_space<vmem>> -> memref<1x1x128xi32, #tpu.memory_space<vmem>>
        %dma_wait3A_1857 = tpu.memref_squeeze %dma_wait3A_1856 : memref<1x1x128xi32, #tpu.memory_space<vmem>> -> memref<128xi32, #tpu.memory_space<vmem>>
        %dma_wait3A_1858 = arith.constant 0 : i32
        %dma_wait3A_1859 = arith.constant 0 : i32
        %dma_wait3A_1860 = tpu.memref_slice %arg8[%dma_wait3A_1858, %dma_wait3A_1859] : memref<512x128xf32, #tpu.memory_space<vmem_shared>> -> memref<512x128xf32, #tpu.memory_space<vmem_shared>>
        tpu.wait_indirect_dma semaphore(%arg11 : memref<!tpu.dma_semaphore, #tpu.memory_space<semaphore_mem>>) src(%dma_wait3A_1854 : memref<128x128xf32, #tpu.memory_space<vmem>>) dst(%dma_wait3A_1860 : memref<512x128xf32, #tpu.memory_space<vmem_shared>>)
        %dma_wait3A_1861 = arith.constant 0 : i32
        %dma_wait3A_1862 = arith.constant 1 : i32
        %dma_wait3A_1863 = arith.constant 128 : i32
        %dma_wait3A_1864 = arith.constant 0 : i32
        %dma_wait3A_1865 = tpu.memref_slice %arg4[%dma_wait3A_1863, %dma_wait3A_1864] : memref<256x128xf32, #tpu.memory_space<vmem>> -> memref<128x128xf32, #tpu.memory_space<vmem>>
        %dma_wait3A_1866 = arith.constant 0 : i32
        %dma_wait3A_1867 = tpu.memref_slice %arg6[%dma_wait3A_1861, %dma_wait3A_1862, %dma_wait3A_1866] : memref<4x2x128xi32, #tpu.memory_space<vmem>> -> memref<1x1x128xi32, #tpu.memory_space<vmem>>
        %dma_wait3A_1868 = tpu.memref_squeeze %dma_wait3A_1867 : memref<1x1x128xi32, #tpu.memory_space<vmem>> -> memref<128xi32, #tpu.memory_space<vmem>>
        %dma_wait3A_1869 = arith.constant 0 : i32
        %dma_wait3A_1870 = arith.constant 0 : i32
        %dma_wait3A_1871 = tpu.memref_slice %arg8[%dma_wait3A_1869, %dma_wait3A_1870] : memref<512x128xf32, #tpu.memory_space<vmem_shared>> -> memref<512x128xf32, #tpu.memory_space<vmem_shared>>
        tpu.wait_indirect_dma semaphore(%arg11 : memref<!tpu.dma_semaphore, #tpu.memory_space<semaphore_mem>>) src(%dma_wait3A_1865 : memref<128x128xf32, #tpu.memory_space<vmem>>) dst(%dma_wait3A_1871 : memref<512x128xf32, #tpu.memory_space<vmem_shared>>)
      } else {
      }
      %ge3A_1658 = arith.constant 1 : i32
      %ge3A_1659 = arith.cmpi sge, %add3A_1652, %ge3A_1658 : i32
      %le3A_1660 = arith.constant 6 : i32
      %le3A_1661 = arith.cmpi sle, %add3A_1652, %le3A_1660 : i32
      %and3A_1662 = arith.andi %ge3A_1659, %le3A_1661 : i1
      %convert_element_type3A_1663 = arith.extui %and3A_1662 : i1 to i32
      %cond3A_1664 = arith.constant 0 : i32
      %cond3A_1665 = arith.cmpi ne, %convert_element_type3A_1663, %cond3A_1664 : i32
      scf.if %cond3A_1665 {
        %add3A_1850 = arith.constant 1 : i32
        %add3A_1851 = arith.addi %add3A_1652, %add3A_1850 : i32
        %add3A_1852 = arith.addi %min3A_3, %add3A_1851 : i32
        %mul3A_1853 = arith.constant 256 : i32
        %mul3A_1854 = arith.muli %add3A_1852, %mul3A_1853 : i32
        %dma_start3A_1855 = arith.constant 0 : i32
        %dma_start3A_1856 = tpu.memref_slice %arg2[%mul3A_1854, %dma_start3A_1855] : memref<320000x128xf32, #tpu.memory_space<hbm>> -> memref<256x128xf32, #tpu.memory_space<hbm>>
        %dma_start3A_1857 = arith.constant 0 : i32
        %dma_start3A_1858 = tpu.memref_slice %arg2[%mul3A_1854, %dma_start3A_1857] : memref<320000x128xf32, #tpu.memory_space<hbm>> -> memref<256x128xf32, #tpu.memory_space<hbm>>
        tpu.enqueue_dma source(%dma_start3A_1858 : memref<256x128xf32, #tpu.memory_space<hbm>>) target(%arg4 : memref<256x128xf32, #tpu.memory_space<vmem>>) target_semaphore(%arg9 : memref<!tpu.dma_semaphore, #tpu.memory_space<semaphore_mem>>)
      } else {
      }
      %dma_wait3A_1666 = arith.constant 0 : i32
      %dma_wait3A_1667 = arith.constant 0 : i32
      %dma_wait3A_1668 = tpu.memref_slice %arg2[%dma_wait3A_1666, %dma_wait3A_1667] : memref<320000x128xf32, #tpu.memory_space<hbm>> -> memref<256x128xf32, #tpu.memory_space<hbm>>
      %dma_wait3A_1669 = arith.constant 0 : i32
      %dma_wait3A_1670 = arith.constant 0 : i32
      %dma_wait3A_1671 = tpu.memref_slice %arg2[%dma_wait3A_1669, %dma_wait3A_1670] : memref<320000x128xf32, #tpu.memory_space<hbm>> -> memref<256x128xf32, #tpu.memory_space<hbm>>
      tpu.wait_dma2 semaphore(%arg10 : memref<!tpu.dma_semaphore, #tpu.memory_space<semaphore_mem>>) src(%dma_wait3A_1671 : memref<256x128xf32, #tpu.memory_space<hbm>>) dst(%arg5 : memref<256x128xf32, #tpu.memory_space<vmem>>)
      %ge3A_1672 = arith.constant 3 : i32
      %ge3A_1673 = arith.cmpi sge, %add3A_1652, %ge3A_1672 : i32
      %convert_element_type3A_1674 = arith.extui %ge3A_1673 : i1 to i32
      %cond3A_1675 = arith.constant 0 : i32
      %cond3A_1676 = arith.cmpi ne, %convert_element_type3A_1674, %cond3A_1675 : i32
      scf.if %cond3A_1676 {
        %dma_wait3A_1850 = arith.constant 0 : i32
        %dma_wait3A_1851 = arith.constant 0 : i32
        %dma_wait3A_1852 = tpu.memref_slice %arg3[%dma_wait3A_1850, %dma_wait3A_1851] : memref<2048x128xf32, #tpu.memory_space<hbm>> -> memref<8x128xf32, #tpu.memory_space<hbm>>
        %dma_wait3A_1853 = arith.constant 0 : i32
        %dma_wait3A_1854 = tpu.memref_slice %arg8[%mul3A_21, %dma_wait3A_1853] : memref<512x128xf32, #tpu.memory_space<vmem_shared>> -> memref<8x128xf32, #tpu.memory_space<vmem_shared>>
        tpu.wait_dma2 semaphore(%arg14 : memref<!tpu.dma_semaphore, #tpu.memory_space<semaphore_mem>>) src(%dma_wait3A_1854 : memref<8x128xf32, #tpu.memory_space<vmem_shared>>) dst(%dma_wait3A_1852 : memref<8x128xf32, #tpu.memory_space<hbm>>)
      } else {
      }
      %ge3A_1677 = arith.constant 3 : i32
      %ge3A_1678 = arith.cmpi sge, %add3A_1652, %ge3A_1677 : i32
      %le3A_1679 = arith.constant 6 : i32
      %le3A_1680 = arith.cmpi sle, %add3A_1652, %le3A_1679 : i32
      %and3A_1681 = arith.andi %ge3A_1678, %le3A_1680 : i1
      %convert_element_type3A_1682 = arith.extui %and3A_1681 : i1 to i32
      %cond3A_1683 = arith.constant 0 : i32
      %cond3A_1684 = arith.cmpi ne, %convert_element_type3A_1682, %cond3A_1683 : i32
      scf.if %cond3A_1684 {
        %dma_start3A_1850 = arith.constant 0 : i32
        %dma_start3A_1851 = tpu.memref_slice %arg8[%mul3A_21, %dma_start3A_1850] : memref<512x128xf32, #tpu.memory_space<vmem_shared>> -> memref<8x128xf32, #tpu.memory_space<vmem_shared>>
        %dma_start3A_1852 = arith.constant 0 : i32
        %dma_start3A_1853 = tpu.memref_slice %arg8[%mul3A_21, %dma_start3A_1852] : memref<512x128xf32, #tpu.memory_space<vmem_shared>> -> memref<8x128xf32, #tpu.memory_space<vmem_shared>>
        tpu.enqueue_dma source(%arg7 : memref<8x128xf32, #tpu.memory_space<vmem>>) target(%dma_start3A_1853 : memref<8x128xf32, #tpu.memory_space<vmem_shared>>) target_semaphore(%arg18 : memref<!tpu.dma_semaphore, #tpu.memory_space<semaphore_mem>>)
      } else {
      }
      %dma_wait3A_1685 = arith.constant 0 : i32
      %dma_wait3A_1686 = tpu.memref_slice %arg8[%mul3A_15, %dma_wait3A_1685] : memref<512x128xf32, #tpu.memory_space<vmem_shared>> -> memref<8x128xf32, #tpu.memory_space<vmem_shared>>
      %dma_wait3A_1687 = arith.constant 0 : i32
      %dma_wait3A_1688 = tpu.memref_slice %arg8[%mul3A_15, %dma_wait3A_1687] : memref<512x128xf32, #tpu.memory_space<vmem_shared>> -> memref<8x128xf32, #tpu.memory_space<vmem_shared>>
      tpu.wait_dma2 semaphore(%arg17 : memref<!tpu.dma_semaphore, #tpu.memory_space<semaphore_mem>>) src(%arg7 : memref<8x128xf32, #tpu.memory_space<vmem>>) dst(%dma_wait3A_1688 : memref<8x128xf32, #tpu.memory_space<vmem_shared>>)
      %dma_start3A_1689 = arith.constant 1 : i32
      %dma_start3A_1690 = arith.constant 0 : i32
      %dma_start3A_1691 = arith.constant 0 : i32
      %dma_start3A_1692 = arith.constant 0 : i32
      %dma_start3A_1693 = tpu.memref_slice %arg5[%dma_start3A_1691, %dma_start3A_1692] : memref<256x128xf32, #tpu.memory_space<vmem>> -> memref<128x128xf32, #tpu.memory_space<vmem>>
      %dma_start3A_1694 = arith.constant 0 : i32
      %dma_start3A_1695 = tpu.memref_slice %arg6[%dma_start3A_1689, %dma_start3A_1690, %dma_start3A_1694] : memref<4x2x128xi32, #tpu.memory_space<vmem>> -> memref<1x1x128xi32, #tpu.memory_space<vmem>>
      %dma_start3A_1696 = tpu.memref_squeeze %dma_start3A_1695 : memref<1x1x128xi32, #tpu.memory_space<vmem>> -> memref<128xi32, #tpu.memory_space<vmem>>
      %dma_start3A_1697 = arith.constant 0 : i32
      %dma_start3A_1698 = arith.constant 0 : i32
      %dma_start3A_1699 = tpu.memref_slice %arg8[%dma_start3A_1697, %dma_start3A_1698] : memref<512x128xf32, #tpu.memory_space<vmem_shared>> -> memref<512x128xf32, #tpu.memory_space<vmem_shared>>
      tpu.enqueue_indirect_dma source(%dma_start3A_1693 : memref<128x128xf32, #tpu.memory_space<vmem>>) target(%dma_start3A_1699 : memref<512x128xf32, #tpu.memory_space<vmem_shared>>) offsets(%dma_start3A_1696 : memref<128xi32, #tpu.memory_space<vmem>>) semaphore(%arg11 : memref<!tpu.dma_semaphore, #tpu.memory_space<semaphore_mem>>) {add = true}
      %dma_start3A_1700 = arith.constant 1 : i32
      %dma_start3A_1701 = arith.constant 1 : i32
      %dma_start3A_1702 = arith.constant 128 : i32
      %dma_start3A_1703 = arith.constant 0 : i32
      %dma_start3A_1704 = tpu.memref_slice %arg5[%dma_start3A_1702, %dma_start3A_1703] : memref<256x128xf32, #tpu.memory_space<vmem>> -> memref<128x128xf32, #tpu.memory_space<vmem>>
      %dma_start3A_1705 = arith.constant 0 : i32
      %dma_start3A_1706 = tpu.memref_slice %arg6[%dma_start3A_1700, %dma_start3A_1701, %dma_start3A_1705] : memref<4x2x128xi32, #tpu.memory_space<vmem>> -> memref<1x1x128xi32, #tpu.memory_space<vmem>>
      %dma_start3A_1707 = tpu.memref_squeeze %dma_start3A_1706 : memref<1x1x128xi32, #tpu.memory_space<vmem>> -> memref<128xi32, #tpu.memory_space<vmem>>
      %dma_start3A_1708 = arith.constant 0 : i32
      %dma_start3A_1709 = arith.constant 0 : i32
      %dma_start3A_1710 = tpu.memref_slice %arg8[%dma_start3A_1708, %dma_start3A_1709] : memref<512x128xf32, #tpu.memory_space<vmem_shared>> -> memref<512x128xf32, #tpu.memory_space<vmem_shared>>
      tpu.enqueue_indirect_dma source(%dma_start3A_1704 : memref<128x128xf32, #tpu.memory_space<vmem>>) target(%dma_start3A_1710 : memref<512x128xf32, #tpu.memory_space<vmem_shared>>) offsets(%dma_start3A_1707 : memref<128xi32, #tpu.memory_space<vmem>>) semaphore(%arg11 : memref<!tpu.dma_semaphore, #tpu.memory_space<semaphore_mem>>) {add = true}
      %ge3A_1711 = arith.constant 2 : i32
      %ge3A_1712 = arith.cmpi sge, %add3A_1652, %ge3A_1711 : i32
      %convert_element_type3A_1713 = arith.extui %ge3A_1712 : i1 to i32
      %cond3A_1714 = arith.constant 0 : i32
      %cond3A_1715 = arith.cmpi ne, %convert_element_type3A_1713, %cond3A_1714 : i32
      scf.if %cond3A_1715 {
        %sub3A = arith.constant 2 : i32
        %sub3A_1850 = arith.subi %add3A_1652, %sub3A : i32
        %add3A_1851 = arith.addi %min3A_3, %sub3A_1850 : i32
        %mul3A_1852 = arith.constant 8 : i32
        %mul3A_1853 = arith.muli %add3A_1851, %mul3A_1852 : i32
        %dma_start3A_1854 = arith.constant 0 : i32
        %dma_start3A_1855 = tpu.memref_slice %arg3[%mul3A_1853, %dma_start3A_1854] : memref<2048x128xf32, #tpu.memory_space<hbm>> -> memref<8x128xf32, #tpu.memory_space<hbm>>
        %dma_start3A_1856 = arith.constant 0 : i32
        %dma_start3A_1857 = tpu.memref_slice %arg8[%mul3A_27, %dma_start3A_1856] : memref<512x128xf32, #tpu.memory_space<vmem_shared>> -> memref<8x128xf32, #tpu.memory_space<vmem_shared>>
        tpu.enqueue_dma source(%dma_start3A_1857 : memref<8x128xf32, #tpu.memory_space<vmem_shared>>) target(%dma_start3A_1855 : memref<8x128xf32, #tpu.memory_space<hbm>>) target_semaphore(%arg15 : memref<!tpu.dma_semaphore, #tpu.memory_space<semaphore_mem>>)
      } else {
      }
      %mul3A_1716 = arith.constant 4 : i32
      %mul3A_1717 = arith.muli %mul3A_1716, %scan3A_1586 : i32
      %add3A_1718 = arith.constant 2 : i32
      %add3A_1719 = arith.addi %mul3A_1717, %add3A_1718 : i32
      %ge3A_1720 = arith.constant 1 : i32
      %ge3A_1721 = arith.cmpi sge, %add3A_1719, %ge3A_1720 : i32
      %convert_element_type3A_1722 = arith.extui %ge3A_1721 : i1 to i32
      %cond3A_1723 = arith.constant 0 : i32
      %cond3A_1724 = arith.cmpi ne, %convert_element_type3A_1722, %cond3A_1723 : i32
      scf.if %cond3A_1724 {
        %dma_wait3A_1850 = arith.constant 0 : i32
        %dma_wait3A_1851 = arith.constant 0 : i32
        %dma_wait3A_1852 = arith.constant 0 : i32
        %dma_wait3A_1853 = arith.constant 0 : i32
        %dma_wait3A_1854 = tpu.memref_slice %arg4[%dma_wait3A_1852, %dma_wait3A_1853] : memref<256x128xf32, #tpu.memory_space<vmem>> -> memref<128x128xf32, #tpu.memory_space<vmem>>
        %dma_wait3A_1855 = arith.constant 0 : i32
        %dma_wait3A_1856 = tpu.memref_slice %arg6[%dma_wait3A_1850, %dma_wait3A_1851, %dma_wait3A_1855] : memref<4x2x128xi32, #tpu.memory_space<vmem>> -> memref<1x1x128xi32, #tpu.memory_space<vmem>>
        %dma_wait3A_1857 = tpu.memref_squeeze %dma_wait3A_1856 : memref<1x1x128xi32, #tpu.memory_space<vmem>> -> memref<128xi32, #tpu.memory_space<vmem>>
        %dma_wait3A_1858 = arith.constant 0 : i32
        %dma_wait3A_1859 = arith.constant 0 : i32
        %dma_wait3A_1860 = tpu.memref_slice %arg8[%dma_wait3A_1858, %dma_wait3A_1859] : memref<512x128xf32, #tpu.memory_space<vmem_shared>> -> memref<512x128xf32, #tpu.memory_space<vmem_shared>>
        tpu.wait_indirect_dma semaphore(%arg11 : memref<!tpu.dma_semaphore, #tpu.memory_space<semaphore_mem>>) src(%dma_wait3A_1854 : memref<128x128xf32, #tpu.memory_space<vmem>>) dst(%dma_wait3A_1860 : memref<512x128xf32, #tpu.memory_space<vmem_shared>>)
        %dma_wait3A_1861 = arith.constant 0 : i32
        %dma_wait3A_1862 = arith.constant 1 : i32
        %dma_wait3A_1863 = arith.constant 128 : i32
        %dma_wait3A_1864 = arith.constant 0 : i32
        %dma_wait3A_1865 = tpu.memref_slice %arg4[%dma_wait3A_1863, %dma_wait3A_1864] : memref<256x128xf32, #tpu.memory_space<vmem>> -> memref<128x128xf32, #tpu.memory_space<vmem>>
        %dma_wait3A_1866 = arith.constant 0 : i32
        %dma_wait3A_1867 = tpu.memref_slice %arg6[%dma_wait3A_1861, %dma_wait3A_1862, %dma_wait3A_1866] : memref<4x2x128xi32, #tpu.memory_space<vmem>> -> memref<1x1x128xi32, #tpu.memory_space<vmem>>
        %dma_wait3A_1868 = tpu.memref_squeeze %dma_wait3A_1867 : memref<1x1x128xi32, #tpu.memory_space<vmem>> -> memref<128xi32, #tpu.memory_space<vmem>>
        %dma_wait3A_1869 = arith.constant 0 : i32
        %dma_wait3A_1870 = arith.constant 0 : i32
        %dma_wait3A_1871 = tpu.memref_slice %arg8[%dma_wait3A_1869, %dma_wait3A_1870] : memref<512x128xf32, #tpu.memory_space<vmem_shared>> -> memref<512x128xf32, #tpu.memory_space<vmem_shared>>
        tpu.wait_indirect_dma semaphore(%arg11 : memref<!tpu.dma_semaphore, #tpu.memory_space<semaphore_mem>>) src(%dma_wait3A_1865 : memref<128x128xf32, #tpu.memory_space<vmem>>) dst(%dma_wait3A_1871 : memref<512x128xf32, #tpu.memory_space<vmem_shared>>)
      } else {
      }
      %ge3A_1725 = arith.constant 1 : i32
      %ge3A_1726 = arith.cmpi sge, %add3A_1719, %ge3A_1725 : i32
      %le3A_1727 = arith.constant 6 : i32
      %le3A_1728 = arith.cmpi sle, %add3A_1719, %le3A_1727 : i32
      %and3A_1729 = arith.andi %ge3A_1726, %le3A_1728 : i1
      %convert_element_type3A_1730 = arith.extui %and3A_1729 : i1 to i32
      %cond3A_1731 = arith.constant 0 : i32
      %cond3A_1732 = arith.cmpi ne, %convert_element_type3A_1730, %cond3A_1731 : i32
      scf.if %cond3A_1732 {
        %add3A_1850 = arith.constant 1 : i32
        %add3A_1851 = arith.addi %add3A_1719, %add3A_1850 : i32
        %add3A_1852 = arith.addi %min3A_3, %add3A_1851 : i32
        %mul3A_1853 = arith.constant 256 : i32
        %mul3A_1854 = arith.muli %add3A_1852, %mul3A_1853 : i32
        %dma_start3A_1855 = arith.constant 0 : i32
        %dma_start3A_1856 = tpu.memref_slice %arg2[%mul3A_1854, %dma_start3A_1855] : memref<320000x128xf32, #tpu.memory_space<hbm>> -> memref<256x128xf32, #tpu.memory_space<hbm>>
        %dma_start3A_1857 = arith.constant 0 : i32
        %dma_start3A_1858 = tpu.memref_slice %arg2[%mul3A_1854, %dma_start3A_1857] : memref<320000x128xf32, #tpu.memory_space<hbm>> -> memref<256x128xf32, #tpu.memory_space<hbm>>
        tpu.enqueue_dma source(%dma_start3A_1858 : memref<256x128xf32, #tpu.memory_space<hbm>>) target(%arg5 : memref<256x128xf32, #tpu.memory_space<vmem>>) target_semaphore(%arg10 : memref<!tpu.dma_semaphore, #tpu.memory_space<semaphore_mem>>)
      } else {
      }
      %dma_wait3A_1733 = arith.constant 0 : i32
      %dma_wait3A_1734 = arith.constant 0 : i32
      %dma_wait3A_1735 = tpu.memref_slice %arg2[%dma_wait3A_1733, %dma_wait3A_1734] : memref<320000x128xf32, #tpu.memory_space<hbm>> -> memref<256x128xf32, #tpu.memory_space<hbm>>
      %dma_wait3A_1736 = arith.constant 0 : i32
      %dma_wait3A_1737 = arith.constant 0 : i32
      %dma_wait3A_1738 = tpu.memref_slice %arg2[%dma_wait3A_1736, %dma_wait3A_1737] : memref<320000x128xf32, #tpu.memory_space<hbm>> -> memref<256x128xf32, #tpu.memory_space<hbm>>
      tpu.wait_dma2 semaphore(%arg9 : memref<!tpu.dma_semaphore, #tpu.memory_space<semaphore_mem>>) src(%dma_wait3A_1738 : memref<256x128xf32, #tpu.memory_space<hbm>>) dst(%arg4 : memref<256x128xf32, #tpu.memory_space<vmem>>)
      %ge3A_1739 = arith.constant 3 : i32
      %ge3A_1740 = arith.cmpi sge, %add3A_1719, %ge3A_1739 : i32
      %convert_element_type3A_1741 = arith.extui %ge3A_1740 : i1 to i32
      %cond3A_1742 = arith.constant 0 : i32
      %cond3A_1743 = arith.cmpi ne, %convert_element_type3A_1741, %cond3A_1742 : i32
      scf.if %cond3A_1743 {
        %dma_wait3A_1850 = arith.constant 0 : i32
        %dma_wait3A_1851 = arith.constant 0 : i32
        %dma_wait3A_1852 = tpu.memref_slice %arg3[%dma_wait3A_1850, %dma_wait3A_1851] : memref<2048x128xf32, #tpu.memory_space<hbm>> -> memref<8x128xf32, #tpu.memory_space<hbm>>
        %dma_wait3A_1853 = arith.constant 0 : i32
        %dma_wait3A_1854 = tpu.memref_slice %arg8[%mul3A_27, %dma_wait3A_1853] : memref<512x128xf32, #tpu.memory_space<vmem_shared>> -> memref<8x128xf32, #tpu.memory_space<vmem_shared>>
        tpu.wait_dma2 semaphore(%arg15 : memref<!tpu.dma_semaphore, #tpu.memory_space<semaphore_mem>>) src(%dma_wait3A_1854 : memref<8x128xf32, #tpu.memory_space<vmem_shared>>) dst(%dma_wait3A_1852 : memref<8x128xf32, #tpu.memory_space<hbm>>)
      } else {
      }
      %ge3A_1744 = arith.constant 3 : i32
      %ge3A_1745 = arith.cmpi sge, %add3A_1719, %ge3A_1744 : i32
      %le3A_1746 = arith.constant 6 : i32
      %le3A_1747 = arith.cmpi sle, %add3A_1719, %le3A_1746 : i32
      %and3A_1748 = arith.andi %ge3A_1745, %le3A_1747 : i1
      %convert_element_type3A_1749 = arith.extui %and3A_1748 : i1 to i32
      %cond3A_1750 = arith.constant 0 : i32
      %cond3A_1751 = arith.cmpi ne, %convert_element_type3A_1749, %cond3A_1750 : i32
      scf.if %cond3A_1751 {
        %dma_start3A_1850 = arith.constant 0 : i32
        %dma_start3A_1851 = tpu.memref_slice %arg8[%mul3A_27, %dma_start3A_1850] : memref<512x128xf32, #tpu.memory_space<vmem_shared>> -> memref<8x128xf32, #tpu.memory_space<vmem_shared>>
        %dma_start3A_1852 = arith.constant 0 : i32
        %dma_start3A_1853 = tpu.memref_slice %arg8[%mul3A_27, %dma_start3A_1852] : memref<512x128xf32, #tpu.memory_space<vmem_shared>> -> memref<8x128xf32, #tpu.memory_space<vmem_shared>>
        tpu.enqueue_dma source(%arg7 : memref<8x128xf32, #tpu.memory_space<vmem>>) target(%dma_start3A_1853 : memref<8x128xf32, #tpu.memory_space<vmem_shared>>) target_semaphore(%arg19 : memref<!tpu.dma_semaphore, #tpu.memory_space<semaphore_mem>>)
      } else {
      }
      %dma_wait3A_1752 = arith.constant 0 : i32
      %dma_wait3A_1753 = tpu.memref_slice %arg8[%mul3A_21, %dma_wait3A_1752] : memref<512x128xf32, #tpu.memory_space<vmem_shared>> -> memref<8x128xf32, #tpu.memory_space<vmem_shared>>
      %dma_wait3A_1754 = arith.constant 0 : i32
      %dma_wait3A_1755 = tpu.memref_slice %arg8[%mul3A_21, %dma_wait3A_1754] : memref<512x128xf32, #tpu.memory_space<vmem_shared>> -> memref<8x128xf32, #tpu.memory_space<vmem_shared>>
      tpu.wait_dma2 semaphore(%arg18 : memref<!tpu.dma_semaphore, #tpu.memory_space<semaphore_mem>>) src(%arg7 : memref<8x128xf32, #tpu.memory_space<vmem>>) dst(%dma_wait3A_1755 : memref<8x128xf32, #tpu.memory_space<vmem_shared>>)
      %dma_start3A_1756 = arith.constant 2 : i32
      %dma_start3A_1757 = arith.constant 0 : i32
      %dma_start3A_1758 = arith.constant 0 : i32
      %dma_start3A_1759 = arith.constant 0 : i32
      %dma_start3A_1760 = tpu.memref_slice %arg4[%dma_start3A_1758, %dma_start3A_1759] : memref<256x128xf32, #tpu.memory_space<vmem>> -> memref<128x128xf32, #tpu.memory_space<vmem>>
      %dma_start3A_1761 = arith.constant 0 : i32
      %dma_start3A_1762 = tpu.memref_slice %arg6[%dma_start3A_1756, %dma_start3A_1757, %dma_start3A_1761] : memref<4x2x128xi32, #tpu.memory_space<vmem>> -> memref<1x1x128xi32, #tpu.memory_space<vmem>>
      %dma_start3A_1763 = tpu.memref_squeeze %dma_start3A_1762 : memref<1x1x128xi32, #tpu.memory_space<vmem>> -> memref<128xi32, #tpu.memory_space<vmem>>
      %dma_start3A_1764 = arith.constant 0 : i32
      %dma_start3A_1765 = arith.constant 0 : i32
      %dma_start3A_1766 = tpu.memref_slice %arg8[%dma_start3A_1764, %dma_start3A_1765] : memref<512x128xf32, #tpu.memory_space<vmem_shared>> -> memref<512x128xf32, #tpu.memory_space<vmem_shared>>
      tpu.enqueue_indirect_dma source(%dma_start3A_1760 : memref<128x128xf32, #tpu.memory_space<vmem>>) target(%dma_start3A_1766 : memref<512x128xf32, #tpu.memory_space<vmem_shared>>) offsets(%dma_start3A_1763 : memref<128xi32, #tpu.memory_space<vmem>>) semaphore(%arg11 : memref<!tpu.dma_semaphore, #tpu.memory_space<semaphore_mem>>) {add = true}
      %dma_start3A_1767 = arith.constant 2 : i32
      %dma_start3A_1768 = arith.constant 1 : i32
      %dma_start3A_1769 = arith.constant 128 : i32
      %dma_start3A_1770 = arith.constant 0 : i32
      %dma_start3A_1771 = tpu.memref_slice %arg4[%dma_start3A_1769, %dma_start3A_1770] : memref<256x128xf32, #tpu.memory_space<vmem>> -> memref<128x128xf32, #tpu.memory_space<vmem>>
      %dma_start3A_1772 = arith.constant 0 : i32
      %dma_start3A_1773 = tpu.memref_slice %arg6[%dma_start3A_1767, %dma_start3A_1768, %dma_start3A_1772] : memref<4x2x128xi32, #tpu.memory_space<vmem>> -> memref<1x1x128xi32, #tpu.memory_space<vmem>>
      %dma_start3A_1774 = tpu.memref_squeeze %dma_start3A_1773 : memref<1x1x128xi32, #tpu.memory_space<vmem>> -> memref<128xi32, #tpu.memory_space<vmem>>
      %dma_start3A_1775 = arith.constant 0 : i32
      %dma_start3A_1776 = arith.constant 0 : i32
      %dma_start3A_1777 = tpu.memref_slice %arg8[%dma_start3A_1775, %dma_start3A_1776] : memref<512x128xf32, #tpu.memory_space<vmem_shared>> -> memref<512x128xf32, #tpu.memory_space<vmem_shared>>
      tpu.enqueue_indirect_dma source(%dma_start3A_1771 : memref<128x128xf32, #tpu.memory_space<vmem>>) target(%dma_start3A_1777 : memref<512x128xf32, #tpu.memory_space<vmem_shared>>) offsets(%dma_start3A_1774 : memref<128xi32, #tpu.memory_space<vmem>>) semaphore(%arg11 : memref<!tpu.dma_semaphore, #tpu.memory_space<semaphore_mem>>) {add = true}
      %ge3A_1778 = arith.constant 2 : i32
      %ge3A_1779 = arith.cmpi sge, %add3A_1719, %ge3A_1778 : i32
      %convert_element_type3A_1780 = arith.extui %ge3A_1779 : i1 to i32
      %cond3A_1781 = arith.constant 0 : i32
      %cond3A_1782 = arith.cmpi ne, %convert_element_type3A_1780, %cond3A_1781 : i32
      scf.if %cond3A_1782 {
        %sub3A = arith.constant 2 : i32
        %sub3A_1850 = arith.subi %add3A_1719, %sub3A : i32
        %add3A_1851 = arith.addi %min3A_3, %sub3A_1850 : i32
        %mul3A_1852 = arith.constant 8 : i32
        %mul3A_1853 = arith.muli %add3A_1851, %mul3A_1852 : i32
        %dma_start3A_1854 = arith.constant 0 : i32
        %dma_start3A_1855 = tpu.memref_slice %arg3[%mul3A_1853, %dma_start3A_1854] : memref<2048x128xf32, #tpu.memory_space<hbm>> -> memref<8x128xf32, #tpu.memory_space<hbm>>
        %dma_start3A_1856 = arith.constant 0 : i32
        %dma_start3A_1857 = tpu.memref_slice %arg8[%mul3A_9, %dma_start3A_1856] : memref<512x128xf32, #tpu.memory_space<vmem_shared>> -> memref<8x128xf32, #tpu.memory_space<vmem_shared>>
        tpu.enqueue_dma source(%dma_start3A_1857 : memref<8x128xf32, #tpu.memory_space<vmem_shared>>) target(%dma_start3A_1855 : memref<8x128xf32, #tpu.memory_space<hbm>>) target_semaphore(%arg12 : memref<!tpu.dma_semaphore, #tpu.memory_space<semaphore_mem>>)
      } else {
      }
      %mul3A_1783 = arith.constant 4 : i32
      %mul3A_1784 = arith.muli %mul3A_1783, %scan3A_1586 : i32
      %add3A_1785 = arith.constant 3 : i32
      %add3A_1786 = arith.addi %mul3A_1784, %add3A_1785 : i32
      %ge3A_1787 = arith.constant 1 : i32
      %ge3A_1788 = arith.cmpi sge, %add3A_1786, %ge3A_1787 : i32
      %convert_element_type3A_1789 = arith.extui %ge3A_1788 : i1 to i32
      %cond3A_1790 = arith.constant 0 : i32
      %cond3A_1791 = arith.cmpi ne, %convert_element_type3A_1789, %cond3A_1790 : i32
      scf.if %cond3A_1791 {
        %dma_wait3A_1850 = arith.constant 0 : i32
        %dma_wait3A_1851 = arith.constant 0 : i32
        %dma_wait3A_1852 = arith.constant 0 : i32
        %dma_wait3A_1853 = arith.constant 0 : i32
        %dma_wait3A_1854 = tpu.memref_slice %arg4[%dma_wait3A_1852, %dma_wait3A_1853] : memref<256x128xf32, #tpu.memory_space<vmem>> -> memref<128x128xf32, #tpu.memory_space<vmem>>
        %dma_wait3A_1855 = arith.constant 0 : i32
        %dma_wait3A_1856 = tpu.memref_slice %arg6[%dma_wait3A_1850, %dma_wait3A_1851, %dma_wait3A_1855] : memref<4x2x128xi32, #tpu.memory_space<vmem>> -> memref<1x1x128xi32, #tpu.memory_space<vmem>>
        %dma_wait3A_1857 = tpu.memref_squeeze %dma_wait3A_1856 : memref<1x1x128xi32, #tpu.memory_space<vmem>> -> memref<128xi32, #tpu.memory_space<vmem>>
        %dma_wait3A_1858 = arith.constant 0 : i32
        %dma_wait3A_1859 = arith.constant 0 : i32
        %dma_wait3A_1860 = tpu.memref_slice %arg8[%dma_wait3A_1858, %dma_wait3A_1859] : memref<512x128xf32, #tpu.memory_space<vmem_shared>> -> memref<512x128xf32, #tpu.memory_space<vmem_shared>>
        tpu.wait_indirect_dma semaphore(%arg11 : memref<!tpu.dma_semaphore, #tpu.memory_space<semaphore_mem>>) src(%dma_wait3A_1854 : memref<128x128xf32, #tpu.memory_space<vmem>>) dst(%dma_wait3A_1860 : memref<512x128xf32, #tpu.memory_space<vmem_shared>>)
        %dma_wait3A_1861 = arith.constant 0 : i32
        %dma_wait3A_1862 = arith.constant 1 : i32
        %dma_wait3A_1863 = arith.constant 128 : i32
        %dma_wait3A_1864 = arith.constant 0 : i32
        %dma_wait3A_1865 = tpu.memref_slice %arg4[%dma_wait3A_1863, %dma_wait3A_1864] : memref<256x128xf32, #tpu.memory_space<vmem>> -> memref<128x128xf32, #tpu.memory_space<vmem>>
        %dma_wait3A_1866 = arith.constant 0 : i32
        %dma_wait3A_1867 = tpu.memref_slice %arg6[%dma_wait3A_1861, %dma_wait3A_1862, %dma_wait3A_1866] : memref<4x2x128xi32, #tpu.memory_space<vmem>> -> memref<1x1x128xi32, #tpu.memory_space<vmem>>
        %dma_wait3A_1868 = tpu.memref_squeeze %dma_wait3A_1867 : memref<1x1x128xi32, #tpu.memory_space<vmem>> -> memref<128xi32, #tpu.memory_space<vmem>>
        %dma_wait3A_1869 = arith.constant 0 : i32
        %dma_wait3A_1870 = arith.constant 0 : i32
        %dma_wait3A_1871 = tpu.memref_slice %arg8[%dma_wait3A_1869, %dma_wait3A_1870] : memref<512x128xf32, #tpu.memory_space<vmem_shared>> -> memref<512x128xf32, #tpu.memory_space<vmem_shared>>
        tpu.wait_indirect_dma semaphore(%arg11 : memref<!tpu.dma_semaphore, #tpu.memory_space<semaphore_mem>>) src(%dma_wait3A_1865 : memref<128x128xf32, #tpu.memory_space<vmem>>) dst(%dma_wait3A_1871 : memref<512x128xf32, #tpu.memory_space<vmem_shared>>)
      } else {
      }
      %ge3A_1792 = arith.constant 1 : i32
      %ge3A_1793 = arith.cmpi sge, %add3A_1786, %ge3A_1792 : i32
      %le3A_1794 = arith.constant 6 : i32
      %le3A_1795 = arith.cmpi sle, %add3A_1786, %le3A_1794 : i32
      %and3A_1796 = arith.andi %ge3A_1793, %le3A_1795 : i1
      %convert_element_type3A_1797 = arith.extui %and3A_1796 : i1 to i32
      %cond3A_1798 = arith.constant 0 : i32
      %cond3A_1799 = arith.cmpi ne, %convert_element_type3A_1797, %cond3A_1798 : i32
      scf.if %cond3A_1799 {
        %add3A_1850 = arith.constant 1 : i32
        %add3A_1851 = arith.addi %add3A_1786, %add3A_1850 : i32
        %add3A_1852 = arith.addi %min3A_3, %add3A_1851 : i32
        %mul3A_1853 = arith.constant 256 : i32
        %mul3A_1854 = arith.muli %add3A_1852, %mul3A_1853 : i32
        %dma_start3A_1855 = arith.constant 0 : i32
        %dma_start3A_1856 = tpu.memref_slice %arg2[%mul3A_1854, %dma_start3A_1855] : memref<320000x128xf32, #tpu.memory_space<hbm>> -> memref<256x128xf32, #tpu.memory_space<hbm>>
        %dma_start3A_1857 = arith.constant 0 : i32
        %dma_start3A_1858 = tpu.memref_slice %arg2[%mul3A_1854, %dma_start3A_1857] : memref<320000x128xf32, #tpu.memory_space<hbm>> -> memref<256x128xf32, #tpu.memory_space<hbm>>
        tpu.enqueue_dma source(%dma_start3A_1858 : memref<256x128xf32, #tpu.memory_space<hbm>>) target(%arg4 : memref<256x128xf32, #tpu.memory_space<vmem>>) target_semaphore(%arg9 : memref<!tpu.dma_semaphore, #tpu.memory_space<semaphore_mem>>)
      } else {
      }
      %dma_wait3A_1800 = arith.constant 0 : i32
      %dma_wait3A_1801 = arith.constant 0 : i32
      %dma_wait3A_1802 = tpu.memref_slice %arg2[%dma_wait3A_1800, %dma_wait3A_1801] : memref<320000x128xf32, #tpu.memory_space<hbm>> -> memref<256x128xf32, #tpu.memory_space<hbm>>
      %dma_wait3A_1803 = arith.constant 0 : i32
      %dma_wait3A_1804 = arith.constant 0 : i32
      %dma_wait3A_1805 = tpu.memref_slice %arg2[%dma_wait3A_1803, %dma_wait3A_1804] : memref<320000x128xf32, #tpu.memory_space<hbm>> -> memref<256x128xf32, #tpu.memory_space<hbm>>
      tpu.wait_dma2 semaphore(%arg10 : memref<!tpu.dma_semaphore, #tpu.memory_space<semaphore_mem>>) src(%dma_wait3A_1805 : memref<256x128xf32, #tpu.memory_space<hbm>>) dst(%arg5 : memref<256x128xf32, #tpu.memory_space<vmem>>)
      %ge3A_1806 = arith.constant 3 : i32
      %ge3A_1807 = arith.cmpi sge, %add3A_1786, %ge3A_1806 : i32
      %convert_element_type3A_1808 = arith.extui %ge3A_1807 : i1 to i32
      %cond3A_1809 = arith.constant 0 : i32
      %cond3A_1810 = arith.cmpi ne, %convert_element_type3A_1808, %cond3A_1809 : i32
      scf.if %cond3A_1810 {
        %dma_wait3A_1850 = arith.constant 0 : i32
        %dma_wait3A_1851 = arith.constant 0 : i32
        %dma_wait3A_1852 = tpu.memref_slice %arg3[%dma_wait3A_1850, %dma_wait3A_1851] : memref<2048x128xf32, #tpu.memory_space<hbm>> -> memref<8x128xf32, #tpu.memory_space<hbm>>
        %dma_wait3A_1853 = arith.constant 0 : i32
        %dma_wait3A_1854 = tpu.memref_slice %arg8[%mul3A_9, %dma_wait3A_1853] : memref<512x128xf32, #tpu.memory_space<vmem_shared>> -> memref<8x128xf32, #tpu.memory_space<vmem_shared>>
        tpu.wait_dma2 semaphore(%arg12 : memref<!tpu.dma_semaphore, #tpu.memory_space<semaphore_mem>>) src(%dma_wait3A_1854 : memref<8x128xf32, #tpu.memory_space<vmem_shared>>) dst(%dma_wait3A_1852 : memref<8x128xf32, #tpu.memory_space<hbm>>)
      } else {
      }
      %ge3A_1811 = arith.constant 3 : i32
      %ge3A_1812 = arith.cmpi sge, %add3A_1786, %ge3A_1811 : i32
      %le3A_1813 = arith.constant 6 : i32
      %le3A_1814 = arith.cmpi sle, %add3A_1786, %le3A_1813 : i32
      %and3A_1815 = arith.andi %ge3A_1812, %le3A_1814 : i1
      %convert_element_type3A_1816 = arith.extui %and3A_1815 : i1 to i32
      %cond3A_1817 = arith.constant 0 : i32
      %cond3A_1818 = arith.cmpi ne, %convert_element_type3A_1816, %cond3A_1817 : i32
      scf.if %cond3A_1818 {
        %dma_start3A_1850 = arith.constant 0 : i32
        %dma_start3A_1851 = tpu.memref_slice %arg8[%mul3A_9, %dma_start3A_1850] : memref<512x128xf32, #tpu.memory_space<vmem_shared>> -> memref<8x128xf32, #tpu.memory_space<vmem_shared>>
        %dma_start3A_1852 = arith.constant 0 : i32
        %dma_start3A_1853 = tpu.memref_slice %arg8[%mul3A_9, %dma_start3A_1852] : memref<512x128xf32, #tpu.memory_space<vmem_shared>> -> memref<8x128xf32, #tpu.memory_space<vmem_shared>>
        tpu.enqueue_dma source(%arg7 : memref<8x128xf32, #tpu.memory_space<vmem>>) target(%dma_start3A_1853 : memref<8x128xf32, #tpu.memory_space<vmem_shared>>) target_semaphore(%arg16 : memref<!tpu.dma_semaphore, #tpu.memory_space<semaphore_mem>>)
      } else {
      }
      %dma_wait3A_1819 = arith.constant 0 : i32
      %dma_wait3A_1820 = tpu.memref_slice %arg8[%mul3A_27, %dma_wait3A_1819] : memref<512x128xf32, #tpu.memory_space<vmem_shared>> -> memref<8x128xf32, #tpu.memory_space<vmem_shared>>
      %dma_wait3A_1821 = arith.constant 0 : i32
      %dma_wait3A_1822 = tpu.memref_slice %arg8[%mul3A_27, %dma_wait3A_1821] : memref<512x128xf32, #tpu.memory_space<vmem_shared>> -> memref<8x128xf32, #tpu.memory_space<vmem_shared>>
      tpu.wait_dma2 semaphore(%arg19 : memref<!tpu.dma_semaphore, #tpu.memory_space<semaphore_mem>>) src(%arg7 : memref<8x128xf32, #tpu.memory_space<vmem>>) dst(%dma_wait3A_1822 : memref<8x128xf32, #tpu.memory_space<vmem_shared>>)
      %dma_start3A_1823 = arith.constant 3 : i32
      %dma_start3A_1824 = arith.constant 0 : i32
      %dma_start3A_1825 = arith.constant 0 : i32
      %dma_start3A_1826 = arith.constant 0 : i32
      %dma_start3A_1827 = tpu.memref_slice %arg5[%dma_start3A_1825, %dma_start3A_1826] : memref<256x128xf32, #tpu.memory_space<vmem>> -> memref<128x128xf32, #tpu.memory_space<vmem>>
      %dma_start3A_1828 = arith.constant 0 : i32
      %dma_start3A_1829 = tpu.memref_slice %arg6[%dma_start3A_1823, %dma_start3A_1824, %dma_start3A_1828] : memref<4x2x128xi32, #tpu.memory_space<vmem>> -> memref<1x1x128xi32, #tpu.memory_space<vmem>>
      %dma_start3A_1830 = tpu.memref_squeeze %dma_start3A_1829 : memref<1x1x128xi32, #tpu.memory_space<vmem>> -> memref<128xi32, #tpu.memory_space<vmem>>
      %dma_start3A_1831 = arith.constant 0 : i32
      %dma_start3A_1832 = arith.constant 0 : i32
      %dma_start3A_1833 = tpu.memref_slice %arg8[%dma_start3A_1831, %dma_start3A_1832] : memref<512x128xf32, #tpu.memory_space<vmem_shared>> -> memref<512x128xf32, #tpu.memory_space<vmem_shared>>
      tpu.enqueue_indirect_dma source(%dma_start3A_1827 : memref<128x128xf32, #tpu.memory_space<vmem>>) target(%dma_start3A_1833 : memref<512x128xf32, #tpu.memory_space<vmem_shared>>) offsets(%dma_start3A_1830 : memref<128xi32, #tpu.memory_space<vmem>>) semaphore(%arg11 : memref<!tpu.dma_semaphore, #tpu.memory_space<semaphore_mem>>) {add = true}
      %dma_start3A_1834 = arith.constant 3 : i32
      %dma_start3A_1835 = arith.constant 1 : i32
      %dma_start3A_1836 = arith.constant 128 : i32
      %dma_start3A_1837 = arith.constant 0 : i32
      %dma_start3A_1838 = tpu.memref_slice %arg5[%dma_start3A_1836, %dma_start3A_1837] : memref<256x128xf32, #tpu.memory_space<vmem>> -> memref<128x128xf32, #tpu.memory_space<vmem>>
      %dma_start3A_1839 = arith.constant 0 : i32
      %dma_start3A_1840 = tpu.memref_slice %arg6[%dma_start3A_1834, %dma_start3A_1835, %dma_start3A_1839] : memref<4x2x128xi32, #tpu.memory_space<vmem>> -> memref<1x1x128xi32, #tpu.memory_space<vmem>>
      %dma_start3A_1841 = tpu.memref_squeeze %dma_start3A_1840 : memref<1x1x128xi32, #tpu.memory_space<vmem>> -> memref<128xi32, #tpu.memory_space<vmem>>
      %dma_start3A_1842 = arith.constant 0 : i32
      %dma_start3A_1843 = arith.constant 0 : i32
      %dma_start3A_1844 = tpu.memref_slice %arg8[%dma_start3A_1842, %dma_start3A_1843] : memref<512x128xf32, #tpu.memory_space<vmem_shared>> -> memref<512x128xf32, #tpu.memory_space<vmem_shared>>
      tpu.enqueue_indirect_dma source(%dma_start3A_1838 : memref<128x128xf32, #tpu.memory_space<vmem>>) target(%dma_start3A_1844 : memref<512x128xf32, #tpu.memory_space<vmem_shared>>) offsets(%dma_start3A_1841 : memref<128xi32, #tpu.memory_space<vmem>>) semaphore(%arg11 : memref<!tpu.dma_semaphore, #tpu.memory_space<semaphore_mem>>) {add = true}
      %ge3A_1845 = arith.constant 2 : i32
      %ge3A_1846 = arith.cmpi sge, %add3A_1786, %ge3A_1845 : i32
      %convert_element_type3A_1847 = arith.extui %ge3A_1846 : i1 to i32
      %cond3A_1848 = arith.constant 0 : i32
      %cond3A_1849 = arith.cmpi ne, %convert_element_type3A_1847, %cond3A_1848 : i32
      scf.if %cond3A_1849 {
        %sub3A = arith.constant 2 : i32
        %sub3A_1850 = arith.subi %add3A_1786, %sub3A : i32
        %add3A_1851 = arith.addi %min3A_3, %sub3A_1850 : i32
        %mul3A_1852 = arith.constant 8 : i32
        %mul3A_1853 = arith.muli %add3A_1851, %mul3A_1852 : i32
        %dma_start3A_1854 = arith.constant 0 : i32
        %dma_start3A_1855 = tpu.memref_slice %arg3[%mul3A_1853, %dma_start3A_1854] : memref<2048x128xf32, #tpu.memory_space<hbm>> -> memref<8x128xf32, #tpu.memory_space<hbm>>
        %dma_start3A_1856 = arith.constant 0 : i32
        %dma_start3A_1857 = tpu.memref_slice %arg8[%mul3A_15, %dma_start3A_1856] : memref<512x128xf32, #tpu.memory_space<vmem_shared>> -> memref<8x128xf32, #tpu.memory_space<vmem_shared>>
        tpu.enqueue_dma source(%dma_start3A_1857 : memref<8x128xf32, #tpu.memory_space<vmem_shared>>) target(%dma_start3A_1855 : memref<8x128xf32, #tpu.memory_space<hbm>>) target_semaphore(%arg13 : memref<!tpu.dma_semaphore, #tpu.memory_space<semaphore_mem>>)
      } else {
      }
    }
    %scan3A_1533 = arith.constant 2 : i32
    %dma_wait3A = arith.constant 0 : i32
    %dma_wait3A_1534 = arith.constant 0 : i32
    %dma_wait3A_1535 = arith.constant 0 : i32
    %dma_wait3A_1536 = arith.constant 0 : i32
    %dma_wait3A_1537 = tpu.memref_slice %arg4[%dma_wait3A_1535, %dma_wait3A_1536] : memref<256x128xf32, #tpu.memory_space<vmem>> -> memref<128x128xf32, #tpu.memory_space<vmem>>
    %dma_wait3A_1538 = arith.constant 0 : i32
    %dma_wait3A_1539 = tpu.memref_slice %arg6[%dma_wait3A, %dma_wait3A_1534, %dma_wait3A_1538] : memref<4x2x128xi32, #tpu.memory_space<vmem>> -> memref<1x1x128xi32, #tpu.memory_space<vmem>>
    %dma_wait3A_1540 = tpu.memref_squeeze %dma_wait3A_1539 : memref<1x1x128xi32, #tpu.memory_space<vmem>> -> memref<128xi32, #tpu.memory_space<vmem>>
    %dma_wait3A_1541 = arith.constant 0 : i32
    %dma_wait3A_1542 = arith.constant 0 : i32
    %dma_wait3A_1543 = tpu.memref_slice %arg8[%dma_wait3A_1541, %dma_wait3A_1542] : memref<512x128xf32, #tpu.memory_space<vmem_shared>> -> memref<512x128xf32, #tpu.memory_space<vmem_shared>>
    tpu.wait_indirect_dma semaphore(%arg11 : memref<!tpu.dma_semaphore, #tpu.memory_space<semaphore_mem>>) src(%dma_wait3A_1537 : memref<128x128xf32, #tpu.memory_space<vmem>>) dst(%dma_wait3A_1543 : memref<512x128xf32, #tpu.memory_space<vmem_shared>>)
    %dma_wait3A_1544 = arith.constant 0 : i32
    %dma_wait3A_1545 = arith.constant 1 : i32
    %dma_wait3A_1546 = arith.constant 128 : i32
    %dma_wait3A_1547 = arith.constant 0 : i32
    %dma_wait3A_1548 = tpu.memref_slice %arg4[%dma_wait3A_1546, %dma_wait3A_1547] : memref<256x128xf32, #tpu.memory_space<vmem>> -> memref<128x128xf32, #tpu.memory_space<vmem>>
    %dma_wait3A_1549 = arith.constant 0 : i32
    %dma_wait3A_1550 = tpu.memref_slice %arg6[%dma_wait3A_1544, %dma_wait3A_1545, %dma_wait3A_1549] : memref<4x2x128xi32, #tpu.memory_space<vmem>> -> memref<1x1x128xi32, #tpu.memory_space<vmem>>
    %dma_wait3A_1551 = tpu.memref_squeeze %dma_wait3A_1550 : memref<1x1x128xi32, #tpu.memory_space<vmem>> -> memref<128xi32, #tpu.memory_space<vmem>>
    %dma_wait3A_1552 = arith.constant 0 : i32
    %dma_wait3A_1553 = arith.constant 0 : i32
    %dma_wait3A_1554 = tpu.memref_slice %arg8[%dma_wait3A_1552, %dma_wait3A_1553] : memref<512x128xf32, #tpu.memory_space<vmem_shared>> -> memref<512x128xf32, #tpu.memory_space<vmem_shared>>
    tpu.wait_indirect_dma semaphore(%arg11 : memref<!tpu.dma_semaphore, #tpu.memory_space<semaphore_mem>>) src(%dma_wait3A_1548 : memref<128x128xf32, #tpu.memory_space<vmem>>) dst(%dma_wait3A_1554 : memref<512x128xf32, #tpu.memory_space<vmem_shared>>)
    %delay3A = arith.constant 2000 : i32
    tpu.delay %delay3A
    %add3A_1555 = arith.constant 6 : i32
    %add3A_1556 = arith.addi %min3A_3, %add3A_1555 : i32
    %mul3A_1557 = arith.constant 8 : i32
    %mul3A_1558 = arith.muli %add3A_1556, %mul3A_1557 : i32
    %dma_start3A_1559 = arith.constant 0 : i32
    %dma_start3A_1560 = tpu.memref_slice %arg3[%mul3A_1558, %dma_start3A_1559] : memref<2048x128xf32, #tpu.memory_space<hbm>> -> memref<8x128xf32, #tpu.memory_space<hbm>>
    %dma_start3A_1561 = arith.constant 0 : i32
    %dma_start3A_1562 = tpu.memref_slice %arg8[%mul3A_21, %dma_start3A_1561] : memref<512x128xf32, #tpu.memory_space<vmem_shared>> -> memref<8x128xf32, #tpu.memory_space<vmem_shared>>
    tpu.enqueue_dma source(%dma_start3A_1562 : memref<8x128xf32, #tpu.memory_space<vmem_shared>>) target(%dma_start3A_1560 : memref<8x128xf32, #tpu.memory_space<hbm>>) target_semaphore(%arg14 : memref<!tpu.dma_semaphore, #tpu.memory_space<semaphore_mem>>)
    %add3A_1563 = arith.constant 7 : i32
    %add3A_1564 = arith.addi %min3A_3, %add3A_1563 : i32
    %mul3A_1565 = arith.constant 8 : i32
    %mul3A_1566 = arith.muli %add3A_1564, %mul3A_1565 : i32
    %dma_start3A_1567 = arith.constant 0 : i32
    %dma_start3A_1568 = tpu.memref_slice %arg3[%mul3A_1566, %dma_start3A_1567] : memref<2048x128xf32, #tpu.memory_space<hbm>> -> memref<8x128xf32, #tpu.memory_space<hbm>>
    %dma_start3A_1569 = arith.constant 0 : i32
    %dma_start3A_1570 = tpu.memref_slice %arg8[%mul3A_27, %dma_start3A_1569] : memref<512x128xf32, #tpu.memory_space<vmem_shared>> -> memref<8x128xf32, #tpu.memory_space<vmem_shared>>
    tpu.enqueue_dma source(%dma_start3A_1570 : memref<8x128xf32, #tpu.memory_space<vmem_shared>>) target(%dma_start3A_1568 : memref<8x128xf32, #tpu.memory_space<hbm>>) target_semaphore(%arg15 : memref<!tpu.dma_semaphore, #tpu.memory_space<semaphore_mem>>)
    %dma_wait3A_1571 = arith.constant 0 : i32
    %dma_wait3A_1572 = arith.constant 0 : i32
    %dma_wait3A_1573 = tpu.memref_slice %arg3[%dma_wait3A_1571, %dma_wait3A_1572] : memref<2048x128xf32, #tpu.memory_space<hbm>> -> memref<8x128xf32, #tpu.memory_space<hbm>>
    %dma_wait3A_1574 = arith.constant 0 : i32
    %dma_wait3A_1575 = tpu.memref_slice %arg8[%mul3A_15, %dma_wait3A_1574] : memref<512x128xf32, #tpu.memory_space<vmem_shared>> -> memref<8x128xf32, #tpu.memory_space<vmem_shared>>
    tpu.wait_dma2 semaphore(%arg13 : memref<!tpu.dma_semaphore, #tpu.memory_space<semaphore_mem>>) src(%dma_wait3A_1575 : memref<8x128xf32, #tpu.memory_space<vmem_shared>>) dst(%dma_wait3A_1573 : memref<8x128xf32, #tpu.memory_space<hbm>>)
    %dma_wait3A_1576 = arith.constant 0 : i32
    %dma_wait3A_1577 = arith.constant 0 : i32
    %dma_wait3A_1578 = tpu.memref_slice %arg3[%dma_wait3A_1576, %dma_wait3A_1577] : memref<2048x128xf32, #tpu.memory_space<hbm>> -> memref<8x128xf32, #tpu.memory_space<hbm>>
    %dma_wait3A_1579 = arith.constant 0 : i32
    %dma_wait3A_1580 = tpu.memref_slice %arg8[%mul3A_21, %dma_wait3A_1579] : memref<512x128xf32, #tpu.memory_space<vmem_shared>> -> memref<8x128xf32, #tpu.memory_space<vmem_shared>>
    tpu.wait_dma2 semaphore(%arg14 : memref<!tpu.dma_semaphore, #tpu.memory_space<semaphore_mem>>) src(%dma_wait3A_1580 : memref<8x128xf32, #tpu.memory_space<vmem_shared>>) dst(%dma_wait3A_1578 : memref<8x128xf32, #tpu.memory_space<hbm>>)
    %dma_wait3A_1581 = arith.constant 0 : i32
    %dma_wait3A_1582 = arith.constant 0 : i32
    %dma_wait3A_1583 = tpu.memref_slice %arg3[%dma_wait3A_1581, %dma_wait3A_1582] : memref<2048x128xf32, #tpu.memory_space<hbm>> -> memref<8x128xf32, #tpu.memory_space<hbm>>
    %dma_wait3A_1584 = arith.constant 0 : i32
    %dma_wait3A_1585 = tpu.memref_slice %arg8[%mul3A_27, %dma_wait3A_1584] : memref<512x128xf32, #tpu.memory_space<vmem_shared>> -> memref<8x128xf32, #tpu.memory_space<vmem_shared>>
    tpu.wait_dma2 semaphore(%arg15 : memref<!tpu.dma_semaphore, #tpu.memory_space<semaphore_mem>>) src(%dma_wait3A_1585 : memref<8x128xf32, #tpu.memory_space<vmem_shared>>) dst(%dma_wait3A_1583 : memref<8x128xf32, #tpu.memory_space<hbm>>)
    return
  }
}

module attributes {stable_mosaic.version = 14 : i64} {
  func.func @_tc_body(%arg0: i32, %arg1: memref<400x32x128xf32, #tpu.memory_space<vmem>>, %arg2: memref<400x128xf32, #tpu.memory_space<vmem>>) attributes {dimension_semantics = [#tpu.dimension_semantics<arbitrary>], iteration_bounds = array<i64: 20>, scalar_prefetch = 0 : i64, scratch_operands = 0 : i64, tpu.core_type = #tpu.core_type<tc>, window_params = [{transform_indices = @transform_0, window_bounds = array<i64: 400, 32, 128>}, {transform_indices = @transform_1, window_bounds = array<i64: 400, 128>}]} {
    %get3A = arith.constant 0 : index
    %get3A_0 = arith.constant 0 : index
    %get3A_1 = arith.constant 0 : index
    %get3A_2 = vector.load %arg1[%get3A, %get3A_0, %get3A_1] : memref<400x32x128xf32, #tpu.memory_space<vmem>>, vector<400x32x128xf32>
    %slice3A = vector.extract_strided_slice %get3A_2 {offsets = [0, 0, 0], sizes = [400, 16, 128], strides = [1, 1, 1]} : vector<400x32x128xf32> to vector<400x16x128xf32>
    %slice3A_3 = vector.extract_strided_slice %get3A_2 {offsets = [0, 16, 0], sizes = [400, 16, 128], strides = [1, 1, 1]} : vector<400x32x128xf32> to vector<400x16x128xf32>
    %add3A = arith.addf %slice3A, %slice3A_3 : vector<400x16x128xf32>
    %slice3A_4 = vector.extract_strided_slice %add3A {offsets = [0, 0, 0], sizes = [400, 8, 128], strides = [1, 1, 1]} : vector<400x16x128xf32> to vector<400x8x128xf32>
    %slice3A_5 = vector.extract_strided_slice %add3A {offsets = [0, 8, 0], sizes = [400, 8, 128], strides = [1, 1, 1]} : vector<400x16x128xf32> to vector<400x8x128xf32>
    %add3A_6 = arith.addf %slice3A_4, %slice3A_5 : vector<400x8x128xf32>
    %slice3A_7 = vector.extract_strided_slice %add3A_6 {offsets = [0, 0, 0], sizes = [400, 4, 128], strides = [1, 1, 1]} : vector<400x8x128xf32> to vector<400x4x128xf32>
    %slice3A_8 = vector.extract_strided_slice %add3A_6 {offsets = [0, 4, 0], sizes = [400, 4, 128], strides = [1, 1, 1]} : vector<400x8x128xf32> to vector<400x4x128xf32>
    %add3A_9 = arith.addf %slice3A_7, %slice3A_8 : vector<400x4x128xf32>
    %slice3A_10 = vector.extract_strided_slice %add3A_9 {offsets = [0, 0, 0], sizes = [400, 2, 128], strides = [1, 1, 1]} : vector<400x4x128xf32> to vector<400x2x128xf32>
    %slice3A_11 = vector.extract_strided_slice %add3A_9 {offsets = [0, 2, 0], sizes = [400, 2, 128], strides = [1, 1, 1]} : vector<400x4x128xf32> to vector<400x2x128xf32>
    %add3A_12 = arith.addf %slice3A_10, %slice3A_11 : vector<400x2x128xf32>
    %slice3A_13 = vector.extract_strided_slice %add3A_12 {offsets = [0, 0, 0], sizes = [400, 1, 128], strides = [1, 1, 1]} : vector<400x2x128xf32> to vector<400x1x128xf32>
    %slice3A_14 = vector.extract_strided_slice %add3A_12 {offsets = [0, 1, 0], sizes = [400, 1, 128], strides = [1, 1, 1]} : vector<400x2x128xf32> to vector<400x1x128xf32>
    %add3A_15 = arith.addf %slice3A_13, %slice3A_14 : vector<400x1x128xf32>
    %squeeze3A = vector.shape_cast %add3A_15 : vector<400x1x128xf32> to vector<400x128xf32>
    %swap3A = arith.constant 0 : index
    %swap3A_16 = arith.constant 0 : index
    %swap3A_17 = vector.load %arg2[%swap3A, %swap3A_16] : memref<400x128xf32, #tpu.memory_space<vmem>>, vector<400x128xf32>
    tpu.vector_store %arg2[%swap3A, %swap3A_16], %squeeze3A {strides = array<i32>} : memref<400x128xf32, #tpu.memory_space<vmem>>, vector<400x128xf32>,
    return
  }
  func.func @transform_0(%arg0: i32) -> (i32, i32, i32) {
    %add3A = arith.constant 5 : i32
    %add3A_0 = arith.addi %add3A, %arg0 : i32
    %c0_i32 = arith.constant 0 : i32
    %c0_i32_1 = arith.constant 0 : i32
    %c0_i32_2 = arith.constant 0 : i32
    return %add3A_0, %c0_i32, %c0_i32_1 : i32, i32, i32
  }
  func.func @transform_1(%arg0: i32) -> (i32, i32) {
    %add3A = arith.constant 5 : i32
    %add3A_0 = arith.addi %add3A, %arg0 : i32
    %c0_i32 = arith.constant 0 : i32
    %c0_i32_1 = arith.constant 0 : i32
    return %add3A_0, %c0_i32 : i32, i32
  }
}

</mosaic_0001>

<sc_bundles>
// kernel: _sum_children.4.cloned.1.call-start
scs
__scs_entry_jumppad:
0x0: {  	(pc) =	sbr.rel $0x88, $3  }
0x1: {  	(tag) =	ssettag $0x0;
	lr =	simm.s32 $0x1  }
0x2: {  	[smem:$0x3FA0] =	sst lr;
	_ =	strace $0xD0000000  }
0x3: {  	_ = 	snop  }
0x4: {  	_ = 	snop  }
0x5: {  	_ = 	snop  }
0x6: {  	_ = 	snop  }
0x7: {  	_ = 	snop  }
__scs_overlays_trampoline_lowered:
0x8: {  	[smem:$0x3FAF] =	sst s0  }
0x9: {  	[smem:$0x3FB0] =	sst s1  }
0xa: {  	[smem:$0x3FB1] =	sst s2  }
0xb: {  	[smem:$0x3FB2] =	sst s3  }
0xc: {  	[smem:$0x3FB3] =	sst s4  }
0xd: {  	[smem:$0x3FB4] =	sst s5  }
0xe: {  	[smem:$0x3FB5] =	sst s6  }
0xf: {  	[smem:$0x3FB6] =	sst s7  }
0x10: {  	[smem:$0x3FB7] =	sst s8  }
0x11: {  	[smem:$0x3FB8] =	sst s9;
	s0 =	simm.s32 @!p0 $0x0  }
0x12: {  	s1 =	sld [smem:$0x3F9E];
	s0 =	simm.s32 @p0 $0x1  }
0x13: {  	[smem:$0x3FB9] =	sst s0;
	s0 =	simm.s32 @!p1 $0x0  }
0x14: {  	s2 =	sld [smem:$0x3F9D];
	s0 =	simm.s32 @p1 $0x1  }
0x15: {  	[smem:$0x3FBA] =	sst s0;
	s0 =	simm.s32 @!p2 $0x0  }
0x16: {  	s3 =	sld [smem:$0x3FDB];
	s0 =	simm.s32 @p2 $0x1  }
0x17: {  	s4 =	simm.s32 $0x1BF5;
	[smem:$0x3FBC] =	sst s0  }
0x18: {  	s0 =	sld [smem:$0x3F9F];
	_ =	swait.ge [sflag:s4], $0x0  }
0x19: {  	s7 =	sld [smem:$0x3FA0]  }
0x1a: {  	s8 =	sadd.s32 $0xFFFFE003, lr  }
0x1b: {  	s9 =	sadd.s32 $0xFFFFFEF7, lr;
	s5 =	simm.s32 $0xFFFFFFFF;
	p2 =	slt.u32 s8, $0xFFFFF086  }
0x1c: {  	p1 =	slt.u32 s9, $0xF7A;
	s5 =	simm.s32 @!p2 $0x0  }
0x1d: {  	s5 =	simm.s32 @p1 $0x1;
	p0 =	seq.s32 s7, s2  }
0x1e: {  	s7 =	smul.u32 @!p0 $0xF7A, s2;
	p2 =	seq.s32 @!p0 s5, $0x0  }
0x1f: {  	s9 =	smul.u32 $0xF7A, s1;
	s8 =	simm.s32 @!p0 $0x1BF5;
	p2 =	por !p2, p0  }
0x20: {  	[sflag:s8] =	ssyncset.s32 @!p0 $0xFFFFF086;
	s6 =	sadd.s32 @!p0 s3, s7;
	s7 =	simm.s32 @!p0 $0x108  }
0x21: {  	s3 =	sadd.s32 s3, s9;
	s6 =	sadd.s32 @!p0 $0x88, s6;
	s7 =	simm.s32 @p2 $0x1082  }
0x22: {  	[simem:s7], [sflag:s8] =	dma.local @!p0 [hbm:s6], $0xF7A  }
0x23: {  	s9 =	sor.u32 $0xD0000000, s2;
	s6 =	simm.s32 $0x108;
	_ =	swait.ge @!p0 [sflag:s8], $0x0  }
0x24: {  	s3 =	sadd.s32 $0x88, s3;
	s6 =	simm.s32 @!p1 $0x1082;
	[sflag:s4] =	ssyncset.s32 $0xFFFFF086  }
0x25: {  	[simem:s6], [sflag:s4] =	dma.local [hbm:s3], $0xF7A  }
0x26: {  	[smem:$0x3FA0] =	sst s1;
	(tag) =	ssettag s2;
	_ =	strace s9  }
0x27: {  	s1 =	sld [smem:$0x3FB0]  }
0x28: {  	s2 =	sld [smem:$0x3FB1]  }
0x29: {  	s4 =	sld [smem:$0x3FB3]  }
0x2a: {  	p0 =	seq.s32 s5, $0x0;
	s5 =	sld [smem:$0x3FB4]  }
0x2b: {  	s6 =	sld [smem:$0x3FB5]  }
0x2c: {  	s7 =	sld [smem:$0x3FB6]  }
0x2d: {  	s3 =	simm.s32 $0x108;
	s8 =	sld [smem:$0x3FB7]  }
0x2e: {  	s3 =	simm.s32 @!p0 $0x1082;
	s9 =	sld [smem:$0x3FB8]  }
0x2f: {  	lr =	sadd.s32 s0, s3;
	s0 =	sld [smem:$0x3FAF]  }
0x30: {  	s3 =	sld [smem:$0x3FB2]  }
0x31: {  	[smem:$0x3FBB] =	sst s10  }
0x32: {  	s10 =	sld [smem:$0x3FB9];
	_ =	sdelay $0x3  }
0x33: {  	p0 =	seq.s32 s10, $0x1;
	s10 =	sld [smem:$0x3FBB];
	_ =	sdelay $0x3  }
0x34: {  	[smem:$0x3FBB] =	sst s10  }
0x35: {  	s10 =	sld [smem:$0x3FBA];
	_ =	sdelay $0x3  }
0x36: {  	p1 =	seq.s32 s10, $0x1;
	s10 =	sld [smem:$0x3FBB];
	_ =	sdelay $0x3  }
0x37: {  	[smem:$0x3FBB] =	sst s10  }
0x38: {  	s10 =	sld [smem:$0x3FBC]  }
0x39: {  	_ = 	snop;
	(pc) =	sbr.ind lr, $3  }
0x3a: {  	_ = 	snop  }
0x3b: {  	_ = 	snop  }
0x3c: {  	p2 =	seq.s32 s10, $0x1;
	s10 =	sld [smem:$0x3FBB]  }
0x3d: {  	_ =	shalt  }
0x3e: {  	_ =	shalt  }
0x3f: {  	_ =	shalt  }
0x40: {  	_ =	shalt  }
0x41: {  	_ =	shalt  }
0x42: {  	_ =	shalt  }
0x43: {  	_ =	shalt  }
0x44: {  	_ =	shalt  }
0x45: {  	_ =	shalt  }
0x46: {  	_ =	shalt  }
0x47: {  	_ =	shalt  }
0x48: {  	_ =	shalt  }
0x49: {  	_ =	shalt  }
0x4a: {  	_ =	shalt  }
0x4b: {  	_ =	shalt  }
0x4c: {  	_ =	shalt  }
0x4d: {  	_ =	shalt  }
0x4e: {  	_ =	shalt  }
0x4f: {  	_ =	shalt  }
0x50: {  	_ =	shalt  }
0x51: {  	_ =	shalt  }
0x52: {  	_ =	shalt  }
0x53: {  	_ =	shalt  }
0x54: {  	_ =	shalt  }
0x55: {  	_ =	shalt  }
0x56: {  	_ =	shalt  }
0x57: {  	_ =	shalt  }
0x58: {  	_ =	shalt  }
0x59: {  	_ =	shalt  }
0x5a: {  	_ =	shalt  }
0x5b: {  	_ =	shalt  }
0x5c: {  	_ =	shalt  }
0x5d: {  	_ =	shalt  }
0x5e: {  	_ =	shalt  }
0x5f: {  	_ =	shalt  }
0x60: {  	_ =	shalt  }
0x61: {  	_ =	shalt  }
0x62: {  	_ =	shalt  }
0x63: {  	_ =	shalt  }
0x64: {  	_ =	shalt  }
0x65: {  	_ =	shalt  }
0x66: {  	_ =	shalt  }
0x67: {  	_ =	shalt  }
0x68: {  	_ =	shalt  }
0x69: {  	_ =	shalt  }
0x6a: {  	_ =	shalt  }
0x6b: {  	_ =	shalt  }
0x6c: {  	_ =	shalt  }
0x6d: {  	_ =	shalt  }
0x6e: {  	_ =	shalt  }
0x6f: {  	_ =	shalt  }
0x70: {  	_ =	shalt  }
0x71: {  	_ =	shalt  }
0x72: {  	_ =	shalt  }
0x73: {  	_ =	shalt  }
0x74: {  	_ =	shalt  }
0x75: {  	_ =	shalt  }
0x76: {  	_ =	shalt  }
0x77: {  	_ =	shalt  }
0x78: {  	_ =	shalt  }
0x79: {  	_ =	shalt  }
0x7a: {  	_ =	shalt  }
0x7b: {  	_ =	shalt  }
0x7c: {  	_ =	shalt  }
0x7d: {  	_ =	shalt  }
0x7e: {  	_ =	shalt  }
0x7f: {  	_ =	shalt  }
0x80: {  	_ =	shalt  }
0x81: {  	_ =	shalt  }
0x82: {  	_ =	shalt  }
0x83: {  	_ =	shalt  }
0x84: {  	_ =	shalt  }
0x85: {  	_ =	shalt  }
0x86: {  	_ =	shalt  }
0x87: {  	_ =	shalt  }
.Lfunc_end0:
.L_simem_size_0:
called_computation_lowered:
.L_overlay_start_0:
0x88: {  	s2 =	sld [smem:$0x3FD9]  }
0x89: {  	s3 =	sld [smem:$0x3FFE];
	_ =	sdelay $0x1  }
0x8a: {  	s1 =	srdreg.scid  }
0x8b: {  	s0 =	sand.u32 $0x1, s1  }
0x8c: {  	s17 =	sshll.u32 s0, $0xA;
	s2 =	sadd.s32 s3, s2  }
0x8d: {  	s2 =	sadd.s32 s2, s17  }
0x8e: {  	[smem:$0x3FC7] =	sst s2  }
0x8f: {  	_ = 	snop  }
0x90: {  	s2 =	sld [smem:$0x3FC9];
	(tm) =	ssettm $0x1  }
0x91: {  	s18 =	sld [smem:$0x3FFB];
	_ =	sdelay $0x3  }
0x92: {  	_ =	strace s18  }
0x93: {  	s3 =	sld [smem:$0x3FFC];
	_ =	sdelay $0x3  }
0x94: {  	_ =	strace s3  }
0x95: {  	s3 =	sld [smem:$0x3FFD];
	_ =	sdelay $0x3  }
0x96: {  	_ =	strace s3  }
0x97: {  	_ =	strace $0x8FFFFFFF  }
0x98: {  	s19 =	sld [smem:$0x3FDB];
	_ =	sdelay $0x1  }
0x99: {  	s4 =	simm.s32 $_scs_section_size  }
0x9a: {  	s5 =	simm.s32 $_size__tile_overlayer_lowered;
	s6 =	simm.s32 $_tile_overlayer_lowered  }
0x9b: {  	s22 =	simm.s32 $0x1BFF;
	s21 =	sshll.u32 s6, $0x1;
	s3 =	sadd.s32 s4, s19  }
0x9c: {  	s7 =	simm.s32 $0x0;
	s20 =	sshll.u32 s5, $0x1;
	s5 =	sadd.s32 s21, s3  }
0x9d: {  	[timem:s7], [sflag:s22] =	dma.local [hbm:s5], s20  }
0x9e: {  	_ =	swait.ge [sflag:s22], s20  }
0x9f: {  	s4 =	ssub.s32 $0x0, s20;
	[sflag:s22] =	ssyncset.done $0x0  }
0xa0: {  	[sflag:s22] =	ssyncadd.s32 s4;
	_ =	sdelay $0x1  }
0xa1: {  	s23 =	simm.s32 $0x1B8B  }
0xa2: {  	_ =	swait.ge [sflag:s23], $0x1  }
0xa3: {  	[sflag:s23] =	ssyncset.done $0x0  }
0xa4: {  	s25 =	simm.s32 $0x1B8E;
	s24 =	sld [smem:$0x3FFE];
	[sflag:s23] =	ssyncadd.s32 $0xFFFFFFFF  }
0xa5: {  	s26 =	simm.s32 $execute0_lowered;
	[smem:$0x3FD2] =	sst s25  }
0xa6: {  	s5 =	sshll.u32 s26, $0x1;
	_ =	strace $0x80000046;
	[dreg:$0x1] =	wrdreg $0xFFFFFFFF  }
0xa7: {  	s28 =	simm.s32 $_size_execute0_lowered;
	s3 =	sadd.s32 s3, s5;
	[dreg:$0x0] =	wrdreg $0x0  }
0xa8: {  	s5 =	sshll.u32 s28, $0x1;
	[dreg:$0x2] =	wrdreg s3  }
0xa9: {  	[dreg:$0x3] =	wrdreg s5  }
0xaa: {  	[dreg:$0x4] =	wrdreg $0xC0  }
0xab: {  	_ =	task [dreg:s7], $0x5FFFF  }
0xac: {  	[dreg:$0x1] =	wrdreg $0xFFFFFFFF  }
0xad: {  	[dreg:$0x0] =	wrdreg $0x60  }
0xae: {  	[dreg:$0x2] =	wrdreg s2  }
0xaf: {  	[dreg:$0x3] =	wrdreg s24  }
0xb0: {  	[dreg:$0x4] =	wrdreg $0x108000  }
0xb1: {  	[dreg:$0x5] =	wrdreg $0x9  }
0xb2: {  	_ =	task.clear_ibuf [dreg:s7], $0x6FFFF;
	_ =	strace $0x90000046  }
0xb3: {  	s29 =	simm.s32 $0x9;
	_ =	strace $0x80000048  }
0xb4: {  	_ =	swait.ge [sflag:s29], $0x1  }
0xb5: {  	[sflag:s29] =	ssyncadd.s32 $0xFFFFFFFF  }
0xb6: {  	_ =	strace $0x90000048  }
0xb7: {  	_ =	sfence  }
0xb8: {  	s30 =	sld [smem:$0x0];
	_ =	sdelay $0x2  }
0xb9: {  	s31 =	sshll.u32 s1, $0xD;
	s1 =	sshrl.u32 s1, $0x2  }
0xba: {  	s3 =	sand.u32 $0x4000, s31;
	s1 =	sadd.s32 s1, s30  }
0xbb: {  	s0 =	sor.u32 s3, s0;
	s1 =	sshll.u32 s1, $0x11  }
0xbc: {  	s0 =	sor.u32 s1, s0  }
0xbd: {  	s0 =	sadd.s32 $0x8F2B, s0  }
0xbe: {  	[sflag:s0] =	ssyncadd.remote.s32 $0x1  }
0xbf: {  	_ =	sfence.sel $0xFFFF  }
0xc0: {  	[dreg:$0x0] =	wrdreg $0xFFFFFFFF;
	(pc) =	sbr.abs _section_cstart, $3  }
0xc1: {  	[dreg:$0x1] =	wrdreg $0xFFFFFFFF  }
0xc2: {  	_ =	task.clear_ibuf [dreg:s7], $0x2FFFF;
	_ =	strace $0x9FFFFFFF  }
0xc3: {  	(tm) =	ssettm $0x7FFFFFFF  }
tec
execute0_lowered:
.L_overlay_start_1:
0x0: {  	(tag) =	ssettag $0x1  }
0x1: {  	s24 =	rddreg [dreg:$0x0]  }
0x2: {  	s0 =	rddreg [dreg:$0x1]  }
0x3: {  	s2 =	rddreg [dreg:$0x2];
	s4 =	simm.s32 $0x0;
	s5 =	srdreg.scid  }
0x4: {  	s1 =	stileid.u32;
	s21 =	simm.s32 $0x8;
	s31 =	simm.s32 $0x10080  }
0x5: {  	s28 =	simm.s32 $0x2;
	s29 =	simm.s32 $0x1;
	s30 =	simm.s32 $0xA  }
0x6: {  	[smem:$0x7FF] =	sst s4;
	s5 =	sand.u32 $0x1, s5;
	s6 =	sshll.u32 s1, $0x4  }
0x7: {  	s19 =	sshll.u32 s1, $0x5;
	s22 =	sshll.u32 s1, $0xC;
	_ =	strace $0x80000047  }
0x8: {  	s7 =	ssub.s32 $0x2, s5;
	s8 =	sshll.u32 s5, $0x3;
	s5 =	sadd.s32 $0x400, s0  }
0x9: {  	s14 =	sor.u32 $0x8, s19;
	s16 =	sor.u32 $0x10, s19;
	s20 =	sor.u32 $0x18, s19;
	v0 =	vmov s19  }
0xa: {  	v32 =	vimm.f32 $0.0e+00;
	s19 =	simm.s32 $0x8000;
	s18 =	sshrl.u32 s7, $0x1;
	s6 =	sor.u32 s8, s6;
	v1 =	vor.u32 $0x1, v0  }
0xb: {  	s23 =	sshll.u32 s14, $0x7;
	s11 =	sshll.u32 s16, $0x7;
	v2 =	vor.u32 $0x2, v0;
	s25 =	sshll.u32 s20, $0x7;
	v3 =	vor.u32 $0x3, v0;
	v4 =	vor.u32 $0x4, v0  }
0xc: {  	v5 =	vor.u32 $0x5, v0;
	v6 =	vor.u32 $0x6, v0;
	v7 =	vor.u32 $0x7, v0;
	s0 =	ssub.s32 s7, s18;
	s8 =	sshll.u32 s6, $0xC;
	s10 =	sadd.s32 s23, s2  }
0xd: {  	v8 =	vmov s14;
	v14 =	vmov s16;
	v20 =	vmov s20;
	s11 =	sadd.s32 s11, s2;
	s12 =	sadd.s32 s25, s2;
	s13 =	sadd.s32 $0x3FFFFE, s6  }
0xe: {  	s26 =	sshll.u32 s6, $0x7;
	s14 =	sadd.s32 $0x3FFFFF, s6;
	v9 =	vor.u32 $0x1, v8;
	v10 =	vor.u32 $0x2, v8;
	v11 =	vor.u32 $0x3, v8;
	s15 =	sadd.s32 s24, s8  }
0xf: {  	v12 =	vor.u32 $0x4, v8;
	v13 =	vor.u32 $0x5, v8;
	v15 =	vor.u32 $0x6, v8;
	s25 =	simm.s32 $0x4000;
	s0 =	smax.u32 s0, $0x1;
	[dreg:$0x4] =	wrdreg s15  }
0x10: {  	v16 =	vor.u32 $0x7, v8;
	v17 =	vor.u32 $0x1, v14;
	v18 =	vor.u32 $0x2, v14;
	s7 =	sadd.s32 s26, s5;
	s9 =	sadd.s32 $0x1000, s15;
	[dreg:$0x8] =	wrdreg s0  }
0x11: {  	v19 =	vor.u32 $0x3, v14;
	v21 =	vor.u32 $0x4, v14;
	v22 =	vor.u32 $0x5, v14;
	s26 =	simm.s32 $0x3;
	s17 =	sadd.s32 $0x300, s7;
	[dreg:$0x5] =	wrdreg s9  }
0x12: {  	v23 =	vor.u32 $0x6, v14;
	v24 =	vor.u32 $0x7, v14;
	v25 =	vor.u32 $0x1, v20;
	s8 =	simm.s32 $0xB;
	s7 =	sadd.s32 $0x380, s7;
	[dreg:$0x6] =	wrdreg s17  }
0x13: {  	v26 =	vor.u32 $0x2, v20;
	v27 =	vor.u32 $0x3, v20;
	v28 =	vor.u32 $0x4, v20;
	s15 =	sadd.s32 $0x4000, s15;
	s9 =	sadd.s32 s22, s2;
	[dreg:$0x7] =	wrdreg s7  }
0x14: {  	v29 =	vor.u32 $0x5, v20;
	v30 =	vor.u32 $0x6, v20;
	v31 =	vor.u32 $0x7, v20;
	s22 =	simm.s32 $0x80;
	s17 =	simm.s32 $0x10000;
	s7 =	simm.s32 $0x0  }
.LBB2_1:
0x15: {  	[tilespmem:$0x10000] =	vst v0  }
0x16: {  	[tilespmem:$0x10010] =	vst v0  }
0x17: {  	[tilespmem:$0x10020] =	vst v1  }
0x18: {  	[tilespmem:$0x10030] =	vst v1  }
0x19: {  	[tilespmem:$0x10040] =	vst v2  }
0x1a: {  	[tilespmem:$0x10050] =	vst v2  }
0x1b: {  	[tilespmem:$0x10060] =	vst v3  }
0x1c: {  	[tilespmem:$0x10070] =	vst v3  }
0x1d: {  	[tilespmem:$0x10080] =	vst v4  }
0x1e: {  	[tilespmem:$0x10090] =	vst v4  }
0x1f: {  	[tilespmem:$0x100A0] =	vst v5  }
0x20: {  	[tilespmem:$0x100B0] =	vst v5  }
0x21: {  	[tilespmem:$0x100C0] =	vst v6  }
0x22: {  	[tilespmem:$0x100D0] =	vst v6  }
0x23: {  	[tilespmem:$0x100E0] =	vst v7  }
0x24: {  	[tilespmem:$0x100F0] =	vst v7  }
0x25: {  	[tilespmem:$0x10100] =	vst v8  }
0x26: {  	[tilespmem:$0x10110] =	vst v8  }
0x27: {  	[tilespmem:$0x10120] =	vst v9  }
0x28: {  	[tilespmem:$0x10130] =	vst v9  }
0x29: {  	[tilespmem:$0x10140] =	vst v10  }
0x2a: {  	[tilespmem:$0x10150] =	vst v10  }
0x2b: {  	[tilespmem:$0x10160] =	vst v11  }
0x2c: {  	[tilespmem:$0x10170] =	vst v11  }
0x2d: {  	[tilespmem:$0x10180] =	vst v12  }
0x2e: {  	[tilespmem:$0x10190] =	vst v12  }
0x2f: {  	[tilespmem:$0x101A0] =	vst v13  }
0x30: {  	[tilespmem:$0x101B0] =	vst v13  }
0x31: {  	[tilespmem:$0x101C0] =	vst v15  }
0x32: {  	[tilespmem:$0x101D0] =	vst v15  }
0x33: {  	[tilespmem:$0x101E0] =	vst v16  }
0x34: {  	[tilespmem:$0x101F0] =	vst v16  }
0x35: {  	[tilespmem:$0x10200] =	vst v14  }
0x36: {  	[tilespmem:$0x10210] =	vst v14  }
0x37: {  	[tilespmem:$0x10220] =	vst v17  }
0x38: {  	[tilespmem:$0x10230] =	vst v17  }
0x39: {  	[tilespmem:$0x10240] =	vst v18  }
0x3a: {  	[tilespmem:$0x10250] =	vst v18  }
0x3b: {  	[tilespmem:$0x10260] =	vst v19  }
0x3c: {  	[tilespmem:$0x10270] =	vst v19  }
0x3d: {  	[tilespmem:$0x10280] =	vst v21  }
0x3e: {  	[tilespmem:$0x10290] =	vst v21  }
0x3f: {  	[tilespmem:$0x102A0] =	vst v22  }
0x40: {  	[tilespmem:$0x102B0] =	vst v22  }
0x41: {  	[tilespmem:$0x102C0] =	vst v23  }
0x42: {  	[tilespmem:$0x102D0] =	vst v23  }
0x43: {  	[tilespmem:$0x102E0] =	vst v24  }
0x44: {  	[tilespmem:$0x102F0] =	vst v24  }
0x45: {  	[tilespmem:$0x10300] =	vst v20  }
0x46: {  	[tilespmem:$0x10310] =	vst v20  }
0x47: {  	[tilespmem:$0x10320] =	vst v25  }
0x48: {  	[tilespmem:$0x10330] =	vst v25  }
0x49: {  	[tilespmem:$0x10340] =	vst v26  }
0x4a: {  	[tilespmem:$0x10350] =	vst v26  }
0x4b: {  	[tilespmem:$0x10360] =	vst v27  }
0x4c: {  	[tilespmem:$0x10370] =	vst v27  }
0x4d: {  	[tilespmem:$0x10380] =	vst v28  }
0x4e: {  	[tilespmem:$0x10390] =	vst v28  }
0x4f: {  	[tilespmem:$0x103A0] =	vst v29  }
0x50: {  	[tilespmem:$0x103B0] =	vst v29  }
0x51: {  	[tilespmem:$0x103C0] =	vst v30  }
0x52: {  	[tilespmem:$0x103D0] =	vst v30  }
0x53: {  	[tilespmem:$0x103E0] =	vst v31  }
0x54: {  	[tilespmem:$0x103F0] =	vst v31  }
0x55: {  	[tilespmem:$0x10400] =	vst v32  }
0x56: {  	[tilespmem:$0x10410] =	vst v32  }
0x57: {  	[tilespmem:$0x10420] =	vst v32  }
0x58: {  	[tilespmem:$0x10430] =	vst v32  }
0x59: {  	[tilespmem:$0x10440] =	vst v32  }
0x5a: {  	[tilespmem:$0x10450] =	vst v32  }
0x5b: {  	[tilespmem:$0x10460] =	vst v32  }
0x5c: {  	[tilespmem:$0x10470] =	vst v32  }
0x5d: {  	[tilespmem:$0x10480] =	vst v32  }
0x5e: {  	[tilespmem:$0x10490] =	vst v32  }
0x5f: {  	[tilespmem:$0x104A0] =	vst v32  }
0x60: {  	[tilespmem:$0x104B0] =	vst v32  }
0x61: {  	[tilespmem:$0x104C0] =	vst v32  }
0x62: {  	[tilespmem:$0x104D0] =	vst v32  }
0x63: {  	[tilespmem:$0x104E0] =	vst v32  }
0x64: {  	[tilespmem:$0x104F0] =	vst v32  }
0x65: {  	[tilespmem:$0x10500] =	vst v32  }
0x66: {  	[tilespmem:$0x10510] =	vst v32  }
0x67: {  	[tilespmem:$0x10520] =	vst v32  }
0x68: {  	[tilespmem:$0x10530] =	vst v32  }
0x69: {  	[tilespmem:$0x10540] =	vst v32  }
0x6a: {  	[tilespmem:$0x10550] =	vst v32  }
0x6b: {  	[tilespmem:$0x10560] =	vst v32  }
0x6c: {  	[tilespmem:$0x10570] =	vst v32  }
0x6d: {  	[tilespmem:$0x10580] =	vst v32  }
0x6e: {  	[tilespmem:$0x10590] =	vst v32  }
0x6f: {  	[tilespmem:$0x105A0] =	vst v32  }
0x70: {  	[tilespmem:$0x105B0] =	vst v32  }
0x71: {  	[tilespmem:$0x105C0] =	vst v32  }
0x72: {  	[tilespmem:$0x105D0] =	vst v32  }
0x73: {  	[tilespmem:$0x105E0] =	vst v32  }
0x74: {  	[tilespmem:$0x105F0] =	vst v32  }
0x75: {  	[tilespmem:$0x10600] =	vst v32  }
0x76: {  	[tilespmem:$0x10610] =	vst v32  }
0x77: {  	[tilespmem:$0x10620] =	vst v32  }
0x78: {  	[tilespmem:$0x10630] =	vst v32  }
0x79: {  	[tilespmem:$0x10640] =	vst v32  }
0x7a: {  	[tilespmem:$0x10650] =	vst v32  }
0x7b: {  	[tilespmem:$0x10660] =	vst v32  }
0x7c: {  	[tilespmem:$0x10670] =	vst v32  }
0x7d: {  	[tilespmem:$0x10680] =	vst v32  }
0x7e: {  	[tilespmem:$0x10690] =	vst v32  }
0x7f: {  	[tilespmem:$0x106A0] =	vst v32  }
0x80: {  	[tilespmem:$0x106B0] =	vst v32  }
0x81: {  	[tilespmem:$0x106C0] =	vst v32  }
0x82: {  	[tilespmem:$0x106D0] =	vst v32  }
0x83: {  	[tilespmem:$0x106E0] =	vst v32  }
0x84: {  	[tilespmem:$0x106F0] =	vst v32  }
0x85: {  	[tilespmem:$0x10700] =	vst v32  }
0x86: {  	[tilespmem:$0x10710] =	vst v32  }
0x87: {  	[tilespmem:$0x10720] =	vst v32  }
0x88: {  	[tilespmem:$0x10730] =	vst v32  }
0x89: {  	[tilespmem:$0x10740] =	vst v32  }
0x8a: {  	[tilespmem:$0x10750] =	vst v32  }
0x8b: {  	[tilespmem:$0x10760] =	vst v32  }
0x8c: {  	[tilespmem:$0x10770] =	vst v32  }
0x8d: {  	[tilespmem:$0x10780] =	vst v32  }
0x8e: {  	[tilespmem:$0x10790] =	vst v32  }
0x8f: {  	[tilespmem:$0x107A0] =	vst v32  }
0x90: {  	[tilespmem:$0x107B0] =	vst v32  }
0x91: {  	[tilespmem:$0x107C0] =	vst v32  }
0x92: {  	[tilespmem:$0x107D0] =	vst v32  }
0x93: {  	[tilespmem:$0x107E0] =	vst v32  }
0x94: {  	[tilespmem:$0x107F0] =	vst v32;
	s0 =	rddreg [dreg:$0x4]  }
0x95: {  	[tilespmem:s4], [sflag:$0x1] =	stream.linear.gather [hbm4b:s0+s4], $0x8000, $0x38;
	[tilespmem:$0x11800] =	vst v63  }
0x96: {  	s20 =	rddreg [dreg:$0x5]  }
0x97: {  	[tilespmem:s19], [sflag:$0x2] =	stream.linear.gather [hbm4b:s20+s4], $0x8000, $0x38;
	[tilespmem:$0x11800] =	vst v63  }
0x98: {  	s23 =	simm.s32 $0x10400  }
0x99: {  	[spmem:s9] =	stream.linear.scatter [tilespmem:s23], [sflag:$0x8], $0x400, $0x38;
	[tilespmem:$0x11800] =	vst v63  }
0x9a: {  	_ = 	snop  }
0x9b: {  	[spmem:s10] =	stream.linear.scatter [tilespmem:s23], [sflag:$0x9], $0x400, $0x38;
	[tilespmem:$0x11800] =	vst v63  }
0x9c: {  	_ = 	snop  }
0x9d: {  	[spmem:s11] =	stream.linear.scatter [tilespmem:s23], [sflag:$0xA], $0x400, $0x38;
	[tilespmem:$0x11800] =	vst v63  }
0x9e: {  	[dreg:$0x9] =	wrdreg s7;
	p1 =	por $0x1, $0x1;
	s20 =	simm.s32 $0x0  }
0x9f: {  	[spmem:s12] =	stream.linear.scatter [tilespmem:s23], [sflag:$0xB], $0x400, $0x38;
	[tilespmem:$0x11800] =	vst v63  }
.LBB2_2:
0xa0: {  	s18 =	simm.s32 @!p1 $0x3  }
0xa1: {  	_ =	swait.ge @!p1 [sflag:s18], $0x4000  }
0xa2: {  	[sflag:s18] =	ssyncset.done @!p1 $0x0  }
0xa3: {  	[sflag:s18] =	ssyncadd.s32 @!p1 $0xFFFFC000  }
0xa4: {  	s23 =	sor.u32 @!p1 s6, s20;
	_ =	swait.ge @!p1 [sflag:s18], $0x4000  }
0xa5: {  	s23 =	sshll.u32 @!p1 s23, $0xC;
	[sflag:s18] =	ssyncset.done @!p1 $0x0  }
0xa6: {  	[sflag:s18] =	ssyncadd.s32 @!p1 $0xFFFFC000;
	s18 =	sadd.s32 @!p1 s23, s24  }
0xa7: {  	s3 =	simm.s32 @!p1 $0x8000;
	s23 =	simm.s32 @!p1 $0x0;
	s18 =	sadd.s32 @!p1 $0x1000, s18  }
0xa8: {  	[tilespmem:s3], [sflag:$0x2] =	stream.linear.gather @!p1 [hbm4b:s18+s23], $0x8000, $0x38;
	[tilespmem:$0x11800] =	vst v63  }
0xa9: {  	s18 =	simm.s32 @!p1 $0x1  }
0xaa: {  	_ =	swait.ge @!p1 [sflag:s18], $0x8000  }
0xab: {  	[sflag:s18] =	ssyncset.done @!p1 $0x0  }
0xac: {  	[sflag:s18] =	ssyncadd.s32 @!p1 $0xFFFF8000;
	s18 =	simm.s32 @!p1 $0x5  }
0xad: {  	_ =	swait.ge @!p1 [sflag:s18], $0x80  }
0xae: {  	[sflag:s18] =	ssyncset.done @!p1 $0x0  }
0xaf: {  	s23 =	simm.s32 @p1 $0x1;
	[sflag:s18] =	ssyncadd.s32 @!p1 $0xFFFFFF80;
	s18 =	simm.s32 @!p1 $0x10400  }
0xb0: {  	[spmem:s10] =	stream.linear.scatter @!p1 [tilespmem:s18], [sflag:$0x9], $0x400, $0x38;
	[tilespmem:$0x11800] =	vst v63  }
0xb1: {  	_ =	swait.ge @p1 [sflag:s23], $0x8000  }
0xb2: {  	[sflag:s23] =	ssyncset.done @p1 $0x0  }
0xb3: {  	[sflag:s23] =	ssyncadd.s32 @p1 $0xFFFF8000  }
0xb4: {  	_ =	swait.ge [sflag:s21], $0x400  }
0xb5: {  	[sflag:s21] =	ssyncset.done $0x0  }
0xb6: {  	s23 =	sadd.s32 @!p1 s20, s13;
	[sflag:s21] =	ssyncadd.s32 $0xFFFFFC00  }
0xb7: {  	[spmem:s2] =	stream.indirect.scatter.add.f32 [tilespmem:s4], [sflag:$0x3], $0x80, s17, s22, $0xb8;
	[tilespmem:$0x11800] =	vst v63  }
0xb8: {  	s0 =	stileid.u32;
	s23 =	sshll.u32 @!p1 s23, $0x7  }
0xb9: {  	[spmem:s2] =	stream.indirect.scatter.add.f32 [tilespmem:s25], [sflag:$0x3], $0x80, s31, s22, $0xb8;
	[tilespmem:$0x11800] =	vst v63  }
0xba: {  	s23 =	sand.u32 @!p1 $0x1FFFFF00, s23;
	s31 =	sshll.u32 @!p1 s0, $0x6  }
0xbb: {  	s7 =	sshrl.u32 @!p1 s11, $0x3;
	s23 =	sadd.s32 @!p1 s5, s23;
	s0 =	sor.u32 @!p1 $0x1C06, s31  }
0xbc: {  	[hbm:s23], [sflag:s0] =	dma.local @!p1 [spmem:s7], $0x80  }
0xbd: {  	_ =	swait.ge [sflag:s26], $0x4000  }
0xbe: {  	[sflag:s26] =	ssyncset.done $0x0  }
0xbf: {  	s23 =	sor.u32 s6, s20;
	[sflag:s26] =	ssyncadd.s32 $0xFFFFC000  }
0xc0: {  	s16 =	sshll.u32 s23, $0xC;
	_ =	swait.ge [sflag:s26], $0x4000  }
0xc1: {  	s0 =	sadd.s32 s16, s24;
	[sflag:s26] =	ssyncset.done $0x0  }
0xc2: {  	s17 =	sadd.s32 $0x2000, s0;
	[sflag:s26] =	ssyncadd.s32 $0xFFFFC000  }
0xc3: {  	[tilespmem:s4], [sflag:$0x1] =	stream.linear.gather [hbm4b:s17+s4], $0x8000, $0x38;
	[tilespmem:$0x11800] =	vst v63  }
0xc4: {  	_ =	swait.ge [sflag:s28], $0x8000  }
0xc5: {  	[sflag:s28] =	ssyncset.done $0x0  }
0xc6: {  	s7 =	simm.s32 @p1 $0x9;
	[sflag:s28] =	ssyncadd.s32 $0xFFFF8000  }
0xc7: {  	_ =	swait.ge @p1 [sflag:s7], $0x400  }
0xc8: {  	s16 =	simm.s32 @p1 $0x10100;
	[sflag:s7] =	ssyncset.done @p1 $0x0  }
0xc9: {  	s17 =	simm.s32 @p1 $0x8000;
	[sflag:s7] =	ssyncadd.s32 @p1 $0xFFFFFC00;
	s7 =	simm.s32 @p1 $0x80  }
0xca: {  	[spmem:s2] =	stream.indirect.scatter.add.f32 @p1 [tilespmem:s17], [sflag:$0x3], $0x80, s16, s7, $0xb8;
	[tilespmem:$0x11800] =	vst v63  }
0xcb: {  	s16 =	simm.s32 @p1 $0x10180;
	s17 =	simm.s32 @p1 $0xC000  }
0xcc: {  	[spmem:s2] =	stream.indirect.scatter.add.f32 @p1 [tilespmem:s17], [sflag:$0x3], $0x80, s16, s7, $0xb8;
	[tilespmem:$0x11800] =	vst v63  }
0xcd: {  	s7 =	simm.s32 @!p1 $0x6  }
0xce: {  	_ =	swait.ge @!p1 [sflag:s7], $0x80  }
0xcf: {  	[sflag:s7] =	ssyncset.done @!p1 $0x0  }
0xd0: {  	[sflag:s7] =	ssyncadd.s32 @!p1 $0xFFFFFF80;
	s7 =	simm.s32 @!p1 $0x9  }
0xd1: {  	[spmem:s11] =	stream.linear.scatter @!p1 [tilespmem:s18], [sflag:$0xA], $0x400, $0x38;
	[tilespmem:$0x11800] =	vst v63  }
0xd2: {  	_ =	swait.ge @!p1 [sflag:s7], $0x400  }
0xd3: {  	[sflag:s7] =	ssyncset.done @!p1 $0x0  }
0xd4: {  	s16 =	simm.s32 @!p1 $0x10100;
	[sflag:s7] =	ssyncadd.s32 @!p1 $0xFFFFFC00;
	s7 =	simm.s32 @!p1 $0x80  }
0xd5: {  	[spmem:s2] =	stream.indirect.scatter.add.f32 @!p1 [tilespmem:s3], [sflag:$0x3], $0x80, s16, s7, $0xb8;
	[tilespmem:$0x11800] =	vst v63  }
0xd6: {  	s17 =	simm.s32 @!p1 $0xC000;
	s16 =	simm.s32 @!p1 $0x10180  }
0xd7: {  	[spmem:s2] =	stream.indirect.scatter.add.f32 @!p1 [tilespmem:s17], [sflag:$0x3], $0x80, s16, s7, $0xb8;
	[tilespmem:$0x11800] =	vst v63  }
0xd8: {  	s7 =	sadd.s32 @!p1 s20, s14  }
0xd9: {  	s7 =	sshll.u32 @!p1 s7, $0x7  }
0xda: {  	s7 =	sand.u32 @!p1 $0x1FFFFF80, s7  }
0xdb: {  	s16 =	sor.u32 @!p1 $0x1C07, s31;
	s17 =	sshrl.u32 @!p1 s12, $0x3;
	s7 =	sadd.s32 @!p1 s5, s7  }
0xdc: {  	[hbm:s7], [sflag:s16] =	dma.local @!p1 [spmem:s17], $0x80  }
0xdd: {  	_ =	swait.ge [sflag:s26], $0x4000  }
0xde: {  	[sflag:s26] =	ssyncset.done $0x0  }
0xdf: {  	[sflag:s26] =	ssyncadd.s32 $0xFFFFC000  }
0xe0: {  	_ =	swait.ge [sflag:s26], $0x4000  }
0xe1: {  	[sflag:s26] =	ssyncset.done $0x0  }
0xe2: {  	s0 =	sadd.s32 $0x3000, s0;
	[sflag:s26] =	ssyncadd.s32 $0xFFFFC000  }
0xe3: {  	[tilespmem:s19], [sflag:$0x2] =	stream.linear.gather [hbm4b:s0+s4], $0x8000, $0x38;
	[tilespmem:$0x11800] =	vst v63  }
0xe4: {  	_ =	swait.ge [sflag:s29], $0x8000  }
0xe5: {  	[sflag:s29] =	ssyncset.done $0x0  }
0xe6: {  	s0 =	simm.s32 @!p1 $0x7;
	[sflag:s29] =	ssyncadd.s32 $0xFFFF8000  }
0xe7: {  	_ =	swait.ge @!p1 [sflag:s0], $0x80  }
0xe8: {  	[sflag:s0] =	ssyncset.done @!p1 $0x0  }
0xe9: {  	[sflag:s0] =	ssyncadd.s32 @!p1 $0xFFFFFF80  }
0xea: {  	[spmem:s12] =	stream.linear.scatter @!p1 [tilespmem:s18], [sflag:$0xB], $0x400, $0x38;
	[tilespmem:$0x11800] =	vst v63  }
0xeb: {  	_ =	swait.ge [sflag:s30], $0x400  }
0xec: {  	[sflag:s30] =	ssyncset.done $0x0  }
0xed: {  	s3 =	simm.s32 $0x10200;
	[sflag:s30] =	ssyncadd.s32 $0xFFFFFC00  }
0xee: {  	[spmem:s2] =	stream.indirect.scatter.add.f32 [tilespmem:s4], [sflag:$0x3], $0x80, s3, s22, $0xb8;
	[tilespmem:$0x11800] =	vst v63  }
0xef: {  	s18 =	simm.s32 $0x10280;
	s3 =	stileid.u32  }
0xf0: {  	[spmem:s2] =	stream.indirect.scatter.add.f32 [tilespmem:s25], [sflag:$0x3], $0x80, s18, s22, $0xb8;
	[tilespmem:$0x11800] =	vst v63  }
0xf1: {  	s0 =	sshll.u32 s23, $0x7;
	s18 =	sshll.u32 s3, $0x6  }
0xf2: {  	s17 =	sshrl.u32 s9, $0x3;
	s7 =	sadd.s32 s5, s0;
	s16 =	sor.u32 $0x1C04, s18  }
0xf3: {  	[hbm:s7], [sflag:s16] =	dma.local [spmem:s17], $0x80  }
0xf4: {  	_ =	swait.ge [sflag:s26], $0x4000  }
0xf5: {  	[sflag:s26] =	ssyncset.done $0x0  }
0xf6: {  	[sflag:s26] =	ssyncadd.s32 $0xFFFFC000  }
0xf7: {  	_ =	swait.ge [sflag:s26], $0x4000  }
0xf8: {  	[sflag:s26] =	ssyncset.done $0x0  }
0xf9: {  	s7 =	simm.s32 @!p1 $0x2;
	[sflag:s26] =	ssyncadd.s32 $0xFFFFC000  }
0xfa: {  	_ =	swait.ge @!p1 [sflag:s7], $0x8000  }
0xfb: {  	[sflag:s7] =	ssyncset.done @!p1 $0x0  }
0xfc: {  	[sflag:s7] =	ssyncadd.s32 @!p1 $0xFFFF8000;
	s7 =	simm.s32 @!p1 $0x4  }
0xfd: {  	_ =	swait.ge @!p1 [sflag:s7], $0x80  }
0xfe: {  	[sflag:s7] =	ssyncset.done @!p1 $0x0  }
0xff: {  	[sflag:s7] =	ssyncadd.s32 @!p1 $0xFFFFFF80;
	s7 =	simm.s32 @p1 $0x0  }
0x100: {  	[tilespmem:s7], [sflag:$0x1] =	stream.linear.gather @p1 [hbm4b:s15+s7], $0x8000, $0x38;
	[tilespmem:$0x11800] =	vst v63  }
0x101: {  	s7 =	simm.s32 @p1 $0x2  }
0x102: {  	_ =	swait.ge @p1 [sflag:s7], $0x8000  }
0x103: {  	[sflag:s7] =	ssyncset.done @p1 $0x0  }
0x104: {  	[sflag:s7] =	ssyncadd.s32 @p1 $0xFFFF8000;
	s7 =	simm.s32 @p1 $0x4  }
0x105: {  	_ =	swait.ge @p1 [sflag:s7], $0x80  }
0x106: {  	[sflag:s7] =	ssyncset.done @p1 $0x0  }
0x107: {  	[sflag:s7] =	ssyncadd.s32 @p1 $0xFFFFFF80;
	s7 =	simm.s32 @p1 $0x10400  }
0x108: {  	[spmem:s9] =	stream.linear.scatter @p1 [tilespmem:s7], [sflag:$0x8], $0x400, $0x38;
	[tilespmem:$0x11800] =	vst v63  }
0x109: {  	_ =	swait.ge [sflag:s8], $0x400  }
0x10a: {  	p0 =	por p1, p1;
	s1 =	simm.s32 $0xC000;
	[sflag:s8] =	ssyncset.done $0x0  }
0x10b: {  	s31 =	simm.s32 $0x10080;
	s20 =	simm.s32 $0x10300;
	[sflag:s8] =	ssyncadd.s32 $0xFFFFFC00  }
0x10c: {  	[spmem:s2] =	stream.indirect.scatter.add.f32 [tilespmem:s19], [sflag:$0x3], $0x80, s20, s22, $0xb8;
	[tilespmem:$0x11800] =	vst v63  }
.Ltmp0:
0x10d: {  	s23 =	simm.s32 $0x10380;
	s0 =	sadd.s32 s0, s5;
	(pc) =	sbr.rel @p0 .LBB2_2-.Ltmp0, $4  }
0x10e: {  	[spmem:s2] =	stream.indirect.scatter.add.f32 [tilespmem:s1], [sflag:$0x3], $0x80, s23, s22, $0xb8;
	[tilespmem:$0x11800] =	vst v63  }
0x10f: {  	s0 =	sadd.s32 $0x80, s0;
	s20 =	sor.u32 $0x1C05, s18;
	s23 =	sshrl.u32 s10, $0x3  }
0x110: {  	[hbm:s0], [sflag:s20] =	dma.local [spmem:s23], $0x80  }
0x111: {  	s17 =	simm.s32 $0x10000;
	p1 =	por $0x0, $0x0;
	s20 =	simm.s32 $0x4  }
0x112: {  	_ =	swait.ge [sflag:s26], $0x4000  }
0x113: {  	[sflag:s26] =	ssyncset.done $0x0  }
0x114: {  	[sflag:s26] =	ssyncadd.s32 $0xFFFFC000  }
0x115: {  	_ =	swait.ge [sflag:s26], $0x4000  }
0x116: {  	[sflag:s26] =	ssyncset.done $0x0  }
0x117: {  	[sflag:s26] =	ssyncadd.s32 $0xFFFFC000  }
0x118: {  	_ =	sdelay $0x7ff  }
0x119: {  	_ =	sdelay $0x7ff  }
0x11a: {  	_ =	sdelay $0x5ad  }
0x11b: {  	s0 =	sor.u32 $0x1C06, s18;
	s7 =	sshrl.u32 s11, $0x3;
	s16 =	rddreg [dreg:$0x6]  }
0x11c: {  	[hbm:s16], [sflag:s0] =	dma.local [spmem:s7], $0x80  }
0x11d: {  	s23 =	sor.u32 $0x1C07, s18;
	s1 =	sshrl.u32 s12, $0x3;
	s16 =	rddreg [dreg:$0x7]  }
0x11e: {  	[hbm:s16], [sflag:s23] =	dma.local [spmem:s1], $0x80  }
0x11f: {  	s16 =	simm.s32 $0x5  }
0x120: {  	_ =	swait.ge [sflag:s16], $0x80  }
0x121: {  	[sflag:s16] =	ssyncset.done $0x0  }
0x122: {  	s18 =	simm.s32 $0x6;
	[sflag:s16] =	ssyncadd.s32 $0xFFFFFF80  }
0x123: {  	_ =	swait.ge [sflag:s18], $0x80  }
0x124: {  	[sflag:s18] =	ssyncset.done $0x0  }
0x125: {  	s1 =	simm.s32 $0x7;
	[sflag:s18] =	ssyncadd.s32 $0xFFFFFF80  }
0x126: {  	_ =	swait.ge [sflag:s1], $0x80  }
0x127: {  	s20 =	rddreg [dreg:$0x9]  }
0x128: {  	s23 =	rddreg [dreg:$0x8];
	s7 =	sadd.s32 $0x1, s20  }
0x129: {  	p0 =	sne.s32 s7, s23  }
.Ltmp1:
0x12a: {  	_ = 	snop;
	(pc) =	sbr.rel @p0 .LBB2_1-.Ltmp1, $3  }
0x12b: {  	_ =	sdelay $0x1  }
0x12c: {  	[sflag:s1] =	ssyncset.done $0x0  }
0x12d: {  	[sflag:s1] =	ssyncadd.s32 $0xFFFFFF80  }
0x12e: {  	_ =	sfence.sel $0x180000  }
0x12f: {  	[bflag:$0x0] =	sbarrier.arrive $0xFFFF  }
0x130: {  	_ =	strace $0x90000047  }
0x131: {  	[bflag:$0x2] =	sbarrier.arrive $0xFFFF  }
0x132: {  	p0 =	sne.s32 s3, $0x0;
	s0 =	rddreg [dreg:$0x3]  }
0x133: {  	s0 =	sadd.s32 @!p0 $0x100000, s0  }
0x134: {  	[sflag:s0] =	ssyncadd.tile.s32 @!p0 $0x1;
	_ =	shalt  }
.Lfunc_end2:
_tile_overlayer_lowered:
.L_overlay_start_2:
0x135: {  	(tag) =	ssettag $0x2  }
0x136: {  	s0 =	rddreg [dreg:$0x0];
	s2 =	stileid.u32  }
0x137: {  	s1 =	rddreg [dreg:$0x1];
	p0 =	sne.s32 s2, $0x0  }
0x138: {  	s3 =	rddreg [dreg:$0x2];
	[bflag:$0x3] =	sbarrier.arrive $0xFFFF;
	s2 =	simm.s32 @!p0 $0x1C0C  }
0x139: {  	[timem:s3], [sflag:s2] =	dma.local @!p0 [hbm:s0], s1  }
0x13a: {  	s0 =	simm.s32 @!p0 $0xC  }
0x13b: {  	_ =	swait.ge @!p0 [sflag:s0], s1  }
0x13c: {  	s1 =	ssub.s32 @!p0 $0x0, s1;
	[sflag:s0] =	ssyncset.done @!p0 $0x0  }
0x13d: {  	[sflag:s0] =	ssyncadd.s32 @!p0 s1  }
0x13e: {  	[bflag:$0x3] =	sbarrier.arrive $0xFFFF  }
0x13f: {  	_ =	shalt  }

</sc_bundles>
